<compile_context>
chip_gen: v7x
topology: tpu7x:2x2x1
jax: 0.10.2.dev20260603
libtpu: 0.0.44.dev20260713+nightly
codegen_flags: <defaults>
</compile_context>

<pallas_src>
import functools

import jax
import jax.numpy as jnp
from jax import lax
from jax.experimental import pallas as pl
from jax.experimental.pallas import tpu as pltpu
from jax.experimental.pallas import tpu_sc as plsc

B = 16384
D = 128
H1, H2, H3 = 64, 32, 16
L = 16
NC = 2
NS = 16
NW = NC * NS
BPW = B // NW
CHUNK = 128
NCHUNK = BPW // CHUNK
NK = D // L



def _sc_gather_body(uids, iids, tug, tig, tum, tim, wpg,
                    ogp, oum, oim,
                    idx_u, idx_i, a0, a1, b0, b1, c0, c1, p0, wg_v,
                    sa0, sa1, sb0, sb1, sc0, sc1, spw0, spw1, swc0, swc1, six):
    wid = lax.axis_index("s") * NC + lax.axis_index("c")
    base = wid * BPW
    early, late = [], []
    for c in range(2):
        early.append(pltpu.async_copy(
            uids.at[pl.ds(base + c * CHUNK, CHUNK)], idx_u.at[c], six))
        early.append(pltpu.async_copy(
            iids.at[pl.ds(base + c * CHUNK, CHUNK)], idx_i.at[c], six))
    late.append(pltpu.async_copy(wpg, wg_v, six))
    for c in range(2, NCHUNK):
        late.append(pltpu.async_copy(
            uids.at[pl.ds(base + c * CHUNK, CHUNK)], idx_u.at[c], six))
        late.append(pltpu.async_copy(
            iids.at[pl.ds(base + c * CHUNK, CHUNK)], idx_i.at[c], six))
    for cp in early:
        cp.wait()

    abufs = (a0, a1)
    bbufs = (b0, b1)
    cbufs = (c0, c1)
    sa = (sa0, sa1)
    sb = (sb0, sb1)
    sc = (sc0, sc1)
    spw = (spw0, spw1)
    swc = (swc0, swc1)

    ga = [None, None]
    gb = [None, None]
    gc = [None, None]
    pw = [None]
    wc = [None, None]
    for g in (0, 1):
        ga[g] = pltpu.async_copy(tug.at[idx_u.at[g]], abufs[g], sa[g])
        gb[g] = pltpu.async_copy(tig.at[idx_i.at[g]], bbufs[g], sb[g])
    for cp in late:
        cp.wait()
    wg = [wg_v[pl.ds(k * L, L)] for k in range(NK)]

    mlp_tasks = ([(tum, oum, idx_u, c) for c in range(NCHUNK)]
                 + [(tim, oim, idx_i, c) for c in range(NCHUNK)])
    prev = None
    for k, (tbl, out, idx, c) in enumerate(mlp_tasks):
        slot = k % 2
        if wc[slot] is not None:
            wc[slot].wait()
        gc[slot] = pltpu.async_copy(tbl.at[idx.at[c]], cbufs[slot], sc[slot])
        if prev is not None:
            ps, pout, prow = prev
            gc[ps].wait()
            wc[ps] = pltpu.async_copy(cbufs[ps], pout.at[pl.ds(prow, CHUNK)],
                                      swc[ps])
        prev = (slot, out, base + c * CHUNK)
        if k % 2 == 1:
            g = k // 2
            gs = g % 2
            ga[gs].wait()
            gb[gs].wait()
            if pw[0] is not None:
                pw[0].wait()
            a_ref, b_ref, p_ref = abufs[gs], bbufs[gs], p0

            def row_body(i, _, a_ref=a_ref, b_ref=b_ref, p_ref=p_ref):
                acc = a_ref[i, pl.ds(0, L)] * b_ref[i, pl.ds(0, L)] * wg[0]
                for kk in range(1, NK):
                    acc = acc + (a_ref[i, pl.ds(kk * L, L)]
                                 * b_ref[i, pl.ds(kk * L, L)] * wg[kk])
                p_ref[i, :] = acc
                return 0

            lax.fori_loop(0, CHUNK, row_body, 0, unroll=4)
            pw[0] = pltpu.async_copy(
                p_ref, ogp.at[pl.ds(base + g * CHUNK, CHUNK)], spw[0])
            if g + 2 < NCHUNK:
                ga[gs] = pltpu.async_copy(tug.at[idx_u.at[g + 2]], abufs[gs],
                                          sa[gs])
                gb[gs] = pltpu.async_copy(tig.at[idx_i.at[g + 2]], bbufs[gs],
                                          sb[gs])
    ps, pout, prow = prev
    gc[ps].wait()
    wc[ps] = pltpu.async_copy(cbufs[ps], pout.at[pl.ds(prow, CHUNK)], swc[ps])
    for s in (0, 1):
        if wc[s] is not None:
            wc[s].wait()
    if pw[0] is not None:
        pw[0].wait()


@functools.cache
def _sc_gather():
    return pl.kernel(
        _sc_gather_body,
        out_type=[
            jax.ShapeDtypeStruct((B, L), jnp.float32),
            jax.ShapeDtypeStruct((B, D), jnp.float32),
            jax.ShapeDtypeStruct((B, D), jnp.float32),
        ],
        mesh=plsc.VectorSubcoreMesh(core_axis_name="c", subcore_axis_name="s",
                                    num_cores=NC, num_subcores=NS),
        scratch_types=[
            pltpu.VMEM((NCHUNK, CHUNK), jnp.int32),
            pltpu.VMEM((NCHUNK, CHUNK), jnp.int32),
            pltpu.VMEM((CHUNK, D), jnp.float32),
            pltpu.VMEM((CHUNK, D), jnp.float32),
            pltpu.VMEM((CHUNK, D), jnp.float32),
            pltpu.VMEM((CHUNK, D), jnp.float32),
            pltpu.VMEM((CHUNK, D), jnp.float32),
            pltpu.VMEM((CHUNK, D), jnp.float32),
            pltpu.VMEM((CHUNK, L), jnp.float32),
            pltpu.VMEM((D,), jnp.float32),
        ] + [pltpu.SemaphoreType.DMA] * 11,
    )


_CONTRACT_00 = (((0,), (0,)), ((), ()))
_CONTRACT_01 = (((0,), (1,)), ((), ()))


def _tc_body(gp, um, im, w1u, w1i, b1, w2, b2, w3, b3, wph, bp, out):
    h = lax.dot_general(w1u[...], um[...], _CONTRACT_01,
                        preferred_element_type=jnp.float32)
    h = h + lax.dot_general(w1i[...], im[...], _CONTRACT_01,
                            preferred_element_type=jnp.float32)
    h = jnp.maximum(h + b1[...], 0.0)
    h = jnp.maximum(
        lax.dot_general(w2[...], h, _CONTRACT_00,
                        preferred_element_type=jnp.float32) + b2[...], 0.0)
    h = jnp.maximum(
        lax.dot_general(w3[...], h, _CONTRACT_00,
                        preferred_element_type=jnp.float32) + b3[...], 0.0)
    s = lax.dot_general(wph[...], h, _CONTRACT_00,
                        preferred_element_type=jnp.float32)
    ones = jnp.ones((L, 1), jnp.float32)
    s = s + lax.dot_general(ones, gp[...], _CONTRACT_01,
                            preferred_element_type=jnp.float32)
    out[...] = jax.nn.sigmoid(s + bp[...])[None]


RBLK = 4096


def _tc_call(gp, um, im, w1u, w1i, b1c, w2, b2c, w3, b3c, wphc, bpc):
    rb = lambda i: (i, 0)
    z = lambda i: (0, 0)
    return pl.pallas_call(
        _tc_body,
        grid=(B // RBLK,),
        in_specs=[
            pl.BlockSpec((RBLK, L), rb),
            pl.BlockSpec((RBLK, D), rb),
            pl.BlockSpec((RBLK, D), rb),
            pl.BlockSpec((D, H1), z),
            pl.BlockSpec((D, H1), z),
            pl.BlockSpec((H1, 1), z),
            pl.BlockSpec((H1, H2), z),
            pl.BlockSpec((H2, 1), z),
            pl.BlockSpec((H2, H3), z),
            pl.BlockSpec((H3, 1), z),
            pl.BlockSpec((H3, 1), z),
            pl.BlockSpec((1, 1), z),
        ],
        out_specs=pl.BlockSpec((1, 1, RBLK), lambda i: (i, 0, 0)),
        out_shape=jax.ShapeDtypeStruct((B // RBLK, 1, RBLK), jnp.float32),
    )(gp, um, im, w1u, w1i, b1c, w2, b2c, w3, b3c, wphc, bpc)


def kernel(user_ids, item_ids, user_emb_gmf, item_emb_gmf, user_emb_mlp,
           item_emb_mlp, W1, b1, W2, b2, W3, b3, Wp, bp):
    uids = user_ids.astype(jnp.int32)
    iids = item_ids.astype(jnp.int32)
    gp, um, im = _sc_gather()(uids, iids, user_emb_gmf, item_emb_gmf,
                              user_emb_mlp, item_emb_mlp, Wp[:D, 0])
    out = _tc_call(gp, um, im, W1[:D], W1[D:], b1.reshape(H1, 1), W2,
                   b2.reshape(H2, 1), W3, b3.reshape(H3, 1),
                   Wp[D:, 0].reshape(H3, 1), bp.reshape(1, 1))
    return out.reshape(B)

# --- scband reference (transcript-rebuilt; emitter-appended) ---
"""Pipeline reference for scband-ncfmodel-73443940762228 (READ-ONLY COPY).

The authoritative reference and input builder live on the scoring server;
editing this copy changes nothing except your own understanding.
"""

import jax, jax.numpy as jnp
import numpy as np

NUM_USERS = 100000
NUM_ITEMS = 100000
EMB_DIM = 128
BATCH = 16384

def _xavier(key, fan_in, fan_out):
    limit = float(np.sqrt(6.0 / (fan_in + fan_out)))
    return jax.random.uniform(key, (fan_in, fan_out), minval=-limit, maxval=limit, dtype=jnp.float32)

def setup_inputs(seed: int = 0):
    key = jax.random.key(seed)
    ks = jax.random.split(key, 12)
    user_ids = jax.random.randint(ks[0], (BATCH,), 0, NUM_USERS)
    item_ids = jax.random.randint(ks[1], (BATCH,), 0, NUM_ITEMS)
    user_emb_gmf = 0.01 * jax.random.normal(ks[2], (NUM_USERS + 1, EMB_DIM), dtype=jnp.float32)
    item_emb_gmf = 0.01 * jax.random.normal(ks[3], (NUM_ITEMS + 1, EMB_DIM), dtype=jnp.float32)
    user_emb_mlp = 0.01 * jax.random.normal(ks[4], (NUM_USERS + 1, EMB_DIM), dtype=jnp.float32)
    item_emb_mlp = 0.01 * jax.random.normal(ks[5], (NUM_ITEMS + 1, EMB_DIM), dtype=jnp.float32)
    W1 = _xavier(ks[6], EMB_DIM * 2, 64); b1 = jnp.zeros((64,), jnp.float32)
    W2 = _xavier(ks[7], 64, 32); b2 = jnp.zeros((32,), jnp.float32)
    W3 = _xavier(ks[8], 32, 16); b3 = jnp.zeros((16,), jnp.float32)
    Wp = _xavier(ks[9], EMB_DIM + 16, 1); bp = jnp.zeros((1,), jnp.float32)
    return {
        'user_ids': user_ids, 'item_ids': item_ids,
        'user_emb_gmf': user_emb_gmf, 'item_emb_gmf': item_emb_gmf,
        'user_emb_mlp': user_emb_mlp, 'item_emb_mlp': item_emb_mlp,
        'W1': W1, 'b1': b1, 'W2': W2, 'b2': b2, 'W3': W3, 'b3': b3,
        'Wp': Wp, 'bp': bp,
    }

def reference(user_ids, item_ids, user_emb_gmf, item_emb_gmf, user_emb_mlp, item_emb_mlp, W1, b1, W2, b2, W3, b3, Wp, bp):
    user_gmf = jnp.take(user_emb_gmf, user_ids, axis=0)
    item_gmf = jnp.take(item_emb_gmf, item_ids, axis=0)
    gmf_out = user_gmf * item_gmf
    user_mlp = jnp.take(user_emb_mlp, user_ids, axis=0)
    item_mlp = jnp.take(item_emb_mlp, item_ids, axis=0)
    mlp_input = jnp.concatenate([user_mlp, item_mlp], axis=1)
    h = jax.nn.relu(mlp_input @ W1 + b1)  # dropout is identity in eval mode
    h = jax.nn.relu(h @ W2 + b2)
    h = jax.nn.relu(h @ W3 + b3)
    combined = jnp.concatenate([gmf_out, h], axis=1)
    out = jax.nn.sigmoid(combined @ Wp + bp)
    return jnp.squeeze(out, axis=-1)

if __name__ == "__main__":
    import jax
    _d = setup_inputs()
    print(jax.jit(kernel)(*tuple(_d.values())))

</pallas_src>

<mosaic_0001>
#map = affine_map<(d0, d1) -> (0)>
#map1 = affine_map<(d0, d1) -> (0, 0)>
module attributes {stable_mosaic.version = 14 : i64} {
  func.func @_sc_gather_body(%arg0: i32, %arg1: i32, %arg2: memref<16384xi32, #tpu.memory_space<hbm>>, %arg3: memref<16384xi32, #tpu.memory_space<hbm>>, %arg4: memref<100001x128xf32, #tpu.memory_space<hbm>>, %arg5: memref<100001x128xf32, #tpu.memory_space<hbm>>, %arg6: memref<100001x128xf32, #tpu.memory_space<hbm>>, %arg7: memref<100001x128xf32, #tpu.memory_space<hbm>>, %arg8: memref<128xf32, #tpu.memory_space<hbm>>, %arg9: memref<16384x16xf32, #tpu.memory_space<hbm>>, %arg10: memref<16384x128xf32, #tpu.memory_space<hbm>>, %arg11: memref<16384x128xf32, #tpu.memory_space<hbm>>, %arg12: memref<4x128xi32, #tpu.memory_space<vmem>>, %arg13: memref<4x128xi32, #tpu.memory_space<vmem>>, %arg14: memref<128x128xf32, #tpu.memory_space<vmem>>, %arg15: memref<128x128xf32, #tpu.memory_space<vmem>>, %arg16: memref<128x128xf32, #tpu.memory_space<vmem>>, %arg17: memref<128x128xf32, #tpu.memory_space<vmem>>, %arg18: memref<128x128xf32, #tpu.memory_space<vmem>>, %arg19: memref<128x128xf32, #tpu.memory_space<vmem>>, %arg20: memref<128x16xf32, #tpu.memory_space<vmem>>, %arg21: memref<128xf32, #tpu.memory_space<vmem>>, %arg22: memref<!tpu.dma_semaphore, #tpu.memory_space<semaphore_mem>>, %arg23: memref<!tpu.dma_semaphore, #tpu.memory_space<semaphore_mem>>, %arg24: memref<!tpu.dma_semaphore, #tpu.memory_space<semaphore_mem>>, %arg25: memref<!tpu.dma_semaphore, #tpu.memory_space<semaphore_mem>>, %arg26: memref<!tpu.dma_semaphore, #tpu.memory_space<semaphore_mem>>, %arg27: memref<!tpu.dma_semaphore, #tpu.memory_space<semaphore_mem>>, %arg28: memref<!tpu.dma_semaphore, #tpu.memory_space<semaphore_mem>>, %arg29: memref<!tpu.dma_semaphore, #tpu.memory_space<semaphore_mem>>, %arg30: memref<!tpu.dma_semaphore, #tpu.memory_space<semaphore_mem>>, %arg31: memref<!tpu.dma_semaphore, #tpu.memory_space<semaphore_mem>>, %arg32: memref<!tpu.dma_semaphore, #tpu.memory_space<semaphore_mem>>) attributes {dimension_semantics = [#tpu.dimension_semantics<core_parallel>, #tpu.dimension_semantics<subcore_parallel>], iteration_bounds = array<i64: 2, 16>, scalar_prefetch = 0 : i64, scratch_operands = 21 : i64, tpu.core_type = #tpu.core_type<sc_vector_subcore>, window_params = [{transform_indices = #map}, {transform_indices = #map}, {transform_indices = #map1}, {transform_indices = #map1}, {transform_indices = #map1}, {transform_indices = #map1}, {transform_indices = #map}, {transform_indices = #map1}, {transform_indices = #map1}, {transform_indices = #map1}]} {
    %mul3A = arith.constant 2 : i32
    %mul3A_0 = arith.muli %arg1, %mul3A : i32
    %add3A = arith.addi %mul3A_0, %arg0 : i32
    %mul3A_1 = arith.constant 512 : i32
    %mul3A_2 = arith.muli %add3A, %mul3A_1 : i32
    %add3A_3 = arith.constant 0 : i32
    %add3A_4 = arith.addi %mul3A_2, %add3A_3 : i32
    %dma_start3A = arith.constant 0 : i32
    %dma_start3A_5 = arith.constant 0 : i32
    %dma_start3A_6 = tpu.memref_slice %arg12[%dma_start3A, %dma_start3A_5] : memref<4x128xi32, #tpu.memory_space<vmem>> -> memref<1x128xi32, #tpu.memory_space<vmem>>
    %dma_start3A_7 = tpu.memref_squeeze %dma_start3A_6 : memref<1x128xi32, #tpu.memory_space<vmem>> -> memref<128xi32, #tpu.memory_space<vmem>>
    %dma_start3A_8 = tpu.memref_slice %arg2[%add3A_4] : memref<16384xi32, #tpu.memory_space<hbm>> -> memref<128xi32, #tpu.memory_space<hbm>>
    %dma_start3A_9 = arith.constant 0 : i32
    %dma_start3A_10 = tpu.memref_slice %arg12[%dma_start3A, %dma_start3A_9] : memref<4x128xi32, #tpu.memory_space<vmem>> -> memref<1x128xi32, #tpu.memory_space<vmem>>
    %dma_start3A_11 = tpu.memref_squeeze %dma_start3A_10 : memref<1x128xi32, #tpu.memory_space<vmem>> -> memref<128xi32, #tpu.memory_space<vmem>>
    %dma_start3A_12 = tpu.memref_slice %arg2[%add3A_4] : memref<16384xi32, #tpu.memory_space<hbm>> -> memref<128xi32, #tpu.memory_space<hbm>>
    tpu.enqueue_dma source(%dma_start3A_12 : memref<128xi32, #tpu.memory_space<hbm>>) target(%dma_start3A_11 : memref<128xi32, #tpu.memory_space<vmem>>) target_semaphore(%arg32 : memref<!tpu.dma_semaphore, #tpu.memory_space<semaphore_mem>>)
    %add3A_13 = arith.constant 0 : i32
    %add3A_14 = arith.addi %mul3A_2, %add3A_13 : i32
    %dma_start3A_15 = arith.constant 0 : i32
    %dma_start3A_16 = arith.constant 0 : i32
    %dma_start3A_17 = tpu.memref_slice %arg13[%dma_start3A_15, %dma_start3A_16] : memref<4x128xi32, #tpu.memory_space<vmem>> -> memref<1x128xi32, #tpu.memory_space<vmem>>
    %dma_start3A_18 = tpu.memref_squeeze %dma_start3A_17 : memref<1x128xi32, #tpu.memory_space<vmem>> -> memref<128xi32, #tpu.memory_space<vmem>>
    %dma_start3A_19 = tpu.memref_slice %arg3[%add3A_14] : memref<16384xi32, #tpu.memory_space<hbm>> -> memref<128xi32, #tpu.memory_space<hbm>>
    %dma_start3A_20 = arith.constant 0 : i32
    %dma_start3A_21 = tpu.memref_slice %arg13[%dma_start3A_15, %dma_start3A_20] : memref<4x128xi32, #tpu.memory_space<vmem>> -> memref<1x128xi32, #tpu.memory_space<vmem>>
    %dma_start3A_22 = tpu.memref_squeeze %dma_start3A_21 : memref<1x128xi32, #tpu.memory_space<vmem>> -> memref<128xi32, #tpu.memory_space<vmem>>
    %dma_start3A_23 = tpu.memref_slice %arg3[%add3A_14] : memref<16384xi32, #tpu.memory_space<hbm>> -> memref<128xi32, #tpu.memory_space<hbm>>
    tpu.enqueue_dma source(%dma_start3A_23 : memref<128xi32, #tpu.memory_space<hbm>>) target(%dma_start3A_22 : memref<128xi32, #tpu.memory_space<vmem>>) target_semaphore(%arg32 : memref<!tpu.dma_semaphore, #tpu.memory_space<semaphore_mem>>)
    %add3A_24 = arith.constant 128 : i32
    %add3A_25 = arith.addi %mul3A_2, %add3A_24 : i32
    %dma_start3A_26 = arith.constant 1 : i32
    %dma_start3A_27 = arith.constant 0 : i32
    %dma_start3A_28 = tpu.memref_slice %arg12[%dma_start3A_26, %dma_start3A_27] : memref<4x128xi32, #tpu.memory_space<vmem>> -> memref<1x128xi32, #tpu.memory_space<vmem>>
    %dma_start3A_29 = tpu.memref_squeeze %dma_start3A_28 : memref<1x128xi32, #tpu.memory_space<vmem>> -> memref<128xi32, #tpu.memory_space<vmem>>
    %dma_start3A_30 = tpu.memref_slice %arg2[%add3A_25] : memref<16384xi32, #tpu.memory_space<hbm>> -> memref<128xi32, #tpu.memory_space<hbm>>
    %dma_start3A_31 = arith.constant 0 : i32
    %dma_start3A_32 = tpu.memref_slice %arg12[%dma_start3A_26, %dma_start3A_31] : memref<4x128xi32, #tpu.memory_space<vmem>> -> memref<1x128xi32, #tpu.memory_space<vmem>>
    %dma_start3A_33 = tpu.memref_squeeze %dma_start3A_32 : memref<1x128xi32, #tpu.memory_space<vmem>> -> memref<128xi32, #tpu.memory_space<vmem>>
    %dma_start3A_34 = tpu.memref_slice %arg2[%add3A_25] : memref<16384xi32, #tpu.memory_space<hbm>> -> memref<128xi32, #tpu.memory_space<hbm>>
    tpu.enqueue_dma source(%dma_start3A_34 : memref<128xi32, #tpu.memory_space<hbm>>) target(%dma_start3A_33 : memref<128xi32, #tpu.memory_space<vmem>>) target_semaphore(%arg32 : memref<!tpu.dma_semaphore, #tpu.memory_space<semaphore_mem>>)
    %add3A_35 = arith.constant 128 : i32
    %add3A_36 = arith.addi %mul3A_2, %add3A_35 : i32
    %dma_start3A_37 = arith.constant 1 : i32
    %dma_start3A_38 = arith.constant 0 : i32
    %dma_start3A_39 = tpu.memref_slice %arg13[%dma_start3A_37, %dma_start3A_38] : memref<4x128xi32, #tpu.memory_space<vmem>> -> memref<1x128xi32, #tpu.memory_space<vmem>>
    %dma_start3A_40 = tpu.memref_squeeze %dma_start3A_39 : memref<1x128xi32, #tpu.memory_space<vmem>> -> memref<128xi32, #tpu.memory_space<vmem>>
    %dma_start3A_41 = tpu.memref_slice %arg3[%add3A_36] : memref<16384xi32, #tpu.memory_space<hbm>> -> memref<128xi32, #tpu.memory_space<hbm>>
    %dma_start3A_42 = arith.constant 0 : i32
    %dma_start3A_43 = tpu.memref_slice %arg13[%dma_start3A_37, %dma_start3A_42] : memref<4x128xi32, #tpu.memory_space<vmem>> -> memref<1x128xi32, #tpu.memory_space<vmem>>
    %dma_start3A_44 = tpu.memref_squeeze %dma_start3A_43 : memref<1x128xi32, #tpu.memory_space<vmem>> -> memref<128xi32, #tpu.memory_space<vmem>>
    %dma_start3A_45 = tpu.memref_slice %arg3[%add3A_36] : memref<16384xi32, #tpu.memory_space<hbm>> -> memref<128xi32, #tpu.memory_space<hbm>>
    tpu.enqueue_dma source(%dma_start3A_45 : memref<128xi32, #tpu.memory_space<hbm>>) target(%dma_start3A_44 : memref<128xi32, #tpu.memory_space<vmem>>) target_semaphore(%arg32 : memref<!tpu.dma_semaphore, #tpu.memory_space<semaphore_mem>>)
    tpu.enqueue_dma source(%arg8 : memref<128xf32, #tpu.memory_space<hbm>>) target(%arg21 : memref<128xf32, #tpu.memory_space<vmem>>) target_semaphore(%arg32 : memref<!tpu.dma_semaphore, #tpu.memory_space<semaphore_mem>>)
    %add3A_46 = arith.constant 256 : i32
    %add3A_47 = arith.addi %mul3A_2, %add3A_46 : i32
    %dma_start3A_48 = arith.constant 2 : i32
    %dma_start3A_49 = arith.constant 0 : i32
    %dma_start3A_50 = tpu.memref_slice %arg12[%dma_start3A_48, %dma_start3A_49] : memref<4x128xi32, #tpu.memory_space<vmem>> -> memref<1x128xi32, #tpu.memory_space<vmem>>
    %dma_start3A_51 = tpu.memref_squeeze %dma_start3A_50 : memref<1x128xi32, #tpu.memory_space<vmem>> -> memref<128xi32, #tpu.memory_space<vmem>>
    %dma_start3A_52 = tpu.memref_slice %arg2[%add3A_47] : memref<16384xi32, #tpu.memory_space<hbm>> -> memref<128xi32, #tpu.memory_space<hbm>>
    %dma_start3A_53 = arith.constant 0 : i32
    %dma_start3A_54 = tpu.memref_slice %arg12[%dma_start3A_48, %dma_start3A_53] : memref<4x128xi32, #tpu.memory_space<vmem>> -> memref<1x128xi32, #tpu.memory_space<vmem>>
    %dma_start3A_55 = tpu.memref_squeeze %dma_start3A_54 : memref<1x128xi32, #tpu.memory_space<vmem>> -> memref<128xi32, #tpu.memory_space<vmem>>
    %dma_start3A_56 = tpu.memref_slice %arg2[%add3A_47] : memref<16384xi32, #tpu.memory_space<hbm>> -> memref<128xi32, #tpu.memory_space<hbm>>
    tpu.enqueue_dma source(%dma_start3A_56 : memref<128xi32, #tpu.memory_space<hbm>>) target(%dma_start3A_55 : memref<128xi32, #tpu.memory_space<vmem>>) target_semaphore(%arg32 : memref<!tpu.dma_semaphore, #tpu.memory_space<semaphore_mem>>)
    %add3A_57 = arith.constant 256 : i32
    %add3A_58 = arith.addi %mul3A_2, %add3A_57 : i32
    %dma_start3A_59 = arith.constant 2 : i32
    %dma_start3A_60 = arith.constant 0 : i32
    %dma_start3A_61 = tpu.memref_slice %arg13[%dma_start3A_59, %dma_start3A_60] : memref<4x128xi32, #tpu.memory_space<vmem>> -> memref<1x128xi32, #tpu.memory_space<vmem>>
    %dma_start3A_62 = tpu.memref_squeeze %dma_start3A_61 : memref<1x128xi32, #tpu.memory_space<vmem>> -> memref<128xi32, #tpu.memory_space<vmem>>
    %dma_start3A_63 = tpu.memref_slice %arg3[%add3A_58] : memref<16384xi32, #tpu.memory_space<hbm>> -> memref<128xi32, #tpu.memory_space<hbm>>
    %dma_start3A_64 = arith.constant 0 : i32
    %dma_start3A_65 = tpu.memref_slice %arg13[%dma_start3A_59, %dma_start3A_64] : memref<4x128xi32, #tpu.memory_space<vmem>> -> memref<1x128xi32, #tpu.memory_space<vmem>>
    %dma_start3A_66 = tpu.memref_squeeze %dma_start3A_65 : memref<1x128xi32, #tpu.memory_space<vmem>> -> memref<128xi32, #tpu.memory_space<vmem>>
    %dma_start3A_67 = tpu.memref_slice %arg3[%add3A_58] : memref<16384xi32, #tpu.memory_space<hbm>> -> memref<128xi32, #tpu.memory_space<hbm>>
    tpu.enqueue_dma source(%dma_start3A_67 : memref<128xi32, #tpu.memory_space<hbm>>) target(%dma_start3A_66 : memref<128xi32, #tpu.memory_space<vmem>>) target_semaphore(%arg32 : memref<!tpu.dma_semaphore, #tpu.memory_space<semaphore_mem>>)
    %add3A_68 = arith.constant 384 : i32
    %add3A_69 = arith.addi %mul3A_2, %add3A_68 : i32
    %dma_start3A_70 = arith.constant 3 : i32
    %dma_start3A_71 = arith.constant 0 : i32
    %dma_start3A_72 = tpu.memref_slice %arg12[%dma_start3A_70, %dma_start3A_71] : memref<4x128xi32, #tpu.memory_space<vmem>> -> memref<1x128xi32, #tpu.memory_space<vmem>>
    %dma_start3A_73 = tpu.memref_squeeze %dma_start3A_72 : memref<1x128xi32, #tpu.memory_space<vmem>> -> memref<128xi32, #tpu.memory_space<vmem>>
    %dma_start3A_74 = tpu.memref_slice %arg2[%add3A_69] : memref<16384xi32, #tpu.memory_space<hbm>> -> memref<128xi32, #tpu.memory_space<hbm>>
    %dma_start3A_75 = arith.constant 0 : i32
    %dma_start3A_76 = tpu.memref_slice %arg12[%dma_start3A_70, %dma_start3A_75] : memref<4x128xi32, #tpu.memory_space<vmem>> -> memref<1x128xi32, #tpu.memory_space<vmem>>
    %dma_start3A_77 = tpu.memref_squeeze %dma_start3A_76 : memref<1x128xi32, #tpu.memory_space<vmem>> -> memref<128xi32, #tpu.memory_space<vmem>>
    %dma_start3A_78 = tpu.memref_slice %arg2[%add3A_69] : memref<16384xi32, #tpu.memory_space<hbm>> -> memref<128xi32, #tpu.memory_space<hbm>>
    tpu.enqueue_dma source(%dma_start3A_78 : memref<128xi32, #tpu.memory_space<hbm>>) target(%dma_start3A_77 : memref<128xi32, #tpu.memory_space<vmem>>) target_semaphore(%arg32 : memref<!tpu.dma_semaphore, #tpu.memory_space<semaphore_mem>>)
    %add3A_79 = arith.constant 384 : i32
    %add3A_80 = arith.addi %mul3A_2, %add3A_79 : i32
    %dma_start3A_81 = arith.constant 3 : i32
    %dma_start3A_82 = arith.constant 0 : i32
    %dma_start3A_83 = tpu.memref_slice %arg13[%dma_start3A_81, %dma_start3A_82] : memref<4x128xi32, #tpu.memory_space<vmem>> -> memref<1x128xi32, #tpu.memory_space<vmem>>
    %dma_start3A_84 = tpu.memref_squeeze %dma_start3A_83 : memref<1x128xi32, #tpu.memory_space<vmem>> -> memref<128xi32, #tpu.memory_space<vmem>>
    %dma_start3A_85 = tpu.memref_slice %arg3[%add3A_80] : memref<16384xi32, #tpu.memory_space<hbm>> -> memref<128xi32, #tpu.memory_space<hbm>>
    %dma_start3A_86 = arith.constant 0 : i32
    %dma_start3A_87 = tpu.memref_slice %arg13[%dma_start3A_81, %dma_start3A_86] : memref<4x128xi32, #tpu.memory_space<vmem>> -> memref<1x128xi32, #tpu.memory_space<vmem>>
    %dma_start3A_88 = tpu.memref_squeeze %dma_start3A_87 : memref<1x128xi32, #tpu.memory_space<vmem>> -> memref<128xi32, #tpu.memory_space<vmem>>
    %dma_start3A_89 = tpu.memref_slice %arg3[%add3A_80] : memref<16384xi32, #tpu.memory_space<hbm>> -> memref<128xi32, #tpu.memory_space<hbm>>
    tpu.enqueue_dma source(%dma_start3A_89 : memref<128xi32, #tpu.memory_space<hbm>>) target(%dma_start3A_88 : memref<128xi32, #tpu.memory_space<vmem>>) target_semaphore(%arg32 : memref<!tpu.dma_semaphore, #tpu.memory_space<semaphore_mem>>)
    %dma_wait3A = arith.constant 0 : i32
    %dma_wait3A_90 = arith.constant 0 : i32
    %dma_wait3A_91 = tpu.memref_slice %arg12[%dma_wait3A, %dma_wait3A_90] : memref<4x128xi32, #tpu.memory_space<vmem>> -> memref<1x128xi32, #tpu.memory_space<vmem>>
    %dma_wait3A_92 = tpu.memref_squeeze %dma_wait3A_91 : memref<1x128xi32, #tpu.memory_space<vmem>> -> memref<128xi32, #tpu.memory_space<vmem>>
    %dma_wait3A_93 = tpu.memref_slice %arg2[%add3A_4] : memref<16384xi32, #tpu.memory_space<hbm>> -> memref<128xi32, #tpu.memory_space<hbm>>
    %dma_wait3A_94 = arith.constant 0 : i32
    %dma_wait3A_95 = tpu.memref_slice %arg12[%dma_wait3A, %dma_wait3A_94] : memref<4x128xi32, #tpu.memory_space<vmem>> -> memref<1x128xi32, #tpu.memory_space<vmem>>
    %dma_wait3A_96 = tpu.memref_squeeze %dma_wait3A_95 : memref<1x128xi32, #tpu.memory_space<vmem>> -> memref<128xi32, #tpu.memory_space<vmem>>
    %dma_wait3A_97 = tpu.memref_slice %arg2[%add3A_4] : memref<16384xi32, #tpu.memory_space<hbm>> -> memref<128xi32, #tpu.memory_space<hbm>>
    tpu.wait_dma2 semaphore(%arg32 : memref<!tpu.dma_semaphore, #tpu.memory_space<semaphore_mem>>) src(%dma_wait3A_97 : memref<128xi32, #tpu.memory_space<hbm>>) dst(%dma_wait3A_96 : memref<128xi32, #tpu.memory_space<vmem>>)
    %dma_wait3A_98 = arith.constant 0 : i32
    %dma_wait3A_99 = arith.constant 0 : i32
    %dma_wait3A_100 = tpu.memref_slice %arg13[%dma_wait3A_98, %dma_wait3A_99] : memref<4x128xi32, #tpu.memory_space<vmem>> -> memref<1x128xi32, #tpu.memory_space<vmem>>
    %dma_wait3A_101 = tpu.memref_squeeze %dma_wait3A_100 : memref<1x128xi32, #tpu.memory_space<vmem>> -> memref<128xi32, #tpu.memory_space<vmem>>
    %dma_wait3A_102 = tpu.memref_slice %arg3[%add3A_14] : memref<16384xi32, #tpu.memory_space<hbm>> -> memref<128xi32, #tpu.memory_space<hbm>>
    %dma_wait3A_103 = arith.constant 0 : i32
    %dma_wait3A_104 = tpu.memref_slice %arg13[%dma_wait3A_98, %dma_wait3A_103] : memref<4x128xi32, #tpu.memory_space<vmem>> -> memref<1x128xi32, #tpu.memory_space<vmem>>
    %dma_wait3A_105 = tpu.memref_squeeze %dma_wait3A_104 : memref<1x128xi32, #tpu.memory_space<vmem>> -> memref<128xi32, #tpu.memory_space<vmem>>
    %dma_wait3A_106 = tpu.memref_slice %arg3[%add3A_14] : memref<16384xi32, #tpu.memory_space<hbm>> -> memref<128xi32, #tpu.memory_space<hbm>>
    tpu.wait_dma2 semaphore(%arg32 : memref<!tpu.dma_semaphore, #tpu.memory_space<semaphore_mem>>) src(%dma_wait3A_106 : memref<128xi32, #tpu.memory_space<hbm>>) dst(%dma_wait3A_105 : memref<128xi32, #tpu.memory_space<vmem>>)
    %dma_wait3A_107 = arith.constant 1 : i32
    %dma_wait3A_108 = arith.constant 0 : i32
    %dma_wait3A_109 = tpu.memref_slice %arg12[%dma_wait3A_107, %dma_wait3A_108] : memref<4x128xi32, #tpu.memory_space<vmem>> -> memref<1x128xi32, #tpu.memory_space<vmem>>
    %dma_wait3A_110 = tpu.memref_squeeze %dma_wait3A_109 : memref<1x128xi32, #tpu.memory_space<vmem>> -> memref<128xi32, #tpu.memory_space<vmem>>
    %dma_wait3A_111 = tpu.memref_slice %arg2[%add3A_25] : memref<16384xi32, #tpu.memory_space<hbm>> -> memref<128xi32, #tpu.memory_space<hbm>>
    %dma_wait3A_112 = arith.constant 0 : i32
    %dma_wait3A_113 = tpu.memref_slice %arg12[%dma_wait3A_107, %dma_wait3A_112] : memref<4x128xi32, #tpu.memory_space<vmem>> -> memref<1x128xi32, #tpu.memory_space<vmem>>
    %dma_wait3A_114 = tpu.memref_squeeze %dma_wait3A_113 : memref<1x128xi32, #tpu.memory_space<vmem>> -> memref<128xi32, #tpu.memory_space<vmem>>
    %dma_wait3A_115 = tpu.memref_slice %arg2[%add3A_25] : memref<16384xi32, #tpu.memory_space<hbm>> -> memref<128xi32, #tpu.memory_space<hbm>>
    tpu.wait_dma2 semaphore(%arg32 : memref<!tpu.dma_semaphore, #tpu.memory_space<semaphore_mem>>) src(%dma_wait3A_115 : memref<128xi32, #tpu.memory_space<hbm>>) dst(%dma_wait3A_114 : memref<128xi32, #tpu.memory_space<vmem>>)
    %dma_wait3A_116 = arith.constant 1 : i32
    %dma_wait3A_117 = arith.constant 0 : i32
    %dma_wait3A_118 = tpu.memref_slice %arg13[%dma_wait3A_116, %dma_wait3A_117] : memref<4x128xi32, #tpu.memory_space<vmem>> -> memref<1x128xi32, #tpu.memory_space<vmem>>
    %dma_wait3A_119 = tpu.memref_squeeze %dma_wait3A_118 : memref<1x128xi32, #tpu.memory_space<vmem>> -> memref<128xi32, #tpu.memory_space<vmem>>
    %dma_wait3A_120 = tpu.memref_slice %arg3[%add3A_36] : memref<16384xi32, #tpu.memory_space<hbm>> -> memref<128xi32, #tpu.memory_space<hbm>>
    %dma_wait3A_121 = arith.constant 0 : i32
    %dma_wait3A_122 = tpu.memref_slice %arg13[%dma_wait3A_116, %dma_wait3A_121] : memref<4x128xi32, #tpu.memory_space<vmem>> -> memref<1x128xi32, #tpu.memory_space<vmem>>
    %dma_wait3A_123 = tpu.memref_squeeze %dma_wait3A_122 : memref<1x128xi32, #tpu.memory_space<vmem>> -> memref<128xi32, #tpu.memory_space<vmem>>
    %dma_wait3A_124 = tpu.memref_slice %arg3[%add3A_36] : memref<16384xi32, #tpu.memory_space<hbm>> -> memref<128xi32, #tpu.memory_space<hbm>>
    tpu.wait_dma2 semaphore(%arg32 : memref<!tpu.dma_semaphore, #tpu.memory_space<semaphore_mem>>) src(%dma_wait3A_124 : memref<128xi32, #tpu.memory_space<hbm>>) dst(%dma_wait3A_123 : memref<128xi32, #tpu.memory_space<vmem>>)
    %dma_start3A_125 = arith.constant 0 : i32
    %dma_start3A_126 = arith.constant 0 : i32
    %dma_start3A_127 = tpu.memref_slice %arg12[%dma_start3A_125, %dma_start3A_126] : memref<4x128xi32, #tpu.memory_space<vmem>> -> memref<1x128xi32, #tpu.memory_space<vmem>>
    %dma_start3A_128 = tpu.memref_squeeze %dma_start3A_127 : memref<1x128xi32, #tpu.memory_space<vmem>> -> memref<128xi32, #tpu.memory_space<vmem>>
    %dma_start3A_129 = arith.constant 0 : i32
    %dma_start3A_130 = arith.constant 0 : i32
    %dma_start3A_131 = tpu.memref_slice %arg4[%dma_start3A_129, %dma_start3A_130] : memref<100001x128xf32, #tpu.memory_space<hbm>> -> memref<100001x128xf32, #tpu.memory_space<hbm>>
    tpu.enqueue_indirect_dma source(%dma_start3A_131 : memref<100001x128xf32, #tpu.memory_space<hbm>>) target(%arg14 : memref<128x128xf32, #tpu.memory_space<vmem>>) offsets(%dma_start3A_128 : memref<128xi32, #tpu.memory_space<vmem>>) semaphore(%arg22 : memref<!tpu.dma_semaphore, #tpu.memory_space<semaphore_mem>>)
    %dma_start3A_132 = arith.constant 0 : i32
    %dma_start3A_133 = arith.constant 0 : i32
    %dma_start3A_134 = tpu.memref_slice %arg13[%dma_start3A_132, %dma_start3A_133] : memref<4x128xi32, #tpu.memory_space<vmem>> -> memref<1x128xi32, #tpu.memory_space<vmem>>
    %dma_start3A_135 = tpu.memref_squeeze %dma_start3A_134 : memref<1x128xi32, #tpu.memory_space<vmem>> -> memref<128xi32, #tpu.memory_space<vmem>>
    %dma_start3A_136 = arith.constant 0 : i32
    %dma_start3A_137 = arith.constant 0 : i32
    %dma_start3A_138 = tpu.memref_slice %arg5[%dma_start3A_136, %dma_start3A_137] : memref<100001x128xf32, #tpu.memory_space<hbm>> -> memref<100001x128xf32, #tpu.memory_space<hbm>>
    tpu.enqueue_indirect_dma source(%dma_start3A_138 : memref<100001x128xf32, #tpu.memory_space<hbm>>) target(%arg16 : memref<128x128xf32, #tpu.memory_space<vmem>>) offsets(%dma_start3A_135 : memref<128xi32, #tpu.memory_space<vmem>>) semaphore(%arg24 : memref<!tpu.dma_semaphore, #tpu.memory_space<semaphore_mem>>)
    %dma_start3A_139 = arith.constant 1 : i32
    %dma_start3A_140 = arith.constant 0 : i32
    %dma_start3A_141 = tpu.memref_slice %arg12[%dma_start3A_139, %dma_start3A_140] : memref<4x128xi32, #tpu.memory_space<vmem>> -> memref<1x128xi32, #tpu.memory_space<vmem>>
    %dma_start3A_142 = tpu.memref_squeeze %dma_start3A_141 : memref<1x128xi32, #tpu.memory_space<vmem>> -> memref<128xi32, #tpu.memory_space<vmem>>
    %dma_start3A_143 = arith.constant 0 : i32
    %dma_start3A_144 = arith.constant 0 : i32
    %dma_start3A_145 = tpu.memref_slice %arg4[%dma_start3A_143, %dma_start3A_144] : memref<100001x128xf32, #tpu.memory_space<hbm>> -> memref<100001x128xf32, #tpu.memory_space<hbm>>
    tpu.enqueue_indirect_dma source(%dma_start3A_145 : memref<100001x128xf32, #tpu.memory_space<hbm>>) target(%arg15 : memref<128x128xf32, #tpu.memory_space<vmem>>) offsets(%dma_start3A_142 : memref<128xi32, #tpu.memory_space<vmem>>) semaphore(%arg23 : memref<!tpu.dma_semaphore, #tpu.memory_space<semaphore_mem>>)
    %dma_start3A_146 = arith.constant 1 : i32
    %dma_start3A_147 = arith.constant 0 : i32
    %dma_start3A_148 = tpu.memref_slice %arg13[%dma_start3A_146, %dma_start3A_147] : memref<4x128xi32, #tpu.memory_space<vmem>> -> memref<1x128xi32, #tpu.memory_space<vmem>>
    %dma_start3A_149 = tpu.memref_squeeze %dma_start3A_148 : memref<1x128xi32, #tpu.memory_space<vmem>> -> memref<128xi32, #tpu.memory_space<vmem>>
    %dma_start3A_150 = arith.constant 0 : i32
    %dma_start3A_151 = arith.constant 0 : i32
    %dma_start3A_152 = tpu.memref_slice %arg5[%dma_start3A_150, %dma_start3A_151] : memref<100001x128xf32, #tpu.memory_space<hbm>> -> memref<100001x128xf32, #tpu.memory_space<hbm>>
    tpu.enqueue_indirect_dma source(%dma_start3A_152 : memref<100001x128xf32, #tpu.memory_space<hbm>>) target(%arg17 : memref<128x128xf32, #tpu.memory_space<vmem>>) offsets(%dma_start3A_149 : memref<128xi32, #tpu.memory_space<vmem>>) semaphore(%arg25 : memref<!tpu.dma_semaphore, #tpu.memory_space<semaphore_mem>>)
    tpu.wait_dma2 semaphore(%arg32 : memref<!tpu.dma_semaphore, #tpu.memory_space<semaphore_mem>>) src(%arg8 : memref<128xf32, #tpu.memory_space<hbm>>) dst(%arg21 : memref<128xf32, #tpu.memory_space<vmem>>)
    %dma_wait3A_153 = arith.constant 2 : i32
    %dma_wait3A_154 = arith.constant 0 : i32
    %dma_wait3A_155 = tpu.memref_slice %arg12[%dma_wait3A_153, %dma_wait3A_154] : memref<4x128xi32, #tpu.memory_space<vmem>> -> memref<1x128xi32, #tpu.memory_space<vmem>>
    %dma_wait3A_156 = tpu.memref_squeeze %dma_wait3A_155 : memref<1x128xi32, #tpu.memory_space<vmem>> -> memref<128xi32, #tpu.memory_space<vmem>>
    %dma_wait3A_157 = tpu.memref_slice %arg2[%add3A_47] : memref<16384xi32, #tpu.memory_space<hbm>> -> memref<128xi32, #tpu.memory_space<hbm>>
    %dma_wait3A_158 = arith.constant 0 : i32
    %dma_wait3A_159 = tpu.memref_slice %arg12[%dma_wait3A_153, %dma_wait3A_158] : memref<4x128xi32, #tpu.memory_space<vmem>> -> memref<1x128xi32, #tpu.memory_space<vmem>>
    %dma_wait3A_160 = tpu.memref_squeeze %dma_wait3A_159 : memref<1x128xi32, #tpu.memory_space<vmem>> -> memref<128xi32, #tpu.memory_space<vmem>>
    %dma_wait3A_161 = tpu.memref_slice %arg2[%add3A_47] : memref<16384xi32, #tpu.memory_space<hbm>> -> memref<128xi32, #tpu.memory_space<hbm>>
    tpu.wait_dma2 semaphore(%arg32 : memref<!tpu.dma_semaphore, #tpu.memory_space<semaphore_mem>>) src(%dma_wait3A_161 : memref<128xi32, #tpu.memory_space<hbm>>) dst(%dma_wait3A_160 : memref<128xi32, #tpu.memory_space<vmem>>)
    %dma_wait3A_162 = arith.constant 2 : i32
    %dma_wait3A_163 = arith.constant 0 : i32
    %dma_wait3A_164 = tpu.memref_slice %arg13[%dma_wait3A_162, %dma_wait3A_163] : memref<4x128xi32, #tpu.memory_space<vmem>> -> memref<1x128xi32, #tpu.memory_space<vmem>>
    %dma_wait3A_165 = tpu.memref_squeeze %dma_wait3A_164 : memref<1x128xi32, #tpu.memory_space<vmem>> -> memref<128xi32, #tpu.memory_space<vmem>>
    %dma_wait3A_166 = tpu.memref_slice %arg3[%add3A_58] : memref<16384xi32, #tpu.memory_space<hbm>> -> memref<128xi32, #tpu.memory_space<hbm>>
    %dma_wait3A_167 = arith.constant 0 : i32
    %dma_wait3A_168 = tpu.memref_slice %arg13[%dma_wait3A_162, %dma_wait3A_167] : memref<4x128xi32, #tpu.memory_space<vmem>> -> memref<1x128xi32, #tpu.memory_space<vmem>>
    %dma_wait3A_169 = tpu.memref_squeeze %dma_wait3A_168 : memref<1x128xi32, #tpu.memory_space<vmem>> -> memref<128xi32, #tpu.memory_space<vmem>>
    %dma_wait3A_170 = tpu.memref_slice %arg3[%add3A_58] : memref<16384xi32, #tpu.memory_space<hbm>> -> memref<128xi32, #tpu.memory_space<hbm>>
    tpu.wait_dma2 semaphore(%arg32 : memref<!tpu.dma_semaphore, #tpu.memory_space<semaphore_mem>>) src(%dma_wait3A_170 : memref<128xi32, #tpu.memory_space<hbm>>) dst(%dma_wait3A_169 : memref<128xi32, #tpu.memory_space<vmem>>)
    %dma_wait3A_171 = arith.constant 3 : i32
    %dma_wait3A_172 = arith.constant 0 : i32
    %dma_wait3A_173 = tpu.memref_slice %arg12[%dma_wait3A_171, %dma_wait3A_172] : memref<4x128xi32, #tpu.memory_space<vmem>> -> memref<1x128xi32, #tpu.memory_space<vmem>>
    %dma_wait3A_174 = tpu.memref_squeeze %dma_wait3A_173 : memref<1x128xi32, #tpu.memory_space<vmem>> -> memref<128xi32, #tpu.memory_space<vmem>>
    %dma_wait3A_175 = tpu.memref_slice %arg2[%add3A_69] : memref<16384xi32, #tpu.memory_space<hbm>> -> memref<128xi32, #tpu.memory_space<hbm>>
    %dma_wait3A_176 = arith.constant 0 : i32
    %dma_wait3A_177 = tpu.memref_slice %arg12[%dma_wait3A_171, %dma_wait3A_176] : memref<4x128xi32, #tpu.memory_space<vmem>> -> memref<1x128xi32, #tpu.memory_space<vmem>>
    %dma_wait3A_178 = tpu.memref_squeeze %dma_wait3A_177 : memref<1x128xi32, #tpu.memory_space<vmem>> -> memref<128xi32, #tpu.memory_space<vmem>>
    %dma_wait3A_179 = tpu.memref_slice %arg2[%add3A_69] : memref<16384xi32, #tpu.memory_space<hbm>> -> memref<128xi32, #tpu.memory_space<hbm>>
    tpu.wait_dma2 semaphore(%arg32 : memref<!tpu.dma_semaphore, #tpu.memory_space<semaphore_mem>>) src(%dma_wait3A_179 : memref<128xi32, #tpu.memory_space<hbm>>) dst(%dma_wait3A_178 : memref<128xi32, #tpu.memory_space<vmem>>)
    %dma_wait3A_180 = arith.constant 3 : i32
    %dma_wait3A_181 = arith.constant 0 : i32
    %dma_wait3A_182 = tpu.memref_slice %arg13[%dma_wait3A_180, %dma_wait3A_181] : memref<4x128xi32, #tpu.memory_space<vmem>> -> memref<1x128xi32, #tpu.memory_space<vmem>>
    %dma_wait3A_183 = tpu.memref_squeeze %dma_wait3A_182 : memref<1x128xi32, #tpu.memory_space<vmem>> -> memref<128xi32, #tpu.memory_space<vmem>>
    %dma_wait3A_184 = tpu.memref_slice %arg3[%add3A_80] : memref<16384xi32, #tpu.memory_space<hbm>> -> memref<128xi32, #tpu.memory_space<hbm>>
    %dma_wait3A_185 = arith.constant 0 : i32
    %dma_wait3A_186 = tpu.memref_slice %arg13[%dma_wait3A_180, %dma_wait3A_185] : memref<4x128xi32, #tpu.memory_space<vmem>> -> memref<1x128xi32, #tpu.memory_space<vmem>>
    %dma_wait3A_187 = tpu.memref_squeeze %dma_wait3A_186 : memref<1x128xi32, #tpu.memory_space<vmem>> -> memref<128xi32, #tpu.memory_space<vmem>>
    %dma_wait3A_188 = tpu.memref_slice %arg3[%add3A_80] : memref<16384xi32, #tpu.memory_space<hbm>> -> memref<128xi32, #tpu.memory_space<hbm>>
    tpu.wait_dma2 semaphore(%arg32 : memref<!tpu.dma_semaphore, #tpu.memory_space<semaphore_mem>>) src(%dma_wait3A_188 : memref<128xi32, #tpu.memory_space<hbm>>) dst(%dma_wait3A_187 : memref<128xi32, #tpu.memory_space<vmem>>)
    %get3A = arith.constant 0 : index
    %get3A_189 = tpu.vector_load %arg21[%get3A] {strides = array<i32>} : memref<128xf32, #tpu.memory_space<vmem>>, vector<16xf32>,
    %get3A_190 = vector.shape_cast %get3A_189 : vector<16xf32> to vector<16xf32>
    %get3A_191 = arith.constant 16 : index
    %get3A_192 = tpu.vector_load %arg21[%get3A_191] {strides = array<i32>} : memref<128xf32, #tpu.memory_space<vmem>>, vector<16xf32>,
    %get3A_193 = vector.shape_cast %get3A_192 : vector<16xf32> to vector<16xf32>
    %get3A_194 = arith.constant 32 : index
    %get3A_195 = tpu.vector_load %arg21[%get3A_194] {strides = array<i32>} : memref<128xf32, #tpu.memory_space<vmem>>, vector<16xf32>,
    %get3A_196 = vector.shape_cast %get3A_195 : vector<16xf32> to vector<16xf32>
    %get3A_197 = arith.constant 48 : index
    %get3A_198 = tpu.vector_load %arg21[%get3A_197] {strides = array<i32>} : memref<128xf32, #tpu.memory_space<vmem>>, vector<16xf32>,
    %get3A_199 = vector.shape_cast %get3A_198 : vector<16xf32> to vector<16xf32>
    %get3A_200 = arith.constant 64 : index
    %get3A_201 = tpu.vector_load %arg21[%get3A_200] {strides = array<i32>} : memref<128xf32, #tpu.memory_space<vmem>>, vector<16xf32>,
    %get3A_202 = vector.shape_cast %get3A_201 : vector<16xf32> to vector<16xf32>
    %get3A_203 = arith.constant 80 : index
    %get3A_204 = tpu.vector_load %arg21[%get3A_203] {strides = array<i32>} : memref<128xf32, #tpu.memory_space<vmem>>, vector<16xf32>,
    %get3A_205 = vector.shape_cast %get3A_204 : vector<16xf32> to vector<16xf32>
    %get3A_206 = arith.constant 96 : index
    %get3A_207 = tpu.vector_load %arg21[%get3A_206] {strides = array<i32>} : memref<128xf32, #tpu.memory_space<vmem>>, vector<16xf32>,
    %get3A_208 = vector.shape_cast %get3A_207 : vector<16xf32> to vector<16xf32>
    %get3A_209 = arith.constant 112 : index
    %get3A_210 = tpu.vector_load %arg21[%get3A_209] {strides = array<i32>} : memref<128xf32, #tpu.memory_space<vmem>>, vector<16xf32>,
    %get3A_211 = vector.shape_cast %get3A_210 : vector<16xf32> to vector<16xf32>
    %dma_start3A_212 = arith.constant 0 : i32
    %dma_start3A_213 = arith.constant 0 : i32
    %dma_start3A_214 = tpu.memref_slice %arg12[%dma_start3A_212, %dma_start3A_213] : memref<4x128xi32, #tpu.memory_space<vmem>> -> memref<1x128xi32, #tpu.memory_space<vmem>>
    %dma_start3A_215 = tpu.memref_squeeze %dma_start3A_214 : memref<1x128xi32, #tpu.memory_space<vmem>> -> memref<128xi32, #tpu.memory_space<vmem>>
    %dma_start3A_216 = arith.constant 0 : i32
    %dma_start3A_217 = arith.constant 0 : i32
    %dma_start3A_218 = tpu.memref_slice %arg6[%dma_start3A_216, %dma_start3A_217] : memref<100001x128xf32, #tpu.memory_space<hbm>> -> memref<100001x128xf32, #tpu.memory_space<hbm>>
    tpu.enqueue_indirect_dma source(%dma_start3A_218 : memref<100001x128xf32, #tpu.memory_space<hbm>>) target(%arg18 : memref<128x128xf32, #tpu.memory_space<vmem>>) offsets(%dma_start3A_215 : memref<128xi32, #tpu.memory_space<vmem>>) semaphore(%arg26 : memref<!tpu.dma_semaphore, #tpu.memory_space<semaphore_mem>>)
    %add3A_219 = arith.constant 0 : i32
    %add3A_220 = arith.addi %mul3A_2, %add3A_219 : i32
    %dma_start3A_221 = arith.constant 1 : i32
    %dma_start3A_222 = arith.constant 0 : i32
    %dma_start3A_223 = tpu.memref_slice %arg12[%dma_start3A_221, %dma_start3A_222] : memref<4x128xi32, #tpu.memory_space<vmem>> -> memref<1x128xi32, #tpu.memory_space<vmem>>
    %dma_start3A_224 = tpu.memref_squeeze %dma_start3A_223 : memref<1x128xi32, #tpu.memory_space<vmem>> -> memref<128xi32, #tpu.memory_space<vmem>>
    %dma_start3A_225 = arith.constant 0 : i32
    %dma_start3A_226 = arith.constant 0 : i32
    %dma_start3A_227 = tpu.memref_slice %arg6[%dma_start3A_225, %dma_start3A_226] : memref<100001x128xf32, #tpu.memory_space<hbm>> -> memref<100001x128xf32, #tpu.memory_space<hbm>>
    tpu.enqueue_indirect_dma source(%dma_start3A_227 : memref<100001x128xf32, #tpu.memory_space<hbm>>) target(%arg19 : memref<128x128xf32, #tpu.memory_space<vmem>>) offsets(%dma_start3A_224 : memref<128xi32, #tpu.memory_space<vmem>>) semaphore(%arg27 : memref<!tpu.dma_semaphore, #tpu.memory_space<semaphore_mem>>)
    %dma_wait3A_228 = arith.constant 0 : i32
    %dma_wait3A_229 = arith.constant 0 : i32
    %dma_wait3A_230 = tpu.memref_slice %arg12[%dma_wait3A_228, %dma_wait3A_229] : memref<4x128xi32, #tpu.memory_space<vmem>> -> memref<1x128xi32, #tpu.memory_space<vmem>>
    %dma_wait3A_231 = tpu.memref_squeeze %dma_wait3A_230 : memref<1x128xi32, #tpu.memory_space<vmem>> -> memref<128xi32, #tpu.memory_space<vmem>>
    %dma_wait3A_232 = arith.constant 0 : i32
    %dma_wait3A_233 = arith.constant 0 : i32
    %dma_wait3A_234 = tpu.memref_slice %arg6[%dma_wait3A_232, %dma_wait3A_233] : memref<100001x128xf32, #tpu.memory_space<hbm>> -> memref<100001x128xf32, #tpu.memory_space<hbm>>
    tpu.wait_indirect_dma semaphore(%arg26 : memref<!tpu.dma_semaphore, #tpu.memory_space<semaphore_mem>>) src(%dma_wait3A_234 : memref<100001x128xf32, #tpu.memory_space<hbm>>) dst(%arg18 : memref<128x128xf32, #tpu.memory_space<vmem>>)
    %dma_start3A_235 = arith.constant 0 : i32
    %dma_start3A_236 = tpu.memref_slice %arg10[%add3A_220, %dma_start3A_235] : memref<16384x128xf32, #tpu.memory_space<hbm>> -> memref<128x128xf32, #tpu.memory_space<hbm>>
    %dma_start3A_237 = arith.constant 0 : i32
    %dma_start3A_238 = tpu.memref_slice %arg10[%add3A_220, %dma_start3A_237] : memref<16384x128xf32, #tpu.memory_space<hbm>> -> memref<128x128xf32, #tpu.memory_space<hbm>>
    tpu.enqueue_dma source(%arg18 : memref<128x128xf32, #tpu.memory_space<vmem>>) target(%dma_start3A_238 : memref<128x128xf32, #tpu.memory_space<hbm>>) target_semaphore(%arg30 : memref<!tpu.dma_semaphore, #tpu.memory_space<semaphore_mem>>)
    %add3A_239 = arith.constant 128 : i32
    %add3A_240 = arith.addi %mul3A_2, %add3A_239 : i32
    %dma_wait3A_241 = arith.constant 0 : i32
    %dma_wait3A_242 = arith.constant 0 : i32
    %dma_wait3A_243 = tpu.memref_slice %arg12[%dma_wait3A_241, %dma_wait3A_242] : memref<4x128xi32, #tpu.memory_space<vmem>> -> memref<1x128xi32, #tpu.memory_space<vmem>>
    %dma_wait3A_244 = tpu.memref_squeeze %dma_wait3A_243 : memref<1x128xi32, #tpu.memory_space<vmem>> -> memref<128xi32, #tpu.memory_space<vmem>>
    %dma_wait3A_245 = arith.constant 0 : i32
    %dma_wait3A_246 = arith.constant 0 : i32
    %dma_wait3A_247 = tpu.memref_slice %arg4[%dma_wait3A_245, %dma_wait3A_246] : memref<100001x128xf32, #tpu.memory_space<hbm>> -> memref<100001x128xf32, #tpu.memory_space<hbm>>
    tpu.wait_indirect_dma semaphore(%arg22 : memref<!tpu.dma_semaphore, #tpu.memory_space<semaphore_mem>>) src(%dma_wait3A_247 : memref<100001x128xf32, #tpu.memory_space<hbm>>) dst(%arg14 : memref<128x128xf32, #tpu.memory_space<vmem>>)
    %dma_wait3A_248 = arith.constant 0 : i32
    %dma_wait3A_249 = arith.constant 0 : i32
    %dma_wait3A_250 = tpu.memref_slice %arg13[%dma_wait3A_248, %dma_wait3A_249] : memref<4x128xi32, #tpu.memory_space<vmem>> -> memref<1x128xi32, #tpu.memory_space<vmem>>
    %dma_wait3A_251 = tpu.memref_squeeze %dma_wait3A_250 : memref<1x128xi32, #tpu.memory_space<vmem>> -> memref<128xi32, #tpu.memory_space<vmem>>
    %dma_wait3A_252 = arith.constant 0 : i32
    %dma_wait3A_253 = arith.constant 0 : i32
    %dma_wait3A_254 = tpu.memref_slice %arg5[%dma_wait3A_252, %dma_wait3A_253] : memref<100001x128xf32, #tpu.memory_space<hbm>> -> memref<100001x128xf32, #tpu.memory_space<hbm>>
    tpu.wait_indirect_dma semaphore(%arg24 : memref<!tpu.dma_semaphore, #tpu.memory_space<semaphore_mem>>) src(%dma_wait3A_254 : memref<100001x128xf32, #tpu.memory_space<hbm>>) dst(%arg16 : memref<128x128xf32, #tpu.memory_space<vmem>>)
    %scan3A = arith.constant 0 : i32
    %scan3A_255 = arith.constant 0 : i32
    %scan3A_256 = arith.constant 128 : i32
    %scan3A_257 = arith.addi %scan3A_255, %scan3A_256 : i32
    %scan3A_258 = arith.constant 4 : i32
    %scan3A_259 = scf.for %scan3A_555 = %scan3A_255 to %scan3A_257 step %scan3A_258 iter_args(%scan3A_556 = %scan3A) -> (i32)  : i32 {
      %get3A_557 = arith.index_cast %scan3A_555 : i32 to index
      %get3A_558 = arith.constant 0 : index
      %get3A_559 = tpu.vector_load %arg14[%get3A_557, %get3A_558] {strides = array<i32>} : memref<128x128xf32, #tpu.memory_space<vmem>>, vector<1x16xf32>,
      %get3A_560 = vector.shape_cast %get3A_559 : vector<1x16xf32> to vector<16xf32>
      %get3A_561 = arith.index_cast %scan3A_555 : i32 to index
      %get3A_562 = arith.constant 0 : index
      %get3A_563 = tpu.vector_load %arg16[%get3A_561, %get3A_562] {strides = array<i32>} : memref<128x128xf32, #tpu.memory_space<vmem>>, vector<1x16xf32>,
      %get3A_564 = vector.shape_cast %get3A_563 : vector<1x16xf32> to vector<16xf32>
      %mul3A_565 = arith.mulf %get3A_560, %get3A_564 : vector<16xf32>
      %mul3A_566 = arith.mulf %mul3A_565, %get3A_190 : vector<16xf32>
      %get3A_567 = arith.index_cast %scan3A_555 : i32 to index
      %get3A_568 = arith.constant 16 : index
      %get3A_569 = tpu.vector_load %arg14[%get3A_567, %get3A_568] {strides = array<i32>} : memref<128x128xf32, #tpu.memory_space<vmem>>, vector<1x16xf32>,
      %get3A_570 = vector.shape_cast %get3A_569 : vector<1x16xf32> to vector<16xf32>
      %get3A_571 = arith.index_cast %scan3A_555 : i32 to index
      %get3A_572 = arith.constant 16 : index
      %get3A_573 = tpu.vector_load %arg16[%get3A_571, %get3A_572] {strides = array<i32>} : memref<128x128xf32, #tpu.memory_space<vmem>>, vector<1x16xf32>,
      %get3A_574 = vector.shape_cast %get3A_573 : vector<1x16xf32> to vector<16xf32>
      %mul3A_575 = arith.mulf %get3A_570, %get3A_574 : vector<16xf32>
      %mul3A_576 = arith.mulf %mul3A_575, %get3A_193 : vector<16xf32>
      %add3A_577 = arith.addf %mul3A_566, %mul3A_576 : vector<16xf32>
      %get3A_578 = arith.index_cast %scan3A_555 : i32 to index
      %get3A_579 = arith.constant 32 : index
      %get3A_580 = tpu.vector_load %arg14[%get3A_578, %get3A_579] {strides = array<i32>} : memref<128x128xf32, #tpu.memory_space<vmem>>, vector<1x16xf32>,
      %get3A_581 = vector.shape_cast %get3A_580 : vector<1x16xf32> to vector<16xf32>
      %get3A_582 = arith.index_cast %scan3A_555 : i32 to index
      %get3A_583 = arith.constant 32 : index
      %get3A_584 = tpu.vector_load %arg16[%get3A_582, %get3A_583] {strides = array<i32>} : memref<128x128xf32, #tpu.memory_space<vmem>>, vector<1x16xf32>,
      %get3A_585 = vector.shape_cast %get3A_584 : vector<1x16xf32> to vector<16xf32>
      %mul3A_586 = arith.mulf %get3A_581, %get3A_585 : vector<16xf32>
      %mul3A_587 = arith.mulf %mul3A_586, %get3A_196 : vector<16xf32>
      %add3A_588 = arith.addf %add3A_577, %mul3A_587 : vector<16xf32>
      %get3A_589 = arith.index_cast %scan3A_555 : i32 to index
      %get3A_590 = arith.constant 48 : index
      %get3A_591 = tpu.vector_load %arg14[%get3A_589, %get3A_590] {strides = array<i32>} : memref<128x128xf32, #tpu.memory_space<vmem>>, vector<1x16xf32>,
      %get3A_592 = vector.shape_cast %get3A_591 : vector<1x16xf32> to vector<16xf32>
      %get3A_593 = arith.index_cast %scan3A_555 : i32 to index
      %get3A_594 = arith.constant 48 : index
      %get3A_595 = tpu.vector_load %arg16[%get3A_593, %get3A_594] {strides = array<i32>} : memref<128x128xf32, #tpu.memory_space<vmem>>, vector<1x16xf32>,
      %get3A_596 = vector.shape_cast %get3A_595 : vector<1x16xf32> to vector<16xf32>
      %mul3A_597 = arith.mulf %get3A_592, %get3A_596 : vector<16xf32>
      %mul3A_598 = arith.mulf %mul3A_597, %get3A_199 : vector<16xf32>
      %add3A_599 = arith.addf %add3A_588, %mul3A_598 : vector<16xf32>
      %get3A_600 = arith.index_cast %scan3A_555 : i32 to index
      %get3A_601 = arith.constant 64 : index
      %get3A_602 = tpu.vector_load %arg14[%get3A_600, %get3A_601] {strides = array<i32>} : memref<128x128xf32, #tpu.memory_space<vmem>>, vector<1x16xf32>,
      %get3A_603 = vector.shape_cast %get3A_602 : vector<1x16xf32> to vector<16xf32>
      %get3A_604 = arith.index_cast %scan3A_555 : i32 to index
      %get3A_605 = arith.constant 64 : index
      %get3A_606 = tpu.vector_load %arg16[%get3A_604, %get3A_605] {strides = array<i32>} : memref<128x128xf32, #tpu.memory_space<vmem>>, vector<1x16xf32>,
      %get3A_607 = vector.shape_cast %get3A_606 : vector<1x16xf32> to vector<16xf32>
      %mul3A_608 = arith.mulf %get3A_603, %get3A_607 : vector<16xf32>
      %mul3A_609 = arith.mulf %mul3A_608, %get3A_202 : vector<16xf32>
      %add3A_610 = arith.addf %add3A_599, %mul3A_609 : vector<16xf32>
      %get3A_611 = arith.index_cast %scan3A_555 : i32 to index
      %get3A_612 = arith.constant 80 : index
      %get3A_613 = tpu.vector_load %arg14[%get3A_611, %get3A_612] {strides = array<i32>} : memref<128x128xf32, #tpu.memory_space<vmem>>, vector<1x16xf32>,
      %get3A_614 = vector.shape_cast %get3A_613 : vector<1x16xf32> to vector<16xf32>
      %get3A_615 = arith.index_cast %scan3A_555 : i32 to index
      %get3A_616 = arith.constant 80 : index
      %get3A_617 = tpu.vector_load %arg16[%get3A_615, %get3A_616] {strides = array<i32>} : memref<128x128xf32, #tpu.memory_space<vmem>>, vector<1x16xf32>,
      %get3A_618 = vector.shape_cast %get3A_617 : vector<1x16xf32> to vector<16xf32>
      %mul3A_619 = arith.mulf %get3A_614, %get3A_618 : vector<16xf32>
      %mul3A_620 = arith.mulf %mul3A_619, %get3A_205 : vector<16xf32>
      %add3A_621 = arith.addf %add3A_610, %mul3A_620 : vector<16xf32>
      %get3A_622 = arith.index_cast %scan3A_555 : i32 to index
      %get3A_623 = arith.constant 96 : index
      %get3A_624 = tpu.vector_load %arg14[%get3A_622, %get3A_623] {strides = array<i32>} : memref<128x128xf32, #tpu.memory_space<vmem>>, vector<1x16xf32>,
      %get3A_625 = vector.shape_cast %get3A_624 : vector<1x16xf32> to vector<16xf32>
      %get3A_626 = arith.index_cast %scan3A_555 : i32 to index
      %get3A_627 = arith.constant 96 : index
      %get3A_628 = tpu.vector_load %arg16[%get3A_626, %get3A_627] {strides = array<i32>} : memref<128x128xf32, #tpu.memory_space<vmem>>, vector<1x16xf32>,
      %get3A_629 = vector.shape_cast %get3A_628 : vector<1x16xf32> to vector<16xf32>
      %mul3A_630 = arith.mulf %get3A_625, %get3A_629 : vector<16xf32>
      %mul3A_631 = arith.mulf %mul3A_630, %get3A_208 : vector<16xf32>
      %add3A_632 = arith.addf %add3A_621, %mul3A_631 : vector<16xf32>
      %get3A_633 = arith.index_cast %scan3A_555 : i32 to index
      %get3A_634 = arith.constant 112 : index
      %get3A_635 = tpu.vector_load %arg14[%get3A_633, %get3A_634] {strides = array<i32>} : memref<128x128xf32, #tpu.memory_space<vmem>>, vector<1x16xf32>,
      %get3A_636 = vector.shape_cast %get3A_635 : vector<1x16xf32> to vector<16xf32>
      %get3A_637 = arith.index_cast %scan3A_555 : i32 to index
      %get3A_638 = arith.constant 112 : index
      %get3A_639 = tpu.vector_load %arg16[%get3A_637, %get3A_638] {strides = array<i32>} : memref<128x128xf32, #tpu.memory_space<vmem>>, vector<1x16xf32>,
      %get3A_640 = vector.shape_cast %get3A_639 : vector<1x16xf32> to vector<16xf32>
      %mul3A_641 = arith.mulf %get3A_636, %get3A_640 : vector<16xf32>
      %mul3A_642 = arith.mulf %mul3A_641, %get3A_211 : vector<16xf32>
      %add3A_643 = arith.addf %add3A_632, %mul3A_642 : vector<16xf32>
      %swap3A = arith.index_cast %scan3A_555 : i32 to index
      %swap3A_644 = arith.constant 0 : index
      %swap3A_645 = tpu.vector_load %arg20[%swap3A, %swap3A_644] {strides = array<i32>} : memref<128x16xf32, #tpu.memory_space<vmem>>, vector<1x16xf32>,
      %swap3A_646 = vector.shape_cast %swap3A_645 : vector<1x16xf32> to vector<16xf32>
      %swap3A_647 = vector.shape_cast %add3A_643 : vector<16xf32> to vector<1x16xf32>
      tpu.vector_store %arg20[%swap3A, %swap3A_644], %swap3A_647 {strides = array<i32>} : memref<128x16xf32, #tpu.memory_space<vmem>>, vector<1x16xf32>,
      %scan3A_648 = arith.constant 0 : i32
      %scan3A_649 = arith.constant 1 : i32
      %scan3A_650 = arith.addi %scan3A_555, %scan3A_649 : i32
      %get3A_651 = arith.index_cast %scan3A_650 : i32 to index
      %get3A_652 = arith.constant 0 : index
      %get3A_653 = tpu.vector_load %arg14[%get3A_651, %get3A_652] {strides = array<i32>} : memref<128x128xf32, #tpu.memory_space<vmem>>, vector<1x16xf32>,
      %get3A_654 = vector.shape_cast %get3A_653 : vector<1x16xf32> to vector<16xf32>
      %get3A_655 = arith.index_cast %scan3A_650 : i32 to index
      %get3A_656 = arith.constant 0 : index
      %get3A_657 = tpu.vector_load %arg16[%get3A_655, %get3A_656] {strides = array<i32>} : memref<128x128xf32, #tpu.memory_space<vmem>>, vector<1x16xf32>,
      %get3A_658 = vector.shape_cast %get3A_657 : vector<1x16xf32> to vector<16xf32>
      %mul3A_659 = arith.mulf %get3A_654, %get3A_658 : vector<16xf32>
      %mul3A_660 = arith.mulf %mul3A_659, %get3A_190 : vector<16xf32>
      %get3A_661 = arith.index_cast %scan3A_650 : i32 to index
      %get3A_662 = arith.constant 16 : index
      %get3A_663 = tpu.vector_load %arg14[%get3A_661, %get3A_662] {strides = array<i32>} : memref<128x128xf32, #tpu.memory_space<vmem>>, vector<1x16xf32>,
      %get3A_664 = vector.shape_cast %get3A_663 : vector<1x16xf32> to vector<16xf32>
      %get3A_665 = arith.index_cast %scan3A_650 : i32 to index
      %get3A_666 = arith.constant 16 : index
      %get3A_667 = tpu.vector_load %arg16[%get3A_665, %get3A_666] {strides = array<i32>} : memref<128x128xf32, #tpu.memory_space<vmem>>, vector<1x16xf32>,
      %get3A_668 = vector.shape_cast %get3A_667 : vector<1x16xf32> to vector<16xf32>
      %mul3A_669 = arith.mulf %get3A_664, %get3A_668 : vector<16xf32>
      %mul3A_670 = arith.mulf %mul3A_669, %get3A_193 : vector<16xf32>
      %add3A_671 = arith.addf %mul3A_660, %mul3A_670 : vector<16xf32>
      %get3A_672 = arith.index_cast %scan3A_650 : i32 to index
      %get3A_673 = arith.constant 32 : index
      %get3A_674 = tpu.vector_load %arg14[%get3A_672, %get3A_673] {strides = array<i32>} : memref<128x128xf32, #tpu.memory_space<vmem>>, vector<1x16xf32>,
      %get3A_675 = vector.shape_cast %get3A_674 : vector<1x16xf32> to vector<16xf32>
      %get3A_676 = arith.index_cast %scan3A_650 : i32 to index
      %get3A_677 = arith.constant 32 : index
      %get3A_678 = tpu.vector_load %arg16[%get3A_676, %get3A_677] {strides = array<i32>} : memref<128x128xf32, #tpu.memory_space<vmem>>, vector<1x16xf32>,
      %get3A_679 = vector.shape_cast %get3A_678 : vector<1x16xf32> to vector<16xf32>
      %mul3A_680 = arith.mulf %get3A_675, %get3A_679 : vector<16xf32>
      %mul3A_681 = arith.mulf %mul3A_680, %get3A_196 : vector<16xf32>
      %add3A_682 = arith.addf %add3A_671, %mul3A_681 : vector<16xf32>
      %get3A_683 = arith.index_cast %scan3A_650 : i32 to index
      %get3A_684 = arith.constant 48 : index
      %get3A_685 = tpu.vector_load %arg14[%get3A_683, %get3A_684] {strides = array<i32>} : memref<128x128xf32, #tpu.memory_space<vmem>>, vector<1x16xf32>,
      %get3A_686 = vector.shape_cast %get3A_685 : vector<1x16xf32> to vector<16xf32>
      %get3A_687 = arith.index_cast %scan3A_650 : i32 to index
      %get3A_688 = arith.constant 48 : index
      %get3A_689 = tpu.vector_load %arg16[%get3A_687, %get3A_688] {strides = array<i32>} : memref<128x128xf32, #tpu.memory_space<vmem>>, vector<1x16xf32>,
      %get3A_690 = vector.shape_cast %get3A_689 : vector<1x16xf32> to vector<16xf32>
      %mul3A_691 = arith.mulf %get3A_686, %get3A_690 : vector<16xf32>
      %mul3A_692 = arith.mulf %mul3A_691, %get3A_199 : vector<16xf32>
      %add3A_693 = arith.addf %add3A_682, %mul3A_692 : vector<16xf32>
      %get3A_694 = arith.index_cast %scan3A_650 : i32 to index
      %get3A_695 = arith.constant 64 : index
      %get3A_696 = tpu.vector_load %arg14[%get3A_694, %get3A_695] {strides = array<i32>} : memref<128x128xf32, #tpu.memory_space<vmem>>, vector<1x16xf32>,
      %get3A_697 = vector.shape_cast %get3A_696 : vector<1x16xf32> to vector<16xf32>
      %get3A_698 = arith.index_cast %scan3A_650 : i32 to index
      %get3A_699 = arith.constant 64 : index
      %get3A_700 = tpu.vector_load %arg16[%get3A_698, %get3A_699] {strides = array<i32>} : memref<128x128xf32, #tpu.memory_space<vmem>>, vector<1x16xf32>,
      %get3A_701 = vector.shape_cast %get3A_700 : vector<1x16xf32> to vector<16xf32>
      %mul3A_702 = arith.mulf %get3A_697, %get3A_701 : vector<16xf32>
      %mul3A_703 = arith.mulf %mul3A_702, %get3A_202 : vector<16xf32>
      %add3A_704 = arith.addf %add3A_693, %mul3A_703 : vector<16xf32>
      %get3A_705 = arith.index_cast %scan3A_650 : i32 to index
      %get3A_706 = arith.constant 80 : index
      %get3A_707 = tpu.vector_load %arg14[%get3A_705, %get3A_706] {strides = array<i32>} : memref<128x128xf32, #tpu.memory_space<vmem>>, vector<1x16xf32>,
      %get3A_708 = vector.shape_cast %get3A_707 : vector<1x16xf32> to vector<16xf32>
      %get3A_709 = arith.index_cast %scan3A_650 : i32 to index
      %get3A_710 = arith.constant 80 : index
      %get3A_711 = tpu.vector_load %arg16[%get3A_709, %get3A_710] {strides = array<i32>} : memref<128x128xf32, #tpu.memory_space<vmem>>, vector<1x16xf32>,
      %get3A_712 = vector.shape_cast %get3A_711 : vector<1x16xf32> to vector<16xf32>
      %mul3A_713 = arith.mulf %get3A_708, %get3A_712 : vector<16xf32>
      %mul3A_714 = arith.mulf %mul3A_713, %get3A_205 : vector<16xf32>
      %add3A_715 = arith.addf %add3A_704, %mul3A_714 : vector<16xf32>
      %get3A_716 = arith.index_cast %scan3A_650 : i32 to index
      %get3A_717 = arith.constant 96 : index
      %get3A_718 = tpu.vector_load %arg14[%get3A_716, %get3A_717] {strides = array<i32>} : memref<128x128xf32, #tpu.memory_space<vmem>>, vector<1x16xf32>,
      %get3A_719 = vector.shape_cast %get3A_718 : vector<1x16xf32> to vector<16xf32>
      %get3A_720 = arith.index_cast %scan3A_650 : i32 to index
      %get3A_721 = arith.constant 96 : index
      %get3A_722 = tpu.vector_load %arg16[%get3A_720, %get3A_721] {strides = array<i32>} : memref<128x128xf32, #tpu.memory_space<vmem>>, vector<1x16xf32>,
      %get3A_723 = vector.shape_cast %get3A_722 : vector<1x16xf32> to vector<16xf32>
      %mul3A_724 = arith.mulf %get3A_719, %get3A_723 : vector<16xf32>
      %mul3A_725 = arith.mulf %mul3A_724, %get3A_208 : vector<16xf32>
      %add3A_726 = arith.addf %add3A_715, %mul3A_725 : vector<16xf32>
      %get3A_727 = arith.index_cast %scan3A_650 : i32 to index
      %get3A_728 = arith.constant 112 : index
      %get3A_729 = tpu.vector_load %arg14[%get3A_727, %get3A_728] {strides = array<i32>} : memref<128x128xf32, #tpu.memory_space<vmem>>, vector<1x16xf32>,
      %get3A_730 = vector.shape_cast %get3A_729 : vector<1x16xf32> to vector<16xf32>
      %get3A_731 = arith.index_cast %scan3A_650 : i32 to index
      %get3A_732 = arith.constant 112 : index
      %get3A_733 = tpu.vector_load %arg16[%get3A_731, %get3A_732] {strides = array<i32>} : memref<128x128xf32, #tpu.memory_space<vmem>>, vector<1x16xf32>,
      %get3A_734 = vector.shape_cast %get3A_733 : vector<1x16xf32> to vector<16xf32>
      %mul3A_735 = arith.mulf %get3A_730, %get3A_734 : vector<16xf32>
      %mul3A_736 = arith.mulf %mul3A_735, %get3A_211 : vector<16xf32>
      %add3A_737 = arith.addf %add3A_726, %mul3A_736 : vector<16xf32>
      %swap3A_738 = arith.index_cast %scan3A_650 : i32 to index
      %swap3A_739 = arith.constant 0 : index
      %swap3A_740 = tpu.vector_load %arg20[%swap3A_738, %swap3A_739] {strides = array<i32>} : memref<128x16xf32, #tpu.memory_space<vmem>>, vector<1x16xf32>,
      %swap3A_741 = vector.shape_cast %swap3A_740 : vector<1x16xf32> to vector<16xf32>
      %swap3A_742 = vector.shape_cast %add3A_737 : vector<16xf32> to vector<1x16xf32>
      tpu.vector_store %arg20[%swap3A_738, %swap3A_739], %swap3A_742 {strides = array<i32>} : memref<128x16xf32, #tpu.memory_space<vmem>>, vector<1x16xf32>,
      %scan3A_743 = arith.constant 0 : i32
      %scan3A_744 = arith.constant 2 : i32
      %scan3A_745 = arith.addi %scan3A_555, %scan3A_744 : i32
      %get3A_746 = arith.index_cast %scan3A_745 : i32 to index
      %get3A_747 = arith.constant 0 : index
      %get3A_748 = tpu.vector_load %arg14[%get3A_746, %get3A_747] {strides = array<i32>} : memref<128x128xf32, #tpu.memory_space<vmem>>, vector<1x16xf32>,
      %get3A_749 = vector.shape_cast %get3A_748 : vector<1x16xf32> to vector<16xf32>
      %get3A_750 = arith.index_cast %scan3A_745 : i32 to index
      %get3A_751 = arith.constant 0 : index
      %get3A_752 = tpu.vector_load %arg16[%get3A_750, %get3A_751] {strides = array<i32>} : memref<128x128xf32, #tpu.memory_space<vmem>>, vector<1x16xf32>,
      %get3A_753 = vector.shape_cast %get3A_752 : vector<1x16xf32> to vector<16xf32>
      %mul3A_754 = arith.mulf %get3A_749, %get3A_753 : vector<16xf32>
      %mul3A_755 = arith.mulf %mul3A_754, %get3A_190 : vector<16xf32>
      %get3A_756 = arith.index_cast %scan3A_745 : i32 to index
      %get3A_757 = arith.constant 16 : index
      %get3A_758 = tpu.vector_load %arg14[%get3A_756, %get3A_757] {strides = array<i32>} : memref<128x128xf32, #tpu.memory_space<vmem>>, vector<1x16xf32>,
      %get3A_759 = vector.shape_cast %get3A_758 : vector<1x16xf32> to vector<16xf32>
      %get3A_760 = arith.index_cast %scan3A_745 : i32 to index
      %get3A_761 = arith.constant 16 : index
      %get3A_762 = tpu.vector_load %arg16[%get3A_760, %get3A_761] {strides = array<i32>} : memref<128x128xf32, #tpu.memory_space<vmem>>, vector<1x16xf32>,
      %get3A_763 = vector.shape_cast %get3A_762 : vector<1x16xf32> to vector<16xf32>
      %mul3A_764 = arith.mulf %get3A_759, %get3A_763 : vector<16xf32>
      %mul3A_765 = arith.mulf %mul3A_764, %get3A_193 : vector<16xf32>
      %add3A_766 = arith.addf %mul3A_755, %mul3A_765 : vector<16xf32>
      %get3A_767 = arith.index_cast %scan3A_745 : i32 to index
      %get3A_768 = arith.constant 32 : index
      %get3A_769 = tpu.vector_load %arg14[%get3A_767, %get3A_768] {strides = array<i32>} : memref<128x128xf32, #tpu.memory_space<vmem>>, vector<1x16xf32>,
      %get3A_770 = vector.shape_cast %get3A_769 : vector<1x16xf32> to vector<16xf32>
      %get3A_771 = arith.index_cast %scan3A_745 : i32 to index
      %get3A_772 = arith.constant 32 : index
      %get3A_773 = tpu.vector_load %arg16[%get3A_771, %get3A_772] {strides = array<i32>} : memref<128x128xf32, #tpu.memory_space<vmem>>, vector<1x16xf32>,
      %get3A_774 = vector.shape_cast %get3A_773 : vector<1x16xf32> to vector<16xf32>
      %mul3A_775 = arith.mulf %get3A_770, %get3A_774 : vector<16xf32>
      %mul3A_776 = arith.mulf %mul3A_775, %get3A_196 : vector<16xf32>
      %add3A_777 = arith.addf %add3A_766, %mul3A_776 : vector<16xf32>
      %get3A_778 = arith.index_cast %scan3A_745 : i32 to index
      %get3A_779 = arith.constant 48 : index
      %get3A_780 = tpu.vector_load %arg14[%get3A_778, %get3A_779] {strides = array<i32>} : memref<128x128xf32, #tpu.memory_space<vmem>>, vector<1x16xf32>,
      %get3A_781 = vector.shape_cast %get3A_780 : vector<1x16xf32> to vector<16xf32>
      %get3A_782 = arith.index_cast %scan3A_745 : i32 to index
      %get3A_783 = arith.constant 48 : index
      %get3A_784 = tpu.vector_load %arg16[%get3A_782, %get3A_783] {strides = array<i32>} : memref<128x128xf32, #tpu.memory_space<vmem>>, vector<1x16xf32>,
      %get3A_785 = vector.shape_cast %get3A_784 : vector<1x16xf32> to vector<16xf32>
      %mul3A_786 = arith.mulf %get3A_781, %get3A_785 : vector<16xf32>
      %mul3A_787 = arith.mulf %mul3A_786, %get3A_199 : vector<16xf32>
      %add3A_788 = arith.addf %add3A_777, %mul3A_787 : vector<16xf32>
      %get3A_789 = arith.index_cast %scan3A_745 : i32 to index
      %get3A_790 = arith.constant 64 : index
      %get3A_791 = tpu.vector_load %arg14[%get3A_789, %get3A_790] {strides = array<i32>} : memref<128x128xf32, #tpu.memory_space<vmem>>, vector<1x16xf32>,
      %get3A_792 = vector.shape_cast %get3A_791 : vector<1x16xf32> to vector<16xf32>
      %get3A_793 = arith.index_cast %scan3A_745 : i32 to index
      %get3A_794 = arith.constant 64 : index
      %get3A_795 = tpu.vector_load %arg16[%get3A_793, %get3A_794] {strides = array<i32>} : memref<128x128xf32, #tpu.memory_space<vmem>>, vector<1x16xf32>,
      %get3A_796 = vector.shape_cast %get3A_795 : vector<1x16xf32> to vector<16xf32>
      %mul3A_797 = arith.mulf %get3A_792, %get3A_796 : vector<16xf32>
      %mul3A_798 = arith.mulf %mul3A_797, %get3A_202 : vector<16xf32>
      %add3A_799 = arith.addf %add3A_788, %mul3A_798 : vector<16xf32>
      %get3A_800 = arith.index_cast %scan3A_745 : i32 to index
      %get3A_801 = arith.constant 80 : index
      %get3A_802 = tpu.vector_load %arg14[%get3A_800, %get3A_801] {strides = array<i32>} : memref<128x128xf32, #tpu.memory_space<vmem>>, vector<1x16xf32>,
      %get3A_803 = vector.shape_cast %get3A_802 : vector<1x16xf32> to vector<16xf32>
      %get3A_804 = arith.index_cast %scan3A_745 : i32 to index
      %get3A_805 = arith.constant 80 : index
      %get3A_806 = tpu.vector_load %arg16[%get3A_804, %get3A_805] {strides = array<i32>} : memref<128x128xf32, #tpu.memory_space<vmem>>, vector<1x16xf32>,
      %get3A_807 = vector.shape_cast %get3A_806 : vector<1x16xf32> to vector<16xf32>
      %mul3A_808 = arith.mulf %get3A_803, %get3A_807 : vector<16xf32>
      %mul3A_809 = arith.mulf %mul3A_808, %get3A_205 : vector<16xf32>
      %add3A_810 = arith.addf %add3A_799, %mul3A_809 : vector<16xf32>
      %get3A_811 = arith.index_cast %scan3A_745 : i32 to index
      %get3A_812 = arith.constant 96 : index
      %get3A_813 = tpu.vector_load %arg14[%get3A_811, %get3A_812] {strides = array<i32>} : memref<128x128xf32, #tpu.memory_space<vmem>>, vector<1x16xf32>,
      %get3A_814 = vector.shape_cast %get3A_813 : vector<1x16xf32> to vector<16xf32>
      %get3A_815 = arith.index_cast %scan3A_745 : i32 to index
      %get3A_816 = arith.constant 96 : index
      %get3A_817 = tpu.vector_load %arg16[%get3A_815, %get3A_816] {strides = array<i32>} : memref<128x128xf32, #tpu.memory_space<vmem>>, vector<1x16xf32>,
      %get3A_818 = vector.shape_cast %get3A_817 : vector<1x16xf32> to vector<16xf32>
      %mul3A_819 = arith.mulf %get3A_814, %get3A_818 : vector<16xf32>
      %mul3A_820 = arith.mulf %mul3A_819, %get3A_208 : vector<16xf32>
      %add3A_821 = arith.addf %add3A_810, %mul3A_820 : vector<16xf32>
      %get3A_822 = arith.index_cast %scan3A_745 : i32 to index
      %get3A_823 = arith.constant 112 : index
      %get3A_824 = tpu.vector_load %arg14[%get3A_822, %get3A_823] {strides = array<i32>} : memref<128x128xf32, #tpu.memory_space<vmem>>, vector<1x16xf32>,
      %get3A_825 = vector.shape_cast %get3A_824 : vector<1x16xf32> to vector<16xf32>
      %get3A_826 = arith.index_cast %scan3A_745 : i32 to index
      %get3A_827 = arith.constant 112 : index
      %get3A_828 = tpu.vector_load %arg16[%get3A_826, %get3A_827] {strides = array<i32>} : memref<128x128xf32, #tpu.memory_space<vmem>>, vector<1x16xf32>,
      %get3A_829 = vector.shape_cast %get3A_828 : vector<1x16xf32> to vector<16xf32>
      %mul3A_830 = arith.mulf %get3A_825, %get3A_829 : vector<16xf32>
      %mul3A_831 = arith.mulf %mul3A_830, %get3A_211 : vector<16xf32>
      %add3A_832 = arith.addf %add3A_821, %mul3A_831 : vector<16xf32>
      %swap3A_833 = arith.index_cast %scan3A_745 : i32 to index
      %swap3A_834 = arith.constant 0 : index
      %swap3A_835 = tpu.vector_load %arg20[%swap3A_833, %swap3A_834] {strides = array<i32>} : memref<128x16xf32, #tpu.memory_space<vmem>>, vector<1x16xf32>,
      %swap3A_836 = vector.shape_cast %swap3A_835 : vector<1x16xf32> to vector<16xf32>
      %swap3A_837 = vector.shape_cast %add3A_832 : vector<16xf32> to vector<1x16xf32>
      tpu.vector_store %arg20[%swap3A_833, %swap3A_834], %swap3A_837 {strides = array<i32>} : memref<128x16xf32, #tpu.memory_space<vmem>>, vector<1x16xf32>,
      %scan3A_838 = arith.constant 0 : i32
      %scan3A_839 = arith.constant 3 : i32
      %scan3A_840 = arith.addi %scan3A_555, %scan3A_839 : i32
      %get3A_841 = arith.index_cast %scan3A_840 : i32 to index
      %get3A_842 = arith.constant 0 : index
      %get3A_843 = tpu.vector_load %arg14[%get3A_841, %get3A_842] {strides = array<i32>} : memref<128x128xf32, #tpu.memory_space<vmem>>, vector<1x16xf32>,
      %get3A_844 = vector.shape_cast %get3A_843 : vector<1x16xf32> to vector<16xf32>
      %get3A_845 = arith.index_cast %scan3A_840 : i32 to index
      %get3A_846 = arith.constant 0 : index
      %get3A_847 = tpu.vector_load %arg16[%get3A_845, %get3A_846] {strides = array<i32>} : memref<128x128xf32, #tpu.memory_space<vmem>>, vector<1x16xf32>,
      %get3A_848 = vector.shape_cast %get3A_847 : vector<1x16xf32> to vector<16xf32>
      %mul3A_849 = arith.mulf %get3A_844, %get3A_848 : vector<16xf32>
      %mul3A_850 = arith.mulf %mul3A_849, %get3A_190 : vector<16xf32>
      %get3A_851 = arith.index_cast %scan3A_840 : i32 to index
      %get3A_852 = arith.constant 16 : index
      %get3A_853 = tpu.vector_load %arg14[%get3A_851, %get3A_852] {strides = array<i32>} : memref<128x128xf32, #tpu.memory_space<vmem>>, vector<1x16xf32>,
      %get3A_854 = vector.shape_cast %get3A_853 : vector<1x16xf32> to vector<16xf32>
      %get3A_855 = arith.index_cast %scan3A_840 : i32 to index
      %get3A_856 = arith.constant 16 : index
      %get3A_857 = tpu.vector_load %arg16[%get3A_855, %get3A_856] {strides = array<i32>} : memref<128x128xf32, #tpu.memory_space<vmem>>, vector<1x16xf32>,
      %get3A_858 = vector.shape_cast %get3A_857 : vector<1x16xf32> to vector<16xf32>
      %mul3A_859 = arith.mulf %get3A_854, %get3A_858 : vector<16xf32>
      %mul3A_860 = arith.mulf %mul3A_859, %get3A_193 : vector<16xf32>
      %add3A_861 = arith.addf %mul3A_850, %mul3A_860 : vector<16xf32>
      %get3A_862 = arith.index_cast %scan3A_840 : i32 to index
      %get3A_863 = arith.constant 32 : index
      %get3A_864 = tpu.vector_load %arg14[%get3A_862, %get3A_863] {strides = array<i32>} : memref<128x128xf32, #tpu.memory_space<vmem>>, vector<1x16xf32>,
      %get3A_865 = vector.shape_cast %get3A_864 : vector<1x16xf32> to vector<16xf32>
      %get3A_866 = arith.index_cast %scan3A_840 : i32 to index
      %get3A_867 = arith.constant 32 : index
      %get3A_868 = tpu.vector_load %arg16[%get3A_866, %get3A_867] {strides = array<i32>} : memref<128x128xf32, #tpu.memory_space<vmem>>, vector<1x16xf32>,
      %get3A_869 = vector.shape_cast %get3A_868 : vector<1x16xf32> to vector<16xf32>
      %mul3A_870 = arith.mulf %get3A_865, %get3A_869 : vector<16xf32>
      %mul3A_871 = arith.mulf %mul3A_870, %get3A_196 : vector<16xf32>
      %add3A_872 = arith.addf %add3A_861, %mul3A_871 : vector<16xf32>
      %get3A_873 = arith.index_cast %scan3A_840 : i32 to index
      %get3A_874 = arith.constant 48 : index
      %get3A_875 = tpu.vector_load %arg14[%get3A_873, %get3A_874] {strides = array<i32>} : memref<128x128xf32, #tpu.memory_space<vmem>>, vector<1x16xf32>,
      %get3A_876 = vector.shape_cast %get3A_875 : vector<1x16xf32> to vector<16xf32>
      %get3A_877 = arith.index_cast %scan3A_840 : i32 to index
      %get3A_878 = arith.constant 48 : index
      %get3A_879 = tpu.vector_load %arg16[%get3A_877, %get3A_878] {strides = array<i32>} : memref<128x128xf32, #tpu.memory_space<vmem>>, vector<1x16xf32>,
      %get3A_880 = vector.shape_cast %get3A_879 : vector<1x16xf32> to vector<16xf32>
      %mul3A_881 = arith.mulf %get3A_876, %get3A_880 : vector<16xf32>
      %mul3A_882 = arith.mulf %mul3A_881, %get3A_199 : vector<16xf32>
      %add3A_883 = arith.addf %add3A_872, %mul3A_882 : vector<16xf32>
      %get3A_884 = arith.index_cast %scan3A_840 : i32 to index
      %get3A_885 = arith.constant 64 : index
      %get3A_886 = tpu.vector_load %arg14[%get3A_884, %get3A_885] {strides = array<i32>} : memref<128x128xf32, #tpu.memory_space<vmem>>, vector<1x16xf32>,
      %get3A_887 = vector.shape_cast %get3A_886 : vector<1x16xf32> to vector<16xf32>
      %get3A_888 = arith.index_cast %scan3A_840 : i32 to index
      %get3A_889 = arith.constant 64 : index
      %get3A_890 = tpu.vector_load %arg16[%get3A_888, %get3A_889] {strides = array<i32>} : memref<128x128xf32, #tpu.memory_space<vmem>>, vector<1x16xf32>,
      %get3A_891 = vector.shape_cast %get3A_890 : vector<1x16xf32> to vector<16xf32>
      %mul3A_892 = arith.mulf %get3A_887, %get3A_891 : vector<16xf32>
      %mul3A_893 = arith.mulf %mul3A_892, %get3A_202 : vector<16xf32>
      %add3A_894 = arith.addf %add3A_883, %mul3A_893 : vector<16xf32>
      %get3A_895 = arith.index_cast %scan3A_840 : i32 to index
      %get3A_896 = arith.constant 80 : index
      %get3A_897 = tpu.vector_load %arg14[%get3A_895, %get3A_896] {strides = array<i32>} : memref<128x128xf32, #tpu.memory_space<vmem>>, vector<1x16xf32>,
      %get3A_898 = vector.shape_cast %get3A_897 : vector<1x16xf32> to vector<16xf32>
      %get3A_899 = arith.index_cast %scan3A_840 : i32 to index
      %get3A_900 = arith.constant 80 : index
      %get3A_901 = tpu.vector_load %arg16[%get3A_899, %get3A_900] {strides = array<i32>} : memref<128x128xf32, #tpu.memory_space<vmem>>, vector<1x16xf32>,
      %get3A_902 = vector.shape_cast %get3A_901 : vector<1x16xf32> to vector<16xf32>
      %mul3A_903 = arith.mulf %get3A_898, %get3A_902 : vector<16xf32>
      %mul3A_904 = arith.mulf %mul3A_903, %get3A_205 : vector<16xf32>
      %add3A_905 = arith.addf %add3A_894, %mul3A_904 : vector<16xf32>
      %get3A_906 = arith.index_cast %scan3A_840 : i32 to index
      %get3A_907 = arith.constant 96 : index
      %get3A_908 = tpu.vector_load %arg14[%get3A_906, %get3A_907] {strides = array<i32>} : memref<128x128xf32, #tpu.memory_space<vmem>>, vector<1x16xf32>,
      %get3A_909 = vector.shape_cast %get3A_908 : vector<1x16xf32> to vector<16xf32>
      %get3A_910 = arith.index_cast %scan3A_840 : i32 to index
      %get3A_911 = arith.constant 96 : index
      %get3A_912 = tpu.vector_load %arg16[%get3A_910, %get3A_911] {strides = array<i32>} : memref<128x128xf32, #tpu.memory_space<vmem>>, vector<1x16xf32>,
      %get3A_913 = vector.shape_cast %get3A_912 : vector<1x16xf32> to vector<16xf32>
      %mul3A_914 = arith.mulf %get3A_909, %get3A_913 : vector<16xf32>
      %mul3A_915 = arith.mulf %mul3A_914, %get3A_208 : vector<16xf32>
      %add3A_916 = arith.addf %add3A_905, %mul3A_915 : vector<16xf32>
      %get3A_917 = arith.index_cast %scan3A_840 : i32 to index
      %get3A_918 = arith.constant 112 : index
      %get3A_919 = tpu.vector_load %arg14[%get3A_917, %get3A_918] {strides = array<i32>} : memref<128x128xf32, #tpu.memory_space<vmem>>, vector<1x16xf32>,
      %get3A_920 = vector.shape_cast %get3A_919 : vector<1x16xf32> to vector<16xf32>
      %get3A_921 = arith.index_cast %scan3A_840 : i32 to index
      %get3A_922 = arith.constant 112 : index
      %get3A_923 = tpu.vector_load %arg16[%get3A_921, %get3A_922] {strides = array<i32>} : memref<128x128xf32, #tpu.memory_space<vmem>>, vector<1x16xf32>,
      %get3A_924 = vector.shape_cast %get3A_923 : vector<1x16xf32> to vector<16xf32>
      %mul3A_925 = arith.mulf %get3A_920, %get3A_924 : vector<16xf32>
      %mul3A_926 = arith.mulf %mul3A_925, %get3A_211 : vector<16xf32>
      %add3A_927 = arith.addf %add3A_916, %mul3A_926 : vector<16xf32>
      %swap3A_928 = arith.index_cast %scan3A_840 : i32 to index
      %swap3A_929 = arith.constant 0 : index
      %swap3A_930 = tpu.vector_load %arg20[%swap3A_928, %swap3A_929] {strides = array<i32>} : memref<128x16xf32, #tpu.memory_space<vmem>>, vector<1x16xf32>,
      %swap3A_931 = vector.shape_cast %swap3A_930 : vector<1x16xf32> to vector<16xf32>
      %swap3A_932 = vector.shape_cast %add3A_927 : vector<16xf32> to vector<1x16xf32>
      tpu.vector_store %arg20[%swap3A_928, %swap3A_929], %swap3A_932 {strides = array<i32>} : memref<128x16xf32, #tpu.memory_space<vmem>>, vector<1x16xf32>,
      %scan3A_933 = arith.constant 0 : i32
      scf.yield %scan3A_933 : i32
    }
    %scan3A_260 = arith.constant 128 : i32
    %add3A_261 = arith.constant 0 : i32
    %add3A_262 = arith.addi %mul3A_2, %add3A_261 : i32
    %dma_start3A_263 = arith.constant 0 : i32
    %dma_start3A_264 = tpu.memref_slice %arg9[%add3A_262, %dma_start3A_263] : memref<16384x16xf32, #tpu.memory_space<hbm>> -> memref<128x16xf32, #tpu.memory_space<hbm>>
    %dma_start3A_265 = arith.constant 0 : i32
    %dma_start3A_266 = tpu.memref_slice %arg9[%add3A_262, %dma_start3A_265] : memref<16384x16xf32, #tpu.memory_space<hbm>> -> memref<128x16xf32, #tpu.memory_space<hbm>>
    tpu.enqueue_dma source(%arg20 : memref<128x16xf32, #tpu.memory_space<vmem>>) target(%dma_start3A_266 : memref<128x16xf32, #tpu.memory_space<hbm>>) target_semaphore(%arg28 : memref<!tpu.dma_semaphore, #tpu.memory_space<semaphore_mem>>)
    %dma_start3A_267 = arith.constant 2 : i32
    %dma_start3A_268 = arith.constant 0 : i32
    %dma_start3A_269 = tpu.memref_slice %arg12[%dma_start3A_267, %dma_start3A_268] : memref<4x128xi32, #tpu.memory_space<vmem>> -> memref<1x128xi32, #tpu.memory_space<vmem>>
    %dma_start3A_270 = tpu.memref_squeeze %dma_start3A_269 : memref<1x128xi32, #tpu.memory_space<vmem>> -> memref<128xi32, #tpu.memory_space<vmem>>
    %dma_start3A_271 = arith.constant 0 : i32
    %dma_start3A_272 = arith.constant 0 : i32
    %dma_start3A_273 = tpu.memref_slice %arg4[%dma_start3A_271, %dma_start3A_272] : memref<100001x128xf32, #tpu.memory_space<hbm>> -> memref<100001x128xf32, #tpu.memory_space<hbm>>
    tpu.enqueue_indirect_dma source(%dma_start3A_273 : memref<100001x128xf32, #tpu.memory_space<hbm>>) target(%arg14 : memref<128x128xf32, #tpu.memory_space<vmem>>) offsets(%dma_start3A_270 : memref<128xi32, #tpu.memory_space<vmem>>) semaphore(%arg22 : memref<!tpu.dma_semaphore, #tpu.memory_space<semaphore_mem>>)
    %dma_start3A_274 = arith.constant 2 : i32
    %dma_start3A_275 = arith.constant 0 : i32
    %dma_start3A_276 = tpu.memref_slice %arg13[%dma_start3A_274, %dma_start3A_275] : memref<4x128xi32, #tpu.memory_space<vmem>> -> memref<1x128xi32, #tpu.memory_space<vmem>>
    %dma_start3A_277 = tpu.memref_squeeze %dma_start3A_276 : memref<1x128xi32, #tpu.memory_space<vmem>> -> memref<128xi32, #tpu.memory_space<vmem>>
    %dma_start3A_278 = arith.constant 0 : i32
    %dma_start3A_279 = arith.constant 0 : i32
    %dma_start3A_280 = tpu.memref_slice %arg5[%dma_start3A_278, %dma_start3A_279] : memref<100001x128xf32, #tpu.memory_space<hbm>> -> memref<100001x128xf32, #tpu.memory_space<hbm>>
    tpu.enqueue_indirect_dma source(%dma_start3A_280 : memref<100001x128xf32, #tpu.memory_space<hbm>>) target(%arg16 : memref<128x128xf32, #tpu.memory_space<vmem>>) offsets(%dma_start3A_277 : memref<128xi32, #tpu.memory_space<vmem>>) semaphore(%arg24 : memref<!tpu.dma_semaphore, #tpu.memory_space<semaphore_mem>>)
    %dma_wait3A_281 = arith.constant 0 : i32
    %dma_wait3A_282 = tpu.memref_slice %arg10[%add3A_220, %dma_wait3A_281] : memref<16384x128xf32, #tpu.memory_space<hbm>> -> memref<128x128xf32, #tpu.memory_space<hbm>>
    %dma_wait3A_283 = arith.constant 0 : i32
    %dma_wait3A_284 = tpu.memref_slice %arg10[%add3A_220, %dma_wait3A_283] : memref<16384x128xf32, #tpu.memory_space<hbm>> -> memref<128x128xf32, #tpu.memory_space<hbm>>
    tpu.wait_dma2 semaphore(%arg30 : memref<!tpu.dma_semaphore, #tpu.memory_space<semaphore_mem>>) src(%arg18 : memref<128x128xf32, #tpu.memory_space<vmem>>) dst(%dma_wait3A_284 : memref<128x128xf32, #tpu.memory_space<hbm>>)
    %dma_start3A_285 = arith.constant 2 : i32
    %dma_start3A_286 = arith.constant 0 : i32
    %dma_start3A_287 = tpu.memref_slice %arg12[%dma_start3A_285, %dma_start3A_286] : memref<4x128xi32, #tpu.memory_space<vmem>> -> memref<1x128xi32, #tpu.memory_space<vmem>>
    %dma_start3A_288 = tpu.memref_squeeze %dma_start3A_287 : memref<1x128xi32, #tpu.memory_space<vmem>> -> memref<128xi32, #tpu.memory_space<vmem>>
    %dma_start3A_289 = arith.constant 0 : i32
    %dma_start3A_290 = arith.constant 0 : i32
    %dma_start3A_291 = tpu.memref_slice %arg6[%dma_start3A_289, %dma_start3A_290] : memref<100001x128xf32, #tpu.memory_space<hbm>> -> memref<100001x128xf32, #tpu.memory_space<hbm>>
    tpu.enqueue_indirect_dma source(%dma_start3A_291 : memref<100001x128xf32, #tpu.memory_space<hbm>>) target(%arg18 : memref<128x128xf32, #tpu.memory_space<vmem>>) offsets(%dma_start3A_288 : memref<128xi32, #tpu.memory_space<vmem>>) semaphore(%arg26 : memref<!tpu.dma_semaphore, #tpu.memory_space<semaphore_mem>>)
    %dma_wait3A_292 = arith.constant 1 : i32
    %dma_wait3A_293 = arith.constant 0 : i32
    %dma_wait3A_294 = tpu.memref_slice %arg12[%dma_wait3A_292, %dma_wait3A_293] : memref<4x128xi32, #tpu.memory_space<vmem>> -> memref<1x128xi32, #tpu.memory_space<vmem>>
    %dma_wait3A_295 = tpu.memref_squeeze %dma_wait3A_294 : memref<1x128xi32, #tpu.memory_space<vmem>> -> memref<128xi32, #tpu.memory_space<vmem>>
    %dma_wait3A_296 = arith.constant 0 : i32
    %dma_wait3A_297 = arith.constant 0 : i32
    %dma_wait3A_298 = tpu.memref_slice %arg6[%dma_wait3A_296, %dma_wait3A_297] : memref<100001x128xf32, #tpu.memory_space<hbm>> -> memref<100001x128xf32, #tpu.memory_space<hbm>>
    tpu.wait_indirect_dma semaphore(%arg27 : memref<!tpu.dma_semaphore, #tpu.memory_space<semaphore_mem>>) src(%dma_wait3A_298 : memref<100001x128xf32, #tpu.memory_space<hbm>>) dst(%arg19 : memref<128x128xf32, #tpu.memory_space<vmem>>)
    %dma_start3A_299 = arith.constant 0 : i32
    %dma_start3A_300 = tpu.memref_slice %arg10[%add3A_240, %dma_start3A_299] : memref<16384x128xf32, #tpu.memory_space<hbm>> -> memref<128x128xf32, #tpu.memory_space<hbm>>
    %dma_start3A_301 = arith.constant 0 : i32
    %dma_start3A_302 = tpu.memref_slice %arg10[%add3A_240, %dma_start3A_301] : memref<16384x128xf32, #tpu.memory_space<hbm>> -> memref<128x128xf32, #tpu.memory_space<hbm>>
    tpu.enqueue_dma source(%arg19 : memref<128x128xf32, #tpu.memory_space<vmem>>) target(%dma_start3A_302 : memref<128x128xf32, #tpu.memory_space<hbm>>) target_semaphore(%arg31 : memref<!tpu.dma_semaphore, #tpu.memory_space<semaphore_mem>>)
    %add3A_303 = arith.constant 256 : i32
    %add3A_304 = arith.addi %mul3A_2, %add3A_303 : i32
    %dma_wait3A_305 = arith.constant 0 : i32
    %dma_wait3A_306 = tpu.memref_slice %arg10[%add3A_240, %dma_wait3A_305] : memref<16384x128xf32, #tpu.memory_space<hbm>> -> memref<128x128xf32, #tpu.memory_space<hbm>>
    %dma_wait3A_307 = arith.constant 0 : i32
    %dma_wait3A_308 = tpu.memref_slice %arg10[%add3A_240, %dma_wait3A_307] : memref<16384x128xf32, #tpu.memory_space<hbm>> -> memref<128x128xf32, #tpu.memory_space<hbm>>
    tpu.wait_dma2 semaphore(%arg31 : memref<!tpu.dma_semaphore, #tpu.memory_space<semaphore_mem>>) src(%arg19 : memref<128x128xf32, #tpu.memory_space<vmem>>) dst(%dma_wait3A_308 : memref<128x128xf32, #tpu.memory_space<hbm>>)
    %dma_start3A_309 = arith.constant 3 : i32
    %dma_start3A_310 = arith.constant 0 : i32
    %dma_start3A_311 = tpu.memref_slice %arg12[%dma_start3A_309, %dma_start3A_310] : memref<4x128xi32, #tpu.memory_space<vmem>> -> memref<1x128xi32, #tpu.memory_space<vmem>>
    %dma_start3A_312 = tpu.memref_squeeze %dma_start3A_311 : memref<1x128xi32, #tpu.memory_space<vmem>> -> memref<128xi32, #tpu.memory_space<vmem>>
    %dma_start3A_313 = arith.constant 0 : i32
    %dma_start3A_314 = arith.constant 0 : i32
    %dma_start3A_315 = tpu.memref_slice %arg6[%dma_start3A_313, %dma_start3A_314] : memref<100001x128xf32, #tpu.memory_space<hbm>> -> memref<100001x128xf32, #tpu.memory_space<hbm>>
    tpu.enqueue_indirect_dma source(%dma_start3A_315 : memref<100001x128xf32, #tpu.memory_space<hbm>>) target(%arg19 : memref<128x128xf32, #tpu.memory_space<vmem>>) offsets(%dma_start3A_312 : memref<128xi32, #tpu.memory_space<vmem>>) semaphore(%arg27 : memref<!tpu.dma_semaphore, #tpu.memory_space<semaphore_mem>>)
    %dma_wait3A_316 = arith.constant 2 : i32
    %dma_wait3A_317 = arith.constant 0 : i32
    %dma_wait3A_318 = tpu.memref_slice %arg12[%dma_wait3A_316, %dma_wait3A_317] : memref<4x128xi32, #tpu.memory_space<vmem>> -> memref<1x128xi32, #tpu.memory_space<vmem>>
    %dma_wait3A_319 = tpu.memref_squeeze %dma_wait3A_318 : memref<1x128xi32, #tpu.memory_space<vmem>> -> memref<128xi32, #tpu.memory_space<vmem>>
    %dma_wait3A_320 = arith.constant 0 : i32
    %dma_wait3A_321 = arith.constant 0 : i32
    %dma_wait3A_322 = tpu.memref_slice %arg6[%dma_wait3A_320, %dma_wait3A_321] : memref<100001x128xf32, #tpu.memory_space<hbm>> -> memref<100001x128xf32, #tpu.memory_space<hbm>>
    tpu.wait_indirect_dma semaphore(%arg26 : memref<!tpu.dma_semaphore, #tpu.memory_space<semaphore_mem>>) src(%dma_wait3A_322 : memref<100001x128xf32, #tpu.memory_space<hbm>>) dst(%arg18 : memref<128x128xf32, #tpu.memory_space<vmem>>)
    %dma_start3A_323 = arith.constant 0 : i32
    %dma_start3A_324 = tpu.memref_slice %arg10[%add3A_304, %dma_start3A_323] : memref<16384x128xf32, #tpu.memory_space<hbm>> -> memref<128x128xf32, #tpu.memory_space<hbm>>
    %dma_start3A_325 = arith.constant 0 : i32
    %dma_start3A_326 = tpu.memref_slice %arg10[%add3A_304, %dma_start3A_325] : memref<16384x128xf32, #tpu.memory_space<hbm>> -> memref<128x128xf32, #tpu.memory_space<hbm>>
    tpu.enqueue_dma source(%arg18 : memref<128x128xf32, #tpu.memory_space<vmem>>) target(%dma_start3A_326 : memref<128x128xf32, #tpu.memory_space<hbm>>) target_semaphore(%arg30 : memref<!tpu.dma_semaphore, #tpu.memory_space<semaphore_mem>>)
    %add3A_327 = arith.constant 384 : i32
    %add3A_328 = arith.addi %mul3A_2, %add3A_327 : i32
    %dma_wait3A_329 = arith.constant 1 : i32
    %dma_wait3A_330 = arith.constant 0 : i32
    %dma_wait3A_331 = tpu.memref_slice %arg12[%dma_wait3A_329, %dma_wait3A_330] : memref<4x128xi32, #tpu.memory_space<vmem>> -> memref<1x128xi32, #tpu.memory_space<vmem>>
    %dma_wait3A_332 = tpu.memref_squeeze %dma_wait3A_331 : memref<1x128xi32, #tpu.memory_space<vmem>> -> memref<128xi32, #tpu.memory_space<vmem>>
    %dma_wait3A_333 = arith.constant 0 : i32
    %dma_wait3A_334 = arith.constant 0 : i32
    %dma_wait3A_335 = tpu.memref_slice %arg4[%dma_wait3A_333, %dma_wait3A_334] : memref<100001x128xf32, #tpu.memory_space<hbm>> -> memref<100001x128xf32, #tpu.memory_space<hbm>>
    tpu.wait_indirect_dma semaphore(%arg23 : memref<!tpu.dma_semaphore, #tpu.memory_space<semaphore_mem>>) src(%dma_wait3A_335 : memref<100001x128xf32, #tpu.memory_space<hbm>>) dst(%arg15 : memref<128x128xf32, #tpu.memory_space<vmem>>)
    %dma_wait3A_336 = arith.constant 1 : i32
    %dma_wait3A_337 = arith.constant 0 : i32
    %dma_wait3A_338 = tpu.memref_slice %arg13[%dma_wait3A_336, %dma_wait3A_337] : memref<4x128xi32, #tpu.memory_space<vmem>> -> memref<1x128xi32, #tpu.memory_space<vmem>>
    %dma_wait3A_339 = tpu.memref_squeeze %dma_wait3A_338 : memref<1x128xi32, #tpu.memory_space<vmem>> -> memref<128xi32, #tpu.memory_space<vmem>>
    %dma_wait3A_340 = arith.constant 0 : i32
    %dma_wait3A_341 = arith.constant 0 : i32
    %dma_wait3A_342 = tpu.memref_slice %arg5[%dma_wait3A_340, %dma_wait3A_341] : memref<100001x128xf32, #tpu.memory_space<hbm>> -> memref<100001x128xf32, #tpu.memory_space<hbm>>
    tpu.wait_indirect_dma semaphore(%arg25 : memref<!tpu.dma_semaphore, #tpu.memory_space<semaphore_mem>>) src(%dma_wait3A_342 : memref<100001x128xf32, #tpu.memory_space<hbm>>) dst(%arg17 : memref<128x128xf32, #tpu.memory_space<vmem>>)
    %dma_wait3A_343 = arith.constant 0 : i32
    %dma_wait3A_344 = tpu.memref_slice %arg9[%add3A_262, %dma_wait3A_343] : memref<16384x16xf32, #tpu.memory_space<hbm>> -> memref<128x16xf32, #tpu.memory_space<hbm>>
    %dma_wait3A_345 = arith.constant 0 : i32
    %dma_wait3A_346 = tpu.memref_slice %arg9[%add3A_262, %dma_wait3A_345] : memref<16384x16xf32, #tpu.memory_space<hbm>> -> memref<128x16xf32, #tpu.memory_space<hbm>>
    tpu.wait_dma2 semaphore(%arg28 : memref<!tpu.dma_semaphore, #tpu.memory_space<semaphore_mem>>) src(%arg20 : memref<128x16xf32, #tpu.memory_space<vmem>>) dst(%dma_wait3A_346 : memref<128x16xf32, #tpu.memory_space<hbm>>)
    %scan3A_347 = arith.constant 0 : i32
    %scan3A_348 = arith.constant 0 : i32
    %scan3A_349 = arith.constant 128 : i32
    %scan3A_350 = arith.addi %scan3A_348, %scan3A_349 : i32
    %scan3A_351 = arith.constant 4 : i32
    %scan3A_352 = scf.for %scan3A_555 = %scan3A_348 to %scan3A_350 step %scan3A_351 iter_args(%scan3A_556 = %scan3A_347) -> (i32)  : i32 {
      %get3A_557 = arith.index_cast %scan3A_555 : i32 to index
      %get3A_558 = arith.constant 0 : index
      %get3A_559 = tpu.vector_load %arg15[%get3A_557, %get3A_558] {strides = array<i32>} : memref<128x128xf32, #tpu.memory_space<vmem>>, vector<1x16xf32>,
      %get3A_560 = vector.shape_cast %get3A_559 : vector<1x16xf32> to vector<16xf32>
      %get3A_561 = arith.index_cast %scan3A_555 : i32 to index
      %get3A_562 = arith.constant 0 : index
      %get3A_563 = tpu.vector_load %arg17[%get3A_561, %get3A_562] {strides = array<i32>} : memref<128x128xf32, #tpu.memory_space<vmem>>, vector<1x16xf32>,
      %get3A_564 = vector.shape_cast %get3A_563 : vector<1x16xf32> to vector<16xf32>
      %mul3A_565 = arith.mulf %get3A_560, %get3A_564 : vector<16xf32>
      %mul3A_566 = arith.mulf %mul3A_565, %get3A_190 : vector<16xf32>
      %get3A_567 = arith.index_cast %scan3A_555 : i32 to index
      %get3A_568 = arith.constant 16 : index
      %get3A_569 = tpu.vector_load %arg15[%get3A_567, %get3A_568] {strides = array<i32>} : memref<128x128xf32, #tpu.memory_space<vmem>>, vector<1x16xf32>,
      %get3A_570 = vector.shape_cast %get3A_569 : vector<1x16xf32> to vector<16xf32>
      %get3A_571 = arith.index_cast %scan3A_555 : i32 to index
      %get3A_572 = arith.constant 16 : index
      %get3A_573 = tpu.vector_load %arg17[%get3A_571, %get3A_572] {strides = array<i32>} : memref<128x128xf32, #tpu.memory_space<vmem>>, vector<1x16xf32>,
      %get3A_574 = vector.shape_cast %get3A_573 : vector<1x16xf32> to vector<16xf32>
      %mul3A_575 = arith.mulf %get3A_570, %get3A_574 : vector<16xf32>
      %mul3A_576 = arith.mulf %mul3A_575, %get3A_193 : vector<16xf32>
      %add3A_577 = arith.addf %mul3A_566, %mul3A_576 : vector<16xf32>
      %get3A_578 = arith.index_cast %scan3A_555 : i32 to index
      %get3A_579 = arith.constant 32 : index
      %get3A_580 = tpu.vector_load %arg15[%get3A_578, %get3A_579] {strides = array<i32>} : memref<128x128xf32, #tpu.memory_space<vmem>>, vector<1x16xf32>,
      %get3A_581 = vector.shape_cast %get3A_580 : vector<1x16xf32> to vector<16xf32>
      %get3A_582 = arith.index_cast %scan3A_555 : i32 to index
      %get3A_583 = arith.constant 32 : index
      %get3A_584 = tpu.vector_load %arg17[%get3A_582, %get3A_583] {strides = array<i32>} : memref<128x128xf32, #tpu.memory_space<vmem>>, vector<1x16xf32>,
      %get3A_585 = vector.shape_cast %get3A_584 : vector<1x16xf32> to vector<16xf32>
      %mul3A_586 = arith.mulf %get3A_581, %get3A_585 : vector<16xf32>
      %mul3A_587 = arith.mulf %mul3A_586, %get3A_196 : vector<16xf32>
      %add3A_588 = arith.addf %add3A_577, %mul3A_587 : vector<16xf32>
      %get3A_589 = arith.index_cast %scan3A_555 : i32 to index
      %get3A_590 = arith.constant 48 : index
      %get3A_591 = tpu.vector_load %arg15[%get3A_589, %get3A_590] {strides = array<i32>} : memref<128x128xf32, #tpu.memory_space<vmem>>, vector<1x16xf32>,
      %get3A_592 = vector.shape_cast %get3A_591 : vector<1x16xf32> to vector<16xf32>
      %get3A_593 = arith.index_cast %scan3A_555 : i32 to index
      %get3A_594 = arith.constant 48 : index
      %get3A_595 = tpu.vector_load %arg17[%get3A_593, %get3A_594] {strides = array<i32>} : memref<128x128xf32, #tpu.memory_space<vmem>>, vector<1x16xf32>,
      %get3A_596 = vector.shape_cast %get3A_595 : vector<1x16xf32> to vector<16xf32>
      %mul3A_597 = arith.mulf %get3A_592, %get3A_596 : vector<16xf32>
      %mul3A_598 = arith.mulf %mul3A_597, %get3A_199 : vector<16xf32>
      %add3A_599 = arith.addf %add3A_588, %mul3A_598 : vector<16xf32>
      %get3A_600 = arith.index_cast %scan3A_555 : i32 to index
      %get3A_601 = arith.constant 64 : index
      %get3A_602 = tpu.vector_load %arg15[%get3A_600, %get3A_601] {strides = array<i32>} : memref<128x128xf32, #tpu.memory_space<vmem>>, vector<1x16xf32>,
      %get3A_603 = vector.shape_cast %get3A_602 : vector<1x16xf32> to vector<16xf32>
      %get3A_604 = arith.index_cast %scan3A_555 : i32 to index
      %get3A_605 = arith.constant 64 : index
      %get3A_606 = tpu.vector_load %arg17[%get3A_604, %get3A_605] {strides = array<i32>} : memref<128x128xf32, #tpu.memory_space<vmem>>, vector<1x16xf32>,
      %get3A_607 = vector.shape_cast %get3A_606 : vector<1x16xf32> to vector<16xf32>
      %mul3A_608 = arith.mulf %get3A_603, %get3A_607 : vector<16xf32>
      %mul3A_609 = arith.mulf %mul3A_608, %get3A_202 : vector<16xf32>
      %add3A_610 = arith.addf %add3A_599, %mul3A_609 : vector<16xf32>
      %get3A_611 = arith.index_cast %scan3A_555 : i32 to index
      %get3A_612 = arith.constant 80 : index
      %get3A_613 = tpu.vector_load %arg15[%get3A_611, %get3A_612] {strides = array<i32>} : memref<128x128xf32, #tpu.memory_space<vmem>>, vector<1x16xf32>,
      %get3A_614 = vector.shape_cast %get3A_613 : vector<1x16xf32> to vector<16xf32>
      %get3A_615 = arith.index_cast %scan3A_555 : i32 to index
      %get3A_616 = arith.constant 80 : index
      %get3A_617 = tpu.vector_load %arg17[%get3A_615, %get3A_616] {strides = array<i32>} : memref<128x128xf32, #tpu.memory_space<vmem>>, vector<1x16xf32>,
      %get3A_618 = vector.shape_cast %get3A_617 : vector<1x16xf32> to vector<16xf32>
      %mul3A_619 = arith.mulf %get3A_614, %get3A_618 : vector<16xf32>
      %mul3A_620 = arith.mulf %mul3A_619, %get3A_205 : vector<16xf32>
      %add3A_621 = arith.addf %add3A_610, %mul3A_620 : vector<16xf32>
      %get3A_622 = arith.index_cast %scan3A_555 : i32 to index
      %get3A_623 = arith.constant 96 : index
      %get3A_624 = tpu.vector_load %arg15[%get3A_622, %get3A_623] {strides = array<i32>} : memref<128x128xf32, #tpu.memory_space<vmem>>, vector<1x16xf32>,
      %get3A_625 = vector.shape_cast %get3A_624 : vector<1x16xf32> to vector<16xf32>
      %get3A_626 = arith.index_cast %scan3A_555 : i32 to index
      %get3A_627 = arith.constant 96 : index
      %get3A_628 = tpu.vector_load %arg17[%get3A_626, %get3A_627] {strides = array<i32>} : memref<128x128xf32, #tpu.memory_space<vmem>>, vector<1x16xf32>,
      %get3A_629 = vector.shape_cast %get3A_628 : vector<1x16xf32> to vector<16xf32>
      %mul3A_630 = arith.mulf %get3A_625, %get3A_629 : vector<16xf32>
      %mul3A_631 = arith.mulf %mul3A_630, %get3A_208 : vector<16xf32>
      %add3A_632 = arith.addf %add3A_621, %mul3A_631 : vector<16xf32>
      %get3A_633 = arith.index_cast %scan3A_555 : i32 to index
      %get3A_634 = arith.constant 112 : index
      %get3A_635 = tpu.vector_load %arg15[%get3A_633, %get3A_634] {strides = array<i32>} : memref<128x128xf32, #tpu.memory_space<vmem>>, vector<1x16xf32>,
      %get3A_636 = vector.shape_cast %get3A_635 : vector<1x16xf32> to vector<16xf32>
      %get3A_637 = arith.index_cast %scan3A_555 : i32 to index
      %get3A_638 = arith.constant 112 : index
      %get3A_639 = tpu.vector_load %arg17[%get3A_637, %get3A_638] {strides = array<i32>} : memref<128x128xf32, #tpu.memory_space<vmem>>, vector<1x16xf32>,
      %get3A_640 = vector.shape_cast %get3A_639 : vector<1x16xf32> to vector<16xf32>
      %mul3A_641 = arith.mulf %get3A_636, %get3A_640 : vector<16xf32>
      %mul3A_642 = arith.mulf %mul3A_641, %get3A_211 : vector<16xf32>
      %add3A_643 = arith.addf %add3A_632, %mul3A_642 : vector<16xf32>
      %swap3A = arith.index_cast %scan3A_555 : i32 to index
      %swap3A_644 = arith.constant 0 : index
      %swap3A_645 = tpu.vector_load %arg20[%swap3A, %swap3A_644] {strides = array<i32>} : memref<128x16xf32, #tpu.memory_space<vmem>>, vector<1x16xf32>,
      %swap3A_646 = vector.shape_cast %swap3A_645 : vector<1x16xf32> to vector<16xf32>
      %swap3A_647 = vector.shape_cast %add3A_643 : vector<16xf32> to vector<1x16xf32>
      tpu.vector_store %arg20[%swap3A, %swap3A_644], %swap3A_647 {strides = array<i32>} : memref<128x16xf32, #tpu.memory_space<vmem>>, vector<1x16xf32>,
      %scan3A_648 = arith.constant 0 : i32
      %scan3A_649 = arith.constant 1 : i32
      %scan3A_650 = arith.addi %scan3A_555, %scan3A_649 : i32
      %get3A_651 = arith.index_cast %scan3A_650 : i32 to index
      %get3A_652 = arith.constant 0 : index
      %get3A_653 = tpu.vector_load %arg15[%get3A_651, %get3A_652] {strides = array<i32>} : memref<128x128xf32, #tpu.memory_space<vmem>>, vector<1x16xf32>,
      %get3A_654 = vector.shape_cast %get3A_653 : vector<1x16xf32> to vector<16xf32>
      %get3A_655 = arith.index_cast %scan3A_650 : i32 to index
      %get3A_656 = arith.constant 0 : index
      %get3A_657 = tpu.vector_load %arg17[%get3A_655, %get3A_656] {strides = array<i32>} : memref<128x128xf32, #tpu.memory_space<vmem>>, vector<1x16xf32>,
      %get3A_658 = vector.shape_cast %get3A_657 : vector<1x16xf32> to vector<16xf32>
      %mul3A_659 = arith.mulf %get3A_654, %get3A_658 : vector<16xf32>
      %mul3A_660 = arith.mulf %mul3A_659, %get3A_190 : vector<16xf32>
      %get3A_661 = arith.index_cast %scan3A_650 : i32 to index
      %get3A_662 = arith.constant 16 : index
      %get3A_663 = tpu.vector_load %arg15[%get3A_661, %get3A_662] {strides = array<i32>} : memref<128x128xf32, #tpu.memory_space<vmem>>, vector<1x16xf32>,
      %get3A_664 = vector.shape_cast %get3A_663 : vector<1x16xf32> to vector<16xf32>
      %get3A_665 = arith.index_cast %scan3A_650 : i32 to index
      %get3A_666 = arith.constant 16 : index
      %get3A_667 = tpu.vector_load %arg17[%get3A_665, %get3A_666] {strides = array<i32>} : memref<128x128xf32, #tpu.memory_space<vmem>>, vector<1x16xf32>,
      %get3A_668 = vector.shape_cast %get3A_667 : vector<1x16xf32> to vector<16xf32>
      %mul3A_669 = arith.mulf %get3A_664, %get3A_668 : vector<16xf32>
      %mul3A_670 = arith.mulf %mul3A_669, %get3A_193 : vector<16xf32>
      %add3A_671 = arith.addf %mul3A_660, %mul3A_670 : vector<16xf32>
      %get3A_672 = arith.index_cast %scan3A_650 : i32 to index
      %get3A_673 = arith.constant 32 : index
      %get3A_674 = tpu.vector_load %arg15[%get3A_672, %get3A_673] {strides = array<i32>} : memref<128x128xf32, #tpu.memory_space<vmem>>, vector<1x16xf32>,
      %get3A_675 = vector.shape_cast %get3A_674 : vector<1x16xf32> to vector<16xf32>
      %get3A_676 = arith.index_cast %scan3A_650 : i32 to index
      %get3A_677 = arith.constant 32 : index
      %get3A_678 = tpu.vector_load %arg17[%get3A_676, %get3A_677] {strides = array<i32>} : memref<128x128xf32, #tpu.memory_space<vmem>>, vector<1x16xf32>,
      %get3A_679 = vector.shape_cast %get3A_678 : vector<1x16xf32> to vector<16xf32>
      %mul3A_680 = arith.mulf %get3A_675, %get3A_679 : vector<16xf32>
      %mul3A_681 = arith.mulf %mul3A_680, %get3A_196 : vector<16xf32>
      %add3A_682 = arith.addf %add3A_671, %mul3A_681 : vector<16xf32>
      %get3A_683 = arith.index_cast %scan3A_650 : i32 to index
      %get3A_684 = arith.constant 48 : index
      %get3A_685 = tpu.vector_load %arg15[%get3A_683, %get3A_684] {strides = array<i32>} : memref<128x128xf32, #tpu.memory_space<vmem>>, vector<1x16xf32>,
      %get3A_686 = vector.shape_cast %get3A_685 : vector<1x16xf32> to vector<16xf32>
      %get3A_687 = arith.index_cast %scan3A_650 : i32 to index
      %get3A_688 = arith.constant 48 : index
      %get3A_689 = tpu.vector_load %arg17[%get3A_687, %get3A_688] {strides = array<i32>} : memref<128x128xf32, #tpu.memory_space<vmem>>, vector<1x16xf32>,
      %get3A_690 = vector.shape_cast %get3A_689 : vector<1x16xf32> to vector<16xf32>
      %mul3A_691 = arith.mulf %get3A_686, %get3A_690 : vector<16xf32>
      %mul3A_692 = arith.mulf %mul3A_691, %get3A_199 : vector<16xf32>
      %add3A_693 = arith.addf %add3A_682, %mul3A_692 : vector<16xf32>
      %get3A_694 = arith.index_cast %scan3A_650 : i32 to index
      %get3A_695 = arith.constant 64 : index
      %get3A_696 = tpu.vector_load %arg15[%get3A_694, %get3A_695] {strides = array<i32>} : memref<128x128xf32, #tpu.memory_space<vmem>>, vector<1x16xf32>,
      %get3A_697 = vector.shape_cast %get3A_696 : vector<1x16xf32> to vector<16xf32>
      %get3A_698 = arith.index_cast %scan3A_650 : i32 to index
      %get3A_699 = arith.constant 64 : index
      %get3A_700 = tpu.vector_load %arg17[%get3A_698, %get3A_699] {strides = array<i32>} : memref<128x128xf32, #tpu.memory_space<vmem>>, vector<1x16xf32>,
      %get3A_701 = vector.shape_cast %get3A_700 : vector<1x16xf32> to vector<16xf32>
      %mul3A_702 = arith.mulf %get3A_697, %get3A_701 : vector<16xf32>
      %mul3A_703 = arith.mulf %mul3A_702, %get3A_202 : vector<16xf32>
      %add3A_704 = arith.addf %add3A_693, %mul3A_703 : vector<16xf32>
      %get3A_705 = arith.index_cast %scan3A_650 : i32 to index
      %get3A_706 = arith.constant 80 : index
      %get3A_707 = tpu.vector_load %arg15[%get3A_705, %get3A_706] {strides = array<i32>} : memref<128x128xf32, #tpu.memory_space<vmem>>, vector<1x16xf32>,
      %get3A_708 = vector.shape_cast %get3A_707 : vector<1x16xf32> to vector<16xf32>
      %get3A_709 = arith.index_cast %scan3A_650 : i32 to index
      %get3A_710 = arith.constant 80 : index
      %get3A_711 = tpu.vector_load %arg17[%get3A_709, %get3A_710] {strides = array<i32>} : memref<128x128xf32, #tpu.memory_space<vmem>>, vector<1x16xf32>,
      %get3A_712 = vector.shape_cast %get3A_711 : vector<1x16xf32> to vector<16xf32>
      %mul3A_713 = arith.mulf %get3A_708, %get3A_712 : vector<16xf32>
      %mul3A_714 = arith.mulf %mul3A_713, %get3A_205 : vector<16xf32>
      %add3A_715 = arith.addf %add3A_704, %mul3A_714 : vector<16xf32>
      %get3A_716 = arith.index_cast %scan3A_650 : i32 to index
      %get3A_717 = arith.constant 96 : index
      %get3A_718 = tpu.vector_load %arg15[%get3A_716, %get3A_717] {strides = array<i32>} : memref<128x128xf32, #tpu.memory_space<vmem>>, vector<1x16xf32>,
      %get3A_719 = vector.shape_cast %get3A_718 : vector<1x16xf32> to vector<16xf32>
      %get3A_720 = arith.index_cast %scan3A_650 : i32 to index
      %get3A_721 = arith.constant 96 : index
      %get3A_722 = tpu.vector_load %arg17[%get3A_720, %get3A_721] {strides = array<i32>} : memref<128x128xf32, #tpu.memory_space<vmem>>, vector<1x16xf32>,
      %get3A_723 = vector.shape_cast %get3A_722 : vector<1x16xf32> to vector<16xf32>
      %mul3A_724 = arith.mulf %get3A_719, %get3A_723 : vector<16xf32>
      %mul3A_725 = arith.mulf %mul3A_724, %get3A_208 : vector<16xf32>
      %add3A_726 = arith.addf %add3A_715, %mul3A_725 : vector<16xf32>
      %get3A_727 = arith.index_cast %scan3A_650 : i32 to index
      %get3A_728 = arith.constant 112 : index
      %get3A_729 = tpu.vector_load %arg15[%get3A_727, %get3A_728] {strides = array<i32>} : memref<128x128xf32, #tpu.memory_space<vmem>>, vector<1x16xf32>,
      %get3A_730 = vector.shape_cast %get3A_729 : vector<1x16xf32> to vector<16xf32>
      %get3A_731 = arith.index_cast %scan3A_650 : i32 to index
      %get3A_732 = arith.constant 112 : index
      %get3A_733 = tpu.vector_load %arg17[%get3A_731, %get3A_732] {strides = array<i32>} : memref<128x128xf32, #tpu.memory_space<vmem>>, vector<1x16xf32>,
      %get3A_734 = vector.shape_cast %get3A_733 : vector<1x16xf32> to vector<16xf32>
      %mul3A_735 = arith.mulf %get3A_730, %get3A_734 : vector<16xf32>
      %mul3A_736 = arith.mulf %mul3A_735, %get3A_211 : vector<16xf32>
      %add3A_737 = arith.addf %add3A_726, %mul3A_736 : vector<16xf32>
      %swap3A_738 = arith.index_cast %scan3A_650 : i32 to index
      %swap3A_739 = arith.constant 0 : index
      %swap3A_740 = tpu.vector_load %arg20[%swap3A_738, %swap3A_739] {strides = array<i32>} : memref<128x16xf32, #tpu.memory_space<vmem>>, vector<1x16xf32>,
      %swap3A_741 = vector.shape_cast %swap3A_740 : vector<1x16xf32> to vector<16xf32>
      %swap3A_742 = vector.shape_cast %add3A_737 : vector<16xf32> to vector<1x16xf32>
      tpu.vector_store %arg20[%swap3A_738, %swap3A_739], %swap3A_742 {strides = array<i32>} : memref<128x16xf32, #tpu.memory_space<vmem>>, vector<1x16xf32>,
      %scan3A_743 = arith.constant 0 : i32
      %scan3A_744 = arith.constant 2 : i32
      %scan3A_745 = arith.addi %scan3A_555, %scan3A_744 : i32
      %get3A_746 = arith.index_cast %scan3A_745 : i32 to index
      %get3A_747 = arith.constant 0 : index
      %get3A_748 = tpu.vector_load %arg15[%get3A_746, %get3A_747] {strides = array<i32>} : memref<128x128xf32, #tpu.memory_space<vmem>>, vector<1x16xf32>,
      %get3A_749 = vector.shape_cast %get3A_748 : vector<1x16xf32> to vector<16xf32>
      %get3A_750 = arith.index_cast %scan3A_745 : i32 to index
      %get3A_751 = arith.constant 0 : index
      %get3A_752 = tpu.vector_load %arg17[%get3A_750, %get3A_751] {strides = array<i32>} : memref<128x128xf32, #tpu.memory_space<vmem>>, vector<1x16xf32>,
      %get3A_753 = vector.shape_cast %get3A_752 : vector<1x16xf32> to vector<16xf32>
      %mul3A_754 = arith.mulf %get3A_749, %get3A_753 : vector<16xf32>
      %mul3A_755 = arith.mulf %mul3A_754, %get3A_190 : vector<16xf32>
      %get3A_756 = arith.index_cast %scan3A_745 : i32 to index
      %get3A_757 = arith.constant 16 : index
      %get3A_758 = tpu.vector_load %arg15[%get3A_756, %get3A_757] {strides = array<i32>} : memref<128x128xf32, #tpu.memory_space<vmem>>, vector<1x16xf32>,
      %get3A_759 = vector.shape_cast %get3A_758 : vector<1x16xf32> to vector<16xf32>
      %get3A_760 = arith.index_cast %scan3A_745 : i32 to index
      %get3A_761 = arith.constant 16 : index
      %get3A_762 = tpu.vector_load %arg17[%get3A_760, %get3A_761] {strides = array<i32>} : memref<128x128xf32, #tpu.memory_space<vmem>>, vector<1x16xf32>,
      %get3A_763 = vector.shape_cast %get3A_762 : vector<1x16xf32> to vector<16xf32>
      %mul3A_764 = arith.mulf %get3A_759, %get3A_763 : vector<16xf32>
      %mul3A_765 = arith.mulf %mul3A_764, %get3A_193 : vector<16xf32>
      %add3A_766 = arith.addf %mul3A_755, %mul3A_765 : vector<16xf32>
      %get3A_767 = arith.index_cast %scan3A_745 : i32 to index
      %get3A_768 = arith.constant 32 : index
      %get3A_769 = tpu.vector_load %arg15[%get3A_767, %get3A_768] {strides = array<i32>} : memref<128x128xf32, #tpu.memory_space<vmem>>, vector<1x16xf32>,
      %get3A_770 = vector.shape_cast %get3A_769 : vector<1x16xf32> to vector<16xf32>
      %get3A_771 = arith.index_cast %scan3A_745 : i32 to index
      %get3A_772 = arith.constant 32 : index
      %get3A_773 = tpu.vector_load %arg17[%get3A_771, %get3A_772] {strides = array<i32>} : memref<128x128xf32, #tpu.memory_space<vmem>>, vector<1x16xf32>,
      %get3A_774 = vector.shape_cast %get3A_773 : vector<1x16xf32> to vector<16xf32>
      %mul3A_775 = arith.mulf %get3A_770, %get3A_774 : vector<16xf32>
      %mul3A_776 = arith.mulf %mul3A_775, %get3A_196 : vector<16xf32>
      %add3A_777 = arith.addf %add3A_766, %mul3A_776 : vector<16xf32>
      %get3A_778 = arith.index_cast %scan3A_745 : i32 to index
      %get3A_779 = arith.constant 48 : index
      %get3A_780 = tpu.vector_load %arg15[%get3A_778, %get3A_779] {strides = array<i32>} : memref<128x128xf32, #tpu.memory_space<vmem>>, vector<1x16xf32>,
      %get3A_781 = vector.shape_cast %get3A_780 : vector<1x16xf32> to vector<16xf32>
      %get3A_782 = arith.index_cast %scan3A_745 : i32 to index
      %get3A_783 = arith.constant 48 : index
      %get3A_784 = tpu.vector_load %arg17[%get3A_782, %get3A_783] {strides = array<i32>} : memref<128x128xf32, #tpu.memory_space<vmem>>, vector<1x16xf32>,
      %get3A_785 = vector.shape_cast %get3A_784 : vector<1x16xf32> to vector<16xf32>
      %mul3A_786 = arith.mulf %get3A_781, %get3A_785 : vector<16xf32>
      %mul3A_787 = arith.mulf %mul3A_786, %get3A_199 : vector<16xf32>
      %add3A_788 = arith.addf %add3A_777, %mul3A_787 : vector<16xf32>
      %get3A_789 = arith.index_cast %scan3A_745 : i32 to index
      %get3A_790 = arith.constant 64 : index
      %get3A_791 = tpu.vector_load %arg15[%get3A_789, %get3A_790] {strides = array<i32>} : memref<128x128xf32, #tpu.memory_space<vmem>>, vector<1x16xf32>,
      %get3A_792 = vector.shape_cast %get3A_791 : vector<1x16xf32> to vector<16xf32>
      %get3A_793 = arith.index_cast %scan3A_745 : i32 to index
      %get3A_794 = arith.constant 64 : index
      %get3A_795 = tpu.vector_load %arg17[%get3A_793, %get3A_794] {strides = array<i32>} : memref<128x128xf32, #tpu.memory_space<vmem>>, vector<1x16xf32>,
      %get3A_796 = vector.shape_cast %get3A_795 : vector<1x16xf32> to vector<16xf32>
      %mul3A_797 = arith.mulf %get3A_792, %get3A_796 : vector<16xf32>
      %mul3A_798 = arith.mulf %mul3A_797, %get3A_202 : vector<16xf32>
      %add3A_799 = arith.addf %add3A_788, %mul3A_798 : vector<16xf32>
      %get3A_800 = arith.index_cast %scan3A_745 : i32 to index
      %get3A_801 = arith.constant 80 : index
      %get3A_802 = tpu.vector_load %arg15[%get3A_800, %get3A_801] {strides = array<i32>} : memref<128x128xf32, #tpu.memory_space<vmem>>, vector<1x16xf32>,
      %get3A_803 = vector.shape_cast %get3A_802 : vector<1x16xf32> to vector<16xf32>
      %get3A_804 = arith.index_cast %scan3A_745 : i32 to index
      %get3A_805 = arith.constant 80 : index
      %get3A_806 = tpu.vector_load %arg17[%get3A_804, %get3A_805] {strides = array<i32>} : memref<128x128xf32, #tpu.memory_space<vmem>>, vector<1x16xf32>,
      %get3A_807 = vector.shape_cast %get3A_806 : vector<1x16xf32> to vector<16xf32>
      %mul3A_808 = arith.mulf %get3A_803, %get3A_807 : vector<16xf32>
      %mul3A_809 = arith.mulf %mul3A_808, %get3A_205 : vector<16xf32>
      %add3A_810 = arith.addf %add3A_799, %mul3A_809 : vector<16xf32>
      %get3A_811 = arith.index_cast %scan3A_745 : i32 to index
      %get3A_812 = arith.constant 96 : index
      %get3A_813 = tpu.vector_load %arg15[%get3A_811, %get3A_812] {strides = array<i32>} : memref<128x128xf32, #tpu.memory_space<vmem>>, vector<1x16xf32>,
      %get3A_814 = vector.shape_cast %get3A_813 : vector<1x16xf32> to vector<16xf32>
      %get3A_815 = arith.index_cast %scan3A_745 : i32 to index
      %get3A_816 = arith.constant 96 : index
      %get3A_817 = tpu.vector_load %arg17[%get3A_815, %get3A_816] {strides = array<i32>} : memref<128x128xf32, #tpu.memory_space<vmem>>, vector<1x16xf32>,
      %get3A_818 = vector.shape_cast %get3A_817 : vector<1x16xf32> to vector<16xf32>
      %mul3A_819 = arith.mulf %get3A_814, %get3A_818 : vector<16xf32>
      %mul3A_820 = arith.mulf %mul3A_819, %get3A_208 : vector<16xf32>
      %add3A_821 = arith.addf %add3A_810, %mul3A_820 : vector<16xf32>
      %get3A_822 = arith.index_cast %scan3A_745 : i32 to index
      %get3A_823 = arith.constant 112 : index
      %get3A_824 = tpu.vector_load %arg15[%get3A_822, %get3A_823] {strides = array<i32>} : memref<128x128xf32, #tpu.memory_space<vmem>>, vector<1x16xf32>,
      %get3A_825 = vector.shape_cast %get3A_824 : vector<1x16xf32> to vector<16xf32>
      %get3A_826 = arith.index_cast %scan3A_745 : i32 to index
      %get3A_827 = arith.constant 112 : index
      %get3A_828 = tpu.vector_load %arg17[%get3A_826, %get3A_827] {strides = array<i32>} : memref<128x128xf32, #tpu.memory_space<vmem>>, vector<1x16xf32>,
      %get3A_829 = vector.shape_cast %get3A_828 : vector<1x16xf32> to vector<16xf32>
      %mul3A_830 = arith.mulf %get3A_825, %get3A_829 : vector<16xf32>
      %mul3A_831 = arith.mulf %mul3A_830, %get3A_211 : vector<16xf32>
      %add3A_832 = arith.addf %add3A_821, %mul3A_831 : vector<16xf32>
      %swap3A_833 = arith.index_cast %scan3A_745 : i32 to index
      %swap3A_834 = arith.constant 0 : index
      %swap3A_835 = tpu.vector_load %arg20[%swap3A_833, %swap3A_834] {strides = array<i32>} : memref<128x16xf32, #tpu.memory_space<vmem>>, vector<1x16xf32>,
      %swap3A_836 = vector.shape_cast %swap3A_835 : vector<1x16xf32> to vector<16xf32>
      %swap3A_837 = vector.shape_cast %add3A_832 : vector<16xf32> to vector<1x16xf32>
      tpu.vector_store %arg20[%swap3A_833, %swap3A_834], %swap3A_837 {strides = array<i32>} : memref<128x16xf32, #tpu.memory_space<vmem>>, vector<1x16xf32>,
      %scan3A_838 = arith.constant 0 : i32
      %scan3A_839 = arith.constant 3 : i32
      %scan3A_840 = arith.addi %scan3A_555, %scan3A_839 : i32
      %get3A_841 = arith.index_cast %scan3A_840 : i32 to index
      %get3A_842 = arith.constant 0 : index
      %get3A_843 = tpu.vector_load %arg15[%get3A_841, %get3A_842] {strides = array<i32>} : memref<128x128xf32, #tpu.memory_space<vmem>>, vector<1x16xf32>,
      %get3A_844 = vector.shape_cast %get3A_843 : vector<1x16xf32> to vector<16xf32>
      %get3A_845 = arith.index_cast %scan3A_840 : i32 to index
      %get3A_846 = arith.constant 0 : index
      %get3A_847 = tpu.vector_load %arg17[%get3A_845, %get3A_846] {strides = array<i32>} : memref<128x128xf32, #tpu.memory_space<vmem>>, vector<1x16xf32>,
      %get3A_848 = vector.shape_cast %get3A_847 : vector<1x16xf32> to vector<16xf32>
      %mul3A_849 = arith.mulf %get3A_844, %get3A_848 : vector<16xf32>
      %mul3A_850 = arith.mulf %mul3A_849, %get3A_190 : vector<16xf32>
      %get3A_851 = arith.index_cast %scan3A_840 : i32 to index
      %get3A_852 = arith.constant 16 : index
      %get3A_853 = tpu.vector_load %arg15[%get3A_851, %get3A_852] {strides = array<i32>} : memref<128x128xf32, #tpu.memory_space<vmem>>, vector<1x16xf32>,
      %get3A_854 = vector.shape_cast %get3A_853 : vector<1x16xf32> to vector<16xf32>
      %get3A_855 = arith.index_cast %scan3A_840 : i32 to index
      %get3A_856 = arith.constant 16 : index
      %get3A_857 = tpu.vector_load %arg17[%get3A_855, %get3A_856] {strides = array<i32>} : memref<128x128xf32, #tpu.memory_space<vmem>>, vector<1x16xf32>,
      %get3A_858 = vector.shape_cast %get3A_857 : vector<1x16xf32> to vector<16xf32>
      %mul3A_859 = arith.mulf %get3A_854, %get3A_858 : vector<16xf32>
      %mul3A_860 = arith.mulf %mul3A_859, %get3A_193 : vector<16xf32>
      %add3A_861 = arith.addf %mul3A_850, %mul3A_860 : vector<16xf32>
      %get3A_862 = arith.index_cast %scan3A_840 : i32 to index
      %get3A_863 = arith.constant 32 : index
      %get3A_864 = tpu.vector_load %arg15[%get3A_862, %get3A_863] {strides = array<i32>} : memref<128x128xf32, #tpu.memory_space<vmem>>, vector<1x16xf32>,
      %get3A_865 = vector.shape_cast %get3A_864 : vector<1x16xf32> to vector<16xf32>
      %get3A_866 = arith.index_cast %scan3A_840 : i32 to index
      %get3A_867 = arith.constant 32 : index
      %get3A_868 = tpu.vector_load %arg17[%get3A_866, %get3A_867] {strides = array<i32>} : memref<128x128xf32, #tpu.memory_space<vmem>>, vector<1x16xf32>,
      %get3A_869 = vector.shape_cast %get3A_868 : vector<1x16xf32> to vector<16xf32>
      %mul3A_870 = arith.mulf %get3A_865, %get3A_869 : vector<16xf32>
      %mul3A_871 = arith.mulf %mul3A_870, %get3A_196 : vector<16xf32>
      %add3A_872 = arith.addf %add3A_861, %mul3A_871 : vector<16xf32>
      %get3A_873 = arith.index_cast %scan3A_840 : i32 to index
      %get3A_874 = arith.constant 48 : index
      %get3A_875 = tpu.vector_load %arg15[%get3A_873, %get3A_874] {strides = array<i32>} : memref<128x128xf32, #tpu.memory_space<vmem>>, vector<1x16xf32>,
      %get3A_876 = vector.shape_cast %get3A_875 : vector<1x16xf32> to vector<16xf32>
      %get3A_877 = arith.index_cast %scan3A_840 : i32 to index
      %get3A_878 = arith.constant 48 : index
      %get3A_879 = tpu.vector_load %arg17[%get3A_877, %get3A_878] {strides = array<i32>} : memref<128x128xf32, #tpu.memory_space<vmem>>, vector<1x16xf32>,
      %get3A_880 = vector.shape_cast %get3A_879 : vector<1x16xf32> to vector<16xf32>
      %mul3A_881 = arith.mulf %get3A_876, %get3A_880 : vector<16xf32>
      %mul3A_882 = arith.mulf %mul3A_881, %get3A_199 : vector<16xf32>
      %add3A_883 = arith.addf %add3A_872, %mul3A_882 : vector<16xf32>
      %get3A_884 = arith.index_cast %scan3A_840 : i32 to index
      %get3A_885 = arith.constant 64 : index
      %get3A_886 = tpu.vector_load %arg15[%get3A_884, %get3A_885] {strides = array<i32>} : memref<128x128xf32, #tpu.memory_space<vmem>>, vector<1x16xf32>,
      %get3A_887 = vector.shape_cast %get3A_886 : vector<1x16xf32> to vector<16xf32>
      %get3A_888 = arith.index_cast %scan3A_840 : i32 to index
      %get3A_889 = arith.constant 64 : index
      %get3A_890 = tpu.vector_load %arg17[%get3A_888, %get3A_889] {strides = array<i32>} : memref<128x128xf32, #tpu.memory_space<vmem>>, vector<1x16xf32>,
      %get3A_891 = vector.shape_cast %get3A_890 : vector<1x16xf32> to vector<16xf32>
      %mul3A_892 = arith.mulf %get3A_887, %get3A_891 : vector<16xf32>
      %mul3A_893 = arith.mulf %mul3A_892, %get3A_202 : vector<16xf32>
      %add3A_894 = arith.addf %add3A_883, %mul3A_893 : vector<16xf32>
      %get3A_895 = arith.index_cast %scan3A_840 : i32 to index
      %get3A_896 = arith.constant 80 : index
      %get3A_897 = tpu.vector_load %arg15[%get3A_895, %get3A_896] {strides = array<i32>} : memref<128x128xf32, #tpu.memory_space<vmem>>, vector<1x16xf32>,
      %get3A_898 = vector.shape_cast %get3A_897 : vector<1x16xf32> to vector<16xf32>
      %get3A_899 = arith.index_cast %scan3A_840 : i32 to index
      %get3A_900 = arith.constant 80 : index
      %get3A_901 = tpu.vector_load %arg17[%get3A_899, %get3A_900] {strides = array<i32>} : memref<128x128xf32, #tpu.memory_space<vmem>>, vector<1x16xf32>,
      %get3A_902 = vector.shape_cast %get3A_901 : vector<1x16xf32> to vector<16xf32>
      %mul3A_903 = arith.mulf %get3A_898, %get3A_902 : vector<16xf32>
      %mul3A_904 = arith.mulf %mul3A_903, %get3A_205 : vector<16xf32>
      %add3A_905 = arith.addf %add3A_894, %mul3A_904 : vector<16xf32>
      %get3A_906 = arith.index_cast %scan3A_840 : i32 to index
      %get3A_907 = arith.constant 96 : index
      %get3A_908 = tpu.vector_load %arg15[%get3A_906, %get3A_907] {strides = array<i32>} : memref<128x128xf32, #tpu.memory_space<vmem>>, vector<1x16xf32>,
      %get3A_909 = vector.shape_cast %get3A_908 : vector<1x16xf32> to vector<16xf32>
      %get3A_910 = arith.index_cast %scan3A_840 : i32 to index
      %get3A_911 = arith.constant 96 : index
      %get3A_912 = tpu.vector_load %arg17[%get3A_910, %get3A_911] {strides = array<i32>} : memref<128x128xf32, #tpu.memory_space<vmem>>, vector<1x16xf32>,
      %get3A_913 = vector.shape_cast %get3A_912 : vector<1x16xf32> to vector<16xf32>
      %mul3A_914 = arith.mulf %get3A_909, %get3A_913 : vector<16xf32>
      %mul3A_915 = arith.mulf %mul3A_914, %get3A_208 : vector<16xf32>
      %add3A_916 = arith.addf %add3A_905, %mul3A_915 : vector<16xf32>
      %get3A_917 = arith.index_cast %scan3A_840 : i32 to index
      %get3A_918 = arith.constant 112 : index
      %get3A_919 = tpu.vector_load %arg15[%get3A_917, %get3A_918] {strides = array<i32>} : memref<128x128xf32, #tpu.memory_space<vmem>>, vector<1x16xf32>,
      %get3A_920 = vector.shape_cast %get3A_919 : vector<1x16xf32> to vector<16xf32>
      %get3A_921 = arith.index_cast %scan3A_840 : i32 to index
      %get3A_922 = arith.constant 112 : index
      %get3A_923 = tpu.vector_load %arg17[%get3A_921, %get3A_922] {strides = array<i32>} : memref<128x128xf32, #tpu.memory_space<vmem>>, vector<1x16xf32>,
      %get3A_924 = vector.shape_cast %get3A_923 : vector<1x16xf32> to vector<16xf32>
      %mul3A_925 = arith.mulf %get3A_920, %get3A_924 : vector<16xf32>
      %mul3A_926 = arith.mulf %mul3A_925, %get3A_211 : vector<16xf32>
      %add3A_927 = arith.addf %add3A_916, %mul3A_926 : vector<16xf32>
      %swap3A_928 = arith.index_cast %scan3A_840 : i32 to index
      %swap3A_929 = arith.constant 0 : index
      %swap3A_930 = tpu.vector_load %arg20[%swap3A_928, %swap3A_929] {strides = array<i32>} : memref<128x16xf32, #tpu.memory_space<vmem>>, vector<1x16xf32>,
      %swap3A_931 = vector.shape_cast %swap3A_930 : vector<1x16xf32> to vector<16xf32>
      %swap3A_932 = vector.shape_cast %add3A_927 : vector<16xf32> to vector<1x16xf32>
      tpu.vector_store %arg20[%swap3A_928, %swap3A_929], %swap3A_932 {strides = array<i32>} : memref<128x16xf32, #tpu.memory_space<vmem>>, vector<1x16xf32>,
      %scan3A_933 = arith.constant 0 : i32
      scf.yield %scan3A_933 : i32
    }
    %scan3A_353 = arith.constant 128 : i32
    %add3A_354 = arith.constant 128 : i32
    %add3A_355 = arith.addi %mul3A_2, %add3A_354 : i32
    %dma_start3A_356 = arith.constant 0 : i32
    %dma_start3A_357 = tpu.memref_slice %arg9[%add3A_355, %dma_start3A_356] : memref<16384x16xf32, #tpu.memory_space<hbm>> -> memref<128x16xf32, #tpu.memory_space<hbm>>
    %dma_start3A_358 = arith.constant 0 : i32
    %dma_start3A_359 = tpu.memref_slice %arg9[%add3A_355, %dma_start3A_358] : memref<16384x16xf32, #tpu.memory_space<hbm>> -> memref<128x16xf32, #tpu.memory_space<hbm>>
    tpu.enqueue_dma source(%arg20 : memref<128x16xf32, #tpu.memory_space<vmem>>) target(%dma_start3A_359 : memref<128x16xf32, #tpu.memory_space<hbm>>) target_semaphore(%arg28 : memref<!tpu.dma_semaphore, #tpu.memory_space<semaphore_mem>>)
    %dma_start3A_360 = arith.constant 3 : i32
    %dma_start3A_361 = arith.constant 0 : i32
    %dma_start3A_362 = tpu.memref_slice %arg12[%dma_start3A_360, %dma_start3A_361] : memref<4x128xi32, #tpu.memory_space<vmem>> -> memref<1x128xi32, #tpu.memory_space<vmem>>
    %dma_start3A_363 = tpu.memref_squeeze %dma_start3A_362 : memref<1x128xi32, #tpu.memory_space<vmem>> -> memref<128xi32, #tpu.memory_space<vmem>>
    %dma_start3A_364 = arith.constant 0 : i32
    %dma_start3A_365 = arith.constant 0 : i32
    %dma_start3A_366 = tpu.memref_slice %arg4[%dma_start3A_364, %dma_start3A_365] : memref<100001x128xf32, #tpu.memory_space<hbm>> -> memref<100001x128xf32, #tpu.memory_space<hbm>>
    tpu.enqueue_indirect_dma source(%dma_start3A_366 : memref<100001x128xf32, #tpu.memory_space<hbm>>) target(%arg15 : memref<128x128xf32, #tpu.memory_space<vmem>>) offsets(%dma_start3A_363 : memref<128xi32, #tpu.memory_space<vmem>>) semaphore(%arg23 : memref<!tpu.dma_semaphore, #tpu.memory_space<semaphore_mem>>)
    %dma_start3A_367 = arith.constant 3 : i32
    %dma_start3A_368 = arith.constant 0 : i32
    %dma_start3A_369 = tpu.memref_slice %arg13[%dma_start3A_367, %dma_start3A_368] : memref<4x128xi32, #tpu.memory_space<vmem>> -> memref<1x128xi32, #tpu.memory_space<vmem>>
    %dma_start3A_370 = tpu.memref_squeeze %dma_start3A_369 : memref<1x128xi32, #tpu.memory_space<vmem>> -> memref<128xi32, #tpu.memory_space<vmem>>
    %dma_start3A_371 = arith.constant 0 : i32
    %dma_start3A_372 = arith.constant 0 : i32
    %dma_start3A_373 = tpu.memref_slice %arg5[%dma_start3A_371, %dma_start3A_372] : memref<100001x128xf32, #tpu.memory_space<hbm>> -> memref<100001x128xf32, #tpu.memory_space<hbm>>
    tpu.enqueue_indirect_dma source(%dma_start3A_373 : memref<100001x128xf32, #tpu.memory_space<hbm>>) target(%arg17 : memref<128x128xf32, #tpu.memory_space<vmem>>) offsets(%dma_start3A_370 : memref<128xi32, #tpu.memory_space<vmem>>) semaphore(%arg25 : memref<!tpu.dma_semaphore, #tpu.memory_space<semaphore_mem>>)
    %dma_wait3A_374 = arith.constant 0 : i32
    %dma_wait3A_375 = tpu.memref_slice %arg10[%add3A_304, %dma_wait3A_374] : memref<16384x128xf32, #tpu.memory_space<hbm>> -> memref<128x128xf32, #tpu.memory_space<hbm>>
    %dma_wait3A_376 = arith.constant 0 : i32
    %dma_wait3A_377 = tpu.memref_slice %arg10[%add3A_304, %dma_wait3A_376] : memref<16384x128xf32, #tpu.memory_space<hbm>> -> memref<128x128xf32, #tpu.memory_space<hbm>>
    tpu.wait_dma2 semaphore(%arg30 : memref<!tpu.dma_semaphore, #tpu.memory_space<semaphore_mem>>) src(%arg18 : memref<128x128xf32, #tpu.memory_space<vmem>>) dst(%dma_wait3A_377 : memref<128x128xf32, #tpu.memory_space<hbm>>)
    %dma_start3A_378 = arith.constant 0 : i32
    %dma_start3A_379 = arith.constant 0 : i32
    %dma_start3A_380 = tpu.memref_slice %arg13[%dma_start3A_378, %dma_start3A_379] : memref<4x128xi32, #tpu.memory_space<vmem>> -> memref<1x128xi32, #tpu.memory_space<vmem>>
    %dma_start3A_381 = tpu.memref_squeeze %dma_start3A_380 : memref<1x128xi32, #tpu.memory_space<vmem>> -> memref<128xi32, #tpu.memory_space<vmem>>
    %dma_start3A_382 = arith.constant 0 : i32
    %dma_start3A_383 = arith.constant 0 : i32
    %dma_start3A_384 = tpu.memref_slice %arg7[%dma_start3A_382, %dma_start3A_383] : memref<100001x128xf32, #tpu.memory_space<hbm>> -> memref<100001x128xf32, #tpu.memory_space<hbm>>
    tpu.enqueue_indirect_dma source(%dma_start3A_384 : memref<100001x128xf32, #tpu.memory_space<hbm>>) target(%arg18 : memref<128x128xf32, #tpu.memory_space<vmem>>) offsets(%dma_start3A_381 : memref<128xi32, #tpu.memory_space<vmem>>) semaphore(%arg26 : memref<!tpu.dma_semaphore, #tpu.memory_space<semaphore_mem>>)
    %dma_wait3A_385 = arith.constant 3 : i32
    %dma_wait3A_386 = arith.constant 0 : i32
    %dma_wait3A_387 = tpu.memref_slice %arg12[%dma_wait3A_385, %dma_wait3A_386] : memref<4x128xi32, #tpu.memory_space<vmem>> -> memref<1x128xi32, #tpu.memory_space<vmem>>
    %dma_wait3A_388 = tpu.memref_squeeze %dma_wait3A_387 : memref<1x128xi32, #tpu.memory_space<vmem>> -> memref<128xi32, #tpu.memory_space<vmem>>
    %dma_wait3A_389 = arith.constant 0 : i32
    %dma_wait3A_390 = arith.constant 0 : i32
    %dma_wait3A_391 = tpu.memref_slice %arg6[%dma_wait3A_389, %dma_wait3A_390] : memref<100001x128xf32, #tpu.memory_space<hbm>> -> memref<100001x128xf32, #tpu.memory_space<hbm>>
    tpu.wait_indirect_dma semaphore(%arg27 : memref<!tpu.dma_semaphore, #tpu.memory_space<semaphore_mem>>) src(%dma_wait3A_391 : memref<100001x128xf32, #tpu.memory_space<hbm>>) dst(%arg19 : memref<128x128xf32, #tpu.memory_space<vmem>>)
    %dma_start3A_392 = arith.constant 0 : i32
    %dma_start3A_393 = tpu.memref_slice %arg10[%add3A_328, %dma_start3A_392] : memref<16384x128xf32, #tpu.memory_space<hbm>> -> memref<128x128xf32, #tpu.memory_space<hbm>>
    %dma_start3A_394 = arith.constant 0 : i32
    %dma_start3A_395 = tpu.memref_slice %arg10[%add3A_328, %dma_start3A_394] : memref<16384x128xf32, #tpu.memory_space<hbm>> -> memref<128x128xf32, #tpu.memory_space<hbm>>
    tpu.enqueue_dma source(%arg19 : memref<128x128xf32, #tpu.memory_space<vmem>>) target(%dma_start3A_395 : memref<128x128xf32, #tpu.memory_space<hbm>>) target_semaphore(%arg31 : memref<!tpu.dma_semaphore, #tpu.memory_space<semaphore_mem>>)
    %add3A_396 = arith.constant 0 : i32
    %add3A_397 = arith.addi %mul3A_2, %add3A_396 : i32
    %dma_wait3A_398 = arith.constant 0 : i32
    %dma_wait3A_399 = tpu.memref_slice %arg10[%add3A_328, %dma_wait3A_398] : memref<16384x128xf32, #tpu.memory_space<hbm>> -> memref<128x128xf32, #tpu.memory_space<hbm>>
    %dma_wait3A_400 = arith.constant 0 : i32
    %dma_wait3A_401 = tpu.memref_slice %arg10[%add3A_328, %dma_wait3A_400] : memref<16384x128xf32, #tpu.memory_space<hbm>> -> memref<128x128xf32, #tpu.memory_space<hbm>>
    tpu.wait_dma2 semaphore(%arg31 : memref<!tpu.dma_semaphore, #tpu.memory_space<semaphore_mem>>) src(%arg19 : memref<128x128xf32, #tpu.memory_space<vmem>>) dst(%dma_wait3A_401 : memref<128x128xf32, #tpu.memory_space<hbm>>)
    %dma_start3A_402 = arith.constant 1 : i32
    %dma_start3A_403 = arith.constant 0 : i32
    %dma_start3A_404 = tpu.memref_slice %arg13[%dma_start3A_402, %dma_start3A_403] : memref<4x128xi32, #tpu.memory_space<vmem>> -> memref<1x128xi32, #tpu.memory_space<vmem>>
    %dma_start3A_405 = tpu.memref_squeeze %dma_start3A_404 : memref<1x128xi32, #tpu.memory_space<vmem>> -> memref<128xi32, #tpu.memory_space<vmem>>
    %dma_start3A_406 = arith.constant 0 : i32
    %dma_start3A_407 = arith.constant 0 : i32
    %dma_start3A_408 = tpu.memref_slice %arg7[%dma_start3A_406, %dma_start3A_407] : memref<100001x128xf32, #tpu.memory_space<hbm>> -> memref<100001x128xf32, #tpu.memory_space<hbm>>
    tpu.enqueue_indirect_dma source(%dma_start3A_408 : memref<100001x128xf32, #tpu.memory_space<hbm>>) target(%arg19 : memref<128x128xf32, #tpu.memory_space<vmem>>) offsets(%dma_start3A_405 : memref<128xi32, #tpu.memory_space<vmem>>) semaphore(%arg27 : memref<!tpu.dma_semaphore, #tpu.memory_space<semaphore_mem>>)
    %dma_wait3A_409 = arith.constant 0 : i32
    %dma_wait3A_410 = arith.constant 0 : i32
    %dma_wait3A_411 = tpu.memref_slice %arg13[%dma_wait3A_409, %dma_wait3A_410] : memref<4x128xi32, #tpu.memory_space<vmem>> -> memref<1x128xi32, #tpu.memory_space<vmem>>
    %dma_wait3A_412 = tpu.memref_squeeze %dma_wait3A_411 : memref<1x128xi32, #tpu.memory_space<vmem>> -> memref<128xi32, #tpu.memory_space<vmem>>
    %dma_wait3A_413 = arith.constant 0 : i32
    %dma_wait3A_414 = arith.constant 0 : i32
    %dma_wait3A_415 = tpu.memref_slice %arg7[%dma_wait3A_413, %dma_wait3A_414] : memref<100001x128xf32, #tpu.memory_space<hbm>> -> memref<100001x128xf32, #tpu.memory_space<hbm>>
    tpu.wait_indirect_dma semaphore(%arg26 : memref<!tpu.dma_semaphore, #tpu.memory_space<semaphore_mem>>) src(%dma_wait3A_415 : memref<100001x128xf32, #tpu.memory_space<hbm>>) dst(%arg18 : memref<128x128xf32, #tpu.memory_space<vmem>>)
    %dma_start3A_416 = arith.constant 0 : i32
    %dma_start3A_417 = tpu.memref_slice %arg11[%add3A_397, %dma_start3A_416] : memref<16384x128xf32, #tpu.memory_space<hbm>> -> memref<128x128xf32, #tpu.memory_space<hbm>>
    %dma_start3A_418 = arith.constant 0 : i32
    %dma_start3A_419 = tpu.memref_slice %arg11[%add3A_397, %dma_start3A_418] : memref<16384x128xf32, #tpu.memory_space<hbm>> -> memref<128x128xf32, #tpu.memory_space<hbm>>
    tpu.enqueue_dma source(%arg18 : memref<128x128xf32, #tpu.memory_space<vmem>>) target(%dma_start3A_419 : memref<128x128xf32, #tpu.memory_space<hbm>>) target_semaphore(%arg30 : memref<!tpu.dma_semaphore, #tpu.memory_space<semaphore_mem>>)
    %add3A_420 = arith.constant 128 : i32
    %add3A_421 = arith.addi %mul3A_2, %add3A_420 : i32
    %dma_wait3A_422 = arith.constant 2 : i32
    %dma_wait3A_423 = arith.constant 0 : i32
    %dma_wait3A_424 = tpu.memref_slice %arg12[%dma_wait3A_422, %dma_wait3A_423] : memref<4x128xi32, #tpu.memory_space<vmem>> -> memref<1x128xi32, #tpu.memory_space<vmem>>
    %dma_wait3A_425 = tpu.memref_squeeze %dma_wait3A_424 : memref<1x128xi32, #tpu.memory_space<vmem>> -> memref<128xi32, #tpu.memory_space<vmem>>
    %dma_wait3A_426 = arith.constant 0 : i32
    %dma_wait3A_427 = arith.constant 0 : i32
    %dma_wait3A_428 = tpu.memref_slice %arg4[%dma_wait3A_426, %dma_wait3A_427] : memref<100001x128xf32, #tpu.memory_space<hbm>> -> memref<100001x128xf32, #tpu.memory_space<hbm>>
    tpu.wait_indirect_dma semaphore(%arg22 : memref<!tpu.dma_semaphore, #tpu.memory_space<semaphore_mem>>) src(%dma_wait3A_428 : memref<100001x128xf32, #tpu.memory_space<hbm>>) dst(%arg14 : memref<128x128xf32, #tpu.memory_space<vmem>>)
    %dma_wait3A_429 = arith.constant 2 : i32
    %dma_wait3A_430 = arith.constant 0 : i32
    %dma_wait3A_431 = tpu.memref_slice %arg13[%dma_wait3A_429, %dma_wait3A_430] : memref<4x128xi32, #tpu.memory_space<vmem>> -> memref<1x128xi32, #tpu.memory_space<vmem>>
    %dma_wait3A_432 = tpu.memref_squeeze %dma_wait3A_431 : memref<1x128xi32, #tpu.memory_space<vmem>> -> memref<128xi32, #tpu.memory_space<vmem>>
    %dma_wait3A_433 = arith.constant 0 : i32
    %dma_wait3A_434 = arith.constant 0 : i32
    %dma_wait3A_435 = tpu.memref_slice %arg5[%dma_wait3A_433, %dma_wait3A_434] : memref<100001x128xf32, #tpu.memory_space<hbm>> -> memref<100001x128xf32, #tpu.memory_space<hbm>>
    tpu.wait_indirect_dma semaphore(%arg24 : memref<!tpu.dma_semaphore, #tpu.memory_space<semaphore_mem>>) src(%dma_wait3A_435 : memref<100001x128xf32, #tpu.memory_space<hbm>>) dst(%arg16 : memref<128x128xf32, #tpu.memory_space<vmem>>)
    %dma_wait3A_436 = arith.constant 0 : i32
    %dma_wait3A_437 = tpu.memref_slice %arg9[%add3A_355, %dma_wait3A_436] : memref<16384x16xf32, #tpu.memory_space<hbm>> -> memref<128x16xf32, #tpu.memory_space<hbm>>
    %dma_wait3A_438 = arith.constant 0 : i32
    %dma_wait3A_439 = tpu.memref_slice %arg9[%add3A_355, %dma_wait3A_438] : memref<16384x16xf32, #tpu.memory_space<hbm>> -> memref<128x16xf32, #tpu.memory_space<hbm>>
    tpu.wait_dma2 semaphore(%arg28 : memref<!tpu.dma_semaphore, #tpu.memory_space<semaphore_mem>>) src(%arg20 : memref<128x16xf32, #tpu.memory_space<vmem>>) dst(%dma_wait3A_439 : memref<128x16xf32, #tpu.memory_space<hbm>>)
    %scan3A_440 = arith.constant 0 : i32
    %scan3A_441 = arith.constant 0 : i32
    %scan3A_442 = arith.constant 128 : i32
    %scan3A_443 = arith.addi %scan3A_441, %scan3A_442 : i32
    %scan3A_444 = arith.constant 4 : i32
    %scan3A_445 = scf.for %scan3A_555 = %scan3A_441 to %scan3A_443 step %scan3A_444 iter_args(%scan3A_556 = %scan3A_440) -> (i32)  : i32 {
      %get3A_557 = arith.index_cast %scan3A_555 : i32 to index
      %get3A_558 = arith.constant 0 : index
      %get3A_559 = tpu.vector_load %arg14[%get3A_557, %get3A_558] {strides = array<i32>} : memref<128x128xf32, #tpu.memory_space<vmem>>, vector<1x16xf32>,
      %get3A_560 = vector.shape_cast %get3A_559 : vector<1x16xf32> to vector<16xf32>
      %get3A_561 = arith.index_cast %scan3A_555 : i32 to index
      %get3A_562 = arith.constant 0 : index
      %get3A_563 = tpu.vector_load %arg16[%get3A_561, %get3A_562] {strides = array<i32>} : memref<128x128xf32, #tpu.memory_space<vmem>>, vector<1x16xf32>,
      %get3A_564 = vector.shape_cast %get3A_563 : vector<1x16xf32> to vector<16xf32>
      %mul3A_565 = arith.mulf %get3A_560, %get3A_564 : vector<16xf32>
      %mul3A_566 = arith.mulf %mul3A_565, %get3A_190 : vector<16xf32>
      %get3A_567 = arith.index_cast %scan3A_555 : i32 to index
      %get3A_568 = arith.constant 16 : index
      %get3A_569 = tpu.vector_load %arg14[%get3A_567, %get3A_568] {strides = array<i32>} : memref<128x128xf32, #tpu.memory_space<vmem>>, vector<1x16xf32>,
      %get3A_570 = vector.shape_cast %get3A_569 : vector<1x16xf32> to vector<16xf32>
      %get3A_571 = arith.index_cast %scan3A_555 : i32 to index
      %get3A_572 = arith.constant 16 : index
      %get3A_573 = tpu.vector_load %arg16[%get3A_571, %get3A_572] {strides = array<i32>} : memref<128x128xf32, #tpu.memory_space<vmem>>, vector<1x16xf32>,
      %get3A_574 = vector.shape_cast %get3A_573 : vector<1x16xf32> to vector<16xf32>
      %mul3A_575 = arith.mulf %get3A_570, %get3A_574 : vector<16xf32>
      %mul3A_576 = arith.mulf %mul3A_575, %get3A_193 : vector<16xf32>
      %add3A_577 = arith.addf %mul3A_566, %mul3A_576 : vector<16xf32>
      %get3A_578 = arith.index_cast %scan3A_555 : i32 to index
      %get3A_579 = arith.constant 32 : index
      %get3A_580 = tpu.vector_load %arg14[%get3A_578, %get3A_579] {strides = array<i32>} : memref<128x128xf32, #tpu.memory_space<vmem>>, vector<1x16xf32>,
      %get3A_581 = vector.shape_cast %get3A_580 : vector<1x16xf32> to vector<16xf32>
      %get3A_582 = arith.index_cast %scan3A_555 : i32 to index
      %get3A_583 = arith.constant 32 : index
      %get3A_584 = tpu.vector_load %arg16[%get3A_582, %get3A_583] {strides = array<i32>} : memref<128x128xf32, #tpu.memory_space<vmem>>, vector<1x16xf32>,
      %get3A_585 = vector.shape_cast %get3A_584 : vector<1x16xf32> to vector<16xf32>
      %mul3A_586 = arith.mulf %get3A_581, %get3A_585 : vector<16xf32>
      %mul3A_587 = arith.mulf %mul3A_586, %get3A_196 : vector<16xf32>
      %add3A_588 = arith.addf %add3A_577, %mul3A_587 : vector<16xf32>
      %get3A_589 = arith.index_cast %scan3A_555 : i32 to index
      %get3A_590 = arith.constant 48 : index
      %get3A_591 = tpu.vector_load %arg14[%get3A_589, %get3A_590] {strides = array<i32>} : memref<128x128xf32, #tpu.memory_space<vmem>>, vector<1x16xf32>,
      %get3A_592 = vector.shape_cast %get3A_591 : vector<1x16xf32> to vector<16xf32>
      %get3A_593 = arith.index_cast %scan3A_555 : i32 to index
      %get3A_594 = arith.constant 48 : index
      %get3A_595 = tpu.vector_load %arg16[%get3A_593, %get3A_594] {strides = array<i32>} : memref<128x128xf32, #tpu.memory_space<vmem>>, vector<1x16xf32>,
      %get3A_596 = vector.shape_cast %get3A_595 : vector<1x16xf32> to vector<16xf32>
      %mul3A_597 = arith.mulf %get3A_592, %get3A_596 : vector<16xf32>
      %mul3A_598 = arith.mulf %mul3A_597, %get3A_199 : vector<16xf32>
      %add3A_599 = arith.addf %add3A_588, %mul3A_598 : vector<16xf32>
      %get3A_600 = arith.index_cast %scan3A_555 : i32 to index
      %get3A_601 = arith.constant 64 : index
      %get3A_602 = tpu.vector_load %arg14[%get3A_600, %get3A_601] {strides = array<i32>} : memref<128x128xf32, #tpu.memory_space<vmem>>, vector<1x16xf32>,
      %get3A_603 = vector.shape_cast %get3A_602 : vector<1x16xf32> to vector<16xf32>
      %get3A_604 = arith.index_cast %scan3A_555 : i32 to index
      %get3A_605 = arith.constant 64 : index
      %get3A_606 = tpu.vector_load %arg16[%get3A_604, %get3A_605] {strides = array<i32>} : memref<128x128xf32, #tpu.memory_space<vmem>>, vector<1x16xf32>,
      %get3A_607 = vector.shape_cast %get3A_606 : vector<1x16xf32> to vector<16xf32>
      %mul3A_608 = arith.mulf %get3A_603, %get3A_607 : vector<16xf32>
      %mul3A_609 = arith.mulf %mul3A_608, %get3A_202 : vector<16xf32>
      %add3A_610 = arith.addf %add3A_599, %mul3A_609 : vector<16xf32>
      %get3A_611 = arith.index_cast %scan3A_555 : i32 to index
      %get3A_612 = arith.constant 80 : index
      %get3A_613 = tpu.vector_load %arg14[%get3A_611, %get3A_612] {strides = array<i32>} : memref<128x128xf32, #tpu.memory_space<vmem>>, vector<1x16xf32>,
      %get3A_614 = vector.shape_cast %get3A_613 : vector<1x16xf32> to vector<16xf32>
      %get3A_615 = arith.index_cast %scan3A_555 : i32 to index
      %get3A_616 = arith.constant 80 : index
      %get3A_617 = tpu.vector_load %arg16[%get3A_615, %get3A_616] {strides = array<i32>} : memref<128x128xf32, #tpu.memory_space<vmem>>, vector<1x16xf32>,
      %get3A_618 = vector.shape_cast %get3A_617 : vector<1x16xf32> to vector<16xf32>
      %mul3A_619 = arith.mulf %get3A_614, %get3A_618 : vector<16xf32>
      %mul3A_620 = arith.mulf %mul3A_619, %get3A_205 : vector<16xf32>
      %add3A_621 = arith.addf %add3A_610, %mul3A_620 : vector<16xf32>
      %get3A_622 = arith.index_cast %scan3A_555 : i32 to index
      %get3A_623 = arith.constant 96 : index
      %get3A_624 = tpu.vector_load %arg14[%get3A_622, %get3A_623] {strides = array<i32>} : memref<128x128xf32, #tpu.memory_space<vmem>>, vector<1x16xf32>,
      %get3A_625 = vector.shape_cast %get3A_624 : vector<1x16xf32> to vector<16xf32>
      %get3A_626 = arith.index_cast %scan3A_555 : i32 to index
      %get3A_627 = arith.constant 96 : index
      %get3A_628 = tpu.vector_load %arg16[%get3A_626, %get3A_627] {strides = array<i32>} : memref<128x128xf32, #tpu.memory_space<vmem>>, vector<1x16xf32>,
      %get3A_629 = vector.shape_cast %get3A_628 : vector<1x16xf32> to vector<16xf32>
      %mul3A_630 = arith.mulf %get3A_625, %get3A_629 : vector<16xf32>
      %mul3A_631 = arith.mulf %mul3A_630, %get3A_208 : vector<16xf32>
      %add3A_632 = arith.addf %add3A_621, %mul3A_631 : vector<16xf32>
      %get3A_633 = arith.index_cast %scan3A_555 : i32 to index
      %get3A_634 = arith.constant 112 : index
      %get3A_635 = tpu.vector_load %arg14[%get3A_633, %get3A_634] {strides = array<i32>} : memref<128x128xf32, #tpu.memory_space<vmem>>, vector<1x16xf32>,
      %get3A_636 = vector.shape_cast %get3A_635 : vector<1x16xf32> to vector<16xf32>
      %get3A_637 = arith.index_cast %scan3A_555 : i32 to index
      %get3A_638 = arith.constant 112 : index
      %get3A_639 = tpu.vector_load %arg16[%get3A_637, %get3A_638] {strides = array<i32>} : memref<128x128xf32, #tpu.memory_space<vmem>>, vector<1x16xf32>,
      %get3A_640 = vector.shape_cast %get3A_639 : vector<1x16xf32> to vector<16xf32>
      %mul3A_641 = arith.mulf %get3A_636, %get3A_640 : vector<16xf32>
      %mul3A_642 = arith.mulf %mul3A_641, %get3A_211 : vector<16xf32>
      %add3A_643 = arith.addf %add3A_632, %mul3A_642 : vector<16xf32>
      %swap3A = arith.index_cast %scan3A_555 : i32 to index
      %swap3A_644 = arith.constant 0 : index
      %swap3A_645 = tpu.vector_load %arg20[%swap3A, %swap3A_644] {strides = array<i32>} : memref<128x16xf32, #tpu.memory_space<vmem>>, vector<1x16xf32>,
      %swap3A_646 = vector.shape_cast %swap3A_645 : vector<1x16xf32> to vector<16xf32>
      %swap3A_647 = vector.shape_cast %add3A_643 : vector<16xf32> to vector<1x16xf32>
      tpu.vector_store %arg20[%swap3A, %swap3A_644], %swap3A_647 {strides = array<i32>} : memref<128x16xf32, #tpu.memory_space<vmem>>, vector<1x16xf32>,
      %scan3A_648 = arith.constant 0 : i32
      %scan3A_649 = arith.constant 1 : i32
      %scan3A_650 = arith.addi %scan3A_555, %scan3A_649 : i32
      %get3A_651 = arith.index_cast %scan3A_650 : i32 to index
      %get3A_652 = arith.constant 0 : index
      %get3A_653 = tpu.vector_load %arg14[%get3A_651, %get3A_652] {strides = array<i32>} : memref<128x128xf32, #tpu.memory_space<vmem>>, vector<1x16xf32>,
      %get3A_654 = vector.shape_cast %get3A_653 : vector<1x16xf32> to vector<16xf32>
      %get3A_655 = arith.index_cast %scan3A_650 : i32 to index
      %get3A_656 = arith.constant 0 : index
      %get3A_657 = tpu.vector_load %arg16[%get3A_655, %get3A_656] {strides = array<i32>} : memref<128x128xf32, #tpu.memory_space<vmem>>, vector<1x16xf32>,
      %get3A_658 = vector.shape_cast %get3A_657 : vector<1x16xf32> to vector<16xf32>
      %mul3A_659 = arith.mulf %get3A_654, %get3A_658 : vector<16xf32>
      %mul3A_660 = arith.mulf %mul3A_659, %get3A_190 : vector<16xf32>
      %get3A_661 = arith.index_cast %scan3A_650 : i32 to index
      %get3A_662 = arith.constant 16 : index
      %get3A_663 = tpu.vector_load %arg14[%get3A_661, %get3A_662] {strides = array<i32>} : memref<128x128xf32, #tpu.memory_space<vmem>>, vector<1x16xf32>,
      %get3A_664 = vector.shape_cast %get3A_663 : vector<1x16xf32> to vector<16xf32>
      %get3A_665 = arith.index_cast %scan3A_650 : i32 to index
      %get3A_666 = arith.constant 16 : index
      %get3A_667 = tpu.vector_load %arg16[%get3A_665, %get3A_666] {strides = array<i32>} : memref<128x128xf32, #tpu.memory_space<vmem>>, vector<1x16xf32>,
      %get3A_668 = vector.shape_cast %get3A_667 : vector<1x16xf32> to vector<16xf32>
      %mul3A_669 = arith.mulf %get3A_664, %get3A_668 : vector<16xf32>
      %mul3A_670 = arith.mulf %mul3A_669, %get3A_193 : vector<16xf32>
      %add3A_671 = arith.addf %mul3A_660, %mul3A_670 : vector<16xf32>
      %get3A_672 = arith.index_cast %scan3A_650 : i32 to index
      %get3A_673 = arith.constant 32 : index
      %get3A_674 = tpu.vector_load %arg14[%get3A_672, %get3A_673] {strides = array<i32>} : memref<128x128xf32, #tpu.memory_space<vmem>>, vector<1x16xf32>,
      %get3A_675 = vector.shape_cast %get3A_674 : vector<1x16xf32> to vector<16xf32>
      %get3A_676 = arith.index_cast %scan3A_650 : i32 to index
      %get3A_677 = arith.constant 32 : index
      %get3A_678 = tpu.vector_load %arg16[%get3A_676, %get3A_677] {strides = array<i32>} : memref<128x128xf32, #tpu.memory_space<vmem>>, vector<1x16xf32>,
      %get3A_679 = vector.shape_cast %get3A_678 : vector<1x16xf32> to vector<16xf32>
      %mul3A_680 = arith.mulf %get3A_675, %get3A_679 : vector<16xf32>
      %mul3A_681 = arith.mulf %mul3A_680, %get3A_196 : vector<16xf32>
      %add3A_682 = arith.addf %add3A_671, %mul3A_681 : vector<16xf32>
      %get3A_683 = arith.index_cast %scan3A_650 : i32 to index
      %get3A_684 = arith.constant 48 : index
      %get3A_685 = tpu.vector_load %arg14[%get3A_683, %get3A_684] {strides = array<i32>} : memref<128x128xf32, #tpu.memory_space<vmem>>, vector<1x16xf32>,
      %get3A_686 = vector.shape_cast %get3A_685 : vector<1x16xf32> to vector<16xf32>
      %get3A_687 = arith.index_cast %scan3A_650 : i32 to index
      %get3A_688 = arith.constant 48 : index
      %get3A_689 = tpu.vector_load %arg16[%get3A_687, %get3A_688] {strides = array<i32>} : memref<128x128xf32, #tpu.memory_space<vmem>>, vector<1x16xf32>,
      %get3A_690 = vector.shape_cast %get3A_689 : vector<1x16xf32> to vector<16xf32>
      %mul3A_691 = arith.mulf %get3A_686, %get3A_690 : vector<16xf32>
      %mul3A_692 = arith.mulf %mul3A_691, %get3A_199 : vector<16xf32>
      %add3A_693 = arith.addf %add3A_682, %mul3A_692 : vector<16xf32>
      %get3A_694 = arith.index_cast %scan3A_650 : i32 to index
      %get3A_695 = arith.constant 64 : index
      %get3A_696 = tpu.vector_load %arg14[%get3A_694, %get3A_695] {strides = array<i32>} : memref<128x128xf32, #tpu.memory_space<vmem>>, vector<1x16xf32>,
      %get3A_697 = vector.shape_cast %get3A_696 : vector<1x16xf32> to vector<16xf32>
      %get3A_698 = arith.index_cast %scan3A_650 : i32 to index
      %get3A_699 = arith.constant 64 : index
      %get3A_700 = tpu.vector_load %arg16[%get3A_698, %get3A_699] {strides = array<i32>} : memref<128x128xf32, #tpu.memory_space<vmem>>, vector<1x16xf32>,
      %get3A_701 = vector.shape_cast %get3A_700 : vector<1x16xf32> to vector<16xf32>
      %mul3A_702 = arith.mulf %get3A_697, %get3A_701 : vector<16xf32>
      %mul3A_703 = arith.mulf %mul3A_702, %get3A_202 : vector<16xf32>
      %add3A_704 = arith.addf %add3A_693, %mul3A_703 : vector<16xf32>
      %get3A_705 = arith.index_cast %scan3A_650 : i32 to index
      %get3A_706 = arith.constant 80 : index
      %get3A_707 = tpu.vector_load %arg14[%get3A_705, %get3A_706] {strides = array<i32>} : memref<128x128xf32, #tpu.memory_space<vmem>>, vector<1x16xf32>,
      %get3A_708 = vector.shape_cast %get3A_707 : vector<1x16xf32> to vector<16xf32>
      %get3A_709 = arith.index_cast %scan3A_650 : i32 to index
      %get3A_710 = arith.constant 80 : index
      %get3A_711 = tpu.vector_load %arg16[%get3A_709, %get3A_710] {strides = array<i32>} : memref<128x128xf32, #tpu.memory_space<vmem>>, vector<1x16xf32>,
      %get3A_712 = vector.shape_cast %get3A_711 : vector<1x16xf32> to vector<16xf32>
      %mul3A_713 = arith.mulf %get3A_708, %get3A_712 : vector<16xf32>
      %mul3A_714 = arith.mulf %mul3A_713, %get3A_205 : vector<16xf32>
      %add3A_715 = arith.addf %add3A_704, %mul3A_714 : vector<16xf32>
      %get3A_716 = arith.index_cast %scan3A_650 : i32 to index
      %get3A_717 = arith.constant 96 : index
      %get3A_718 = tpu.vector_load %arg14[%get3A_716, %get3A_717] {strides = array<i32>} : memref<128x128xf32, #tpu.memory_space<vmem>>, vector<1x16xf32>,
      %get3A_719 = vector.shape_cast %get3A_718 : vector<1x16xf32> to vector<16xf32>
      %get3A_720 = arith.index_cast %scan3A_650 : i32 to index
      %get3A_721 = arith.constant 96 : index
      %get3A_722 = tpu.vector_load %arg16[%get3A_720, %get3A_721] {strides = array<i32>} : memref<128x128xf32, #tpu.memory_space<vmem>>, vector<1x16xf32>,
      %get3A_723 = vector.shape_cast %get3A_722 : vector<1x16xf32> to vector<16xf32>
      %mul3A_724 = arith.mulf %get3A_719, %get3A_723 : vector<16xf32>
      %mul3A_725 = arith.mulf %mul3A_724, %get3A_208 : vector<16xf32>
      %add3A_726 = arith.addf %add3A_715, %mul3A_725 : vector<16xf32>
      %get3A_727 = arith.index_cast %scan3A_650 : i32 to index
      %get3A_728 = arith.constant 112 : index
      %get3A_729 = tpu.vector_load %arg14[%get3A_727, %get3A_728] {strides = array<i32>} : memref<128x128xf32, #tpu.memory_space<vmem>>, vector<1x16xf32>,
      %get3A_730 = vector.shape_cast %get3A_729 : vector<1x16xf32> to vector<16xf32>
      %get3A_731 = arith.index_cast %scan3A_650 : i32 to index
      %get3A_732 = arith.constant 112 : index
      %get3A_733 = tpu.vector_load %arg16[%get3A_731, %get3A_732] {strides = array<i32>} : memref<128x128xf32, #tpu.memory_space<vmem>>, vector<1x16xf32>,
      %get3A_734 = vector.shape_cast %get3A_733 : vector<1x16xf32> to vector<16xf32>
      %mul3A_735 = arith.mulf %get3A_730, %get3A_734 : vector<16xf32>
      %mul3A_736 = arith.mulf %mul3A_735, %get3A_211 : vector<16xf32>
      %add3A_737 = arith.addf %add3A_726, %mul3A_736 : vector<16xf32>
      %swap3A_738 = arith.index_cast %scan3A_650 : i32 to index
      %swap3A_739 = arith.constant 0 : index
      %swap3A_740 = tpu.vector_load %arg20[%swap3A_738, %swap3A_739] {strides = array<i32>} : memref<128x16xf32, #tpu.memory_space<vmem>>, vector<1x16xf32>,
      %swap3A_741 = vector.shape_cast %swap3A_740 : vector<1x16xf32> to vector<16xf32>
      %swap3A_742 = vector.shape_cast %add3A_737 : vector<16xf32> to vector<1x16xf32>
      tpu.vector_store %arg20[%swap3A_738, %swap3A_739], %swap3A_742 {strides = array<i32>} : memref<128x16xf32, #tpu.memory_space<vmem>>, vector<1x16xf32>,
      %scan3A_743 = arith.constant 0 : i32
      %scan3A_744 = arith.constant 2 : i32
      %scan3A_745 = arith.addi %scan3A_555, %scan3A_744 : i32
      %get3A_746 = arith.index_cast %scan3A_745 : i32 to index
      %get3A_747 = arith.constant 0 : index
      %get3A_748 = tpu.vector_load %arg14[%get3A_746, %get3A_747] {strides = array<i32>} : memref<128x128xf32, #tpu.memory_space<vmem>>, vector<1x16xf32>,
      %get3A_749 = vector.shape_cast %get3A_748 : vector<1x16xf32> to vector<16xf32>
      %get3A_750 = arith.index_cast %scan3A_745 : i32 to index
      %get3A_751 = arith.constant 0 : index
      %get3A_752 = tpu.vector_load %arg16[%get3A_750, %get3A_751] {strides = array<i32>} : memref<128x128xf32, #tpu.memory_space<vmem>>, vector<1x16xf32>,
      %get3A_753 = vector.shape_cast %get3A_752 : vector<1x16xf32> to vector<16xf32>
      %mul3A_754 = arith.mulf %get3A_749, %get3A_753 : vector<16xf32>
      %mul3A_755 = arith.mulf %mul3A_754, %get3A_190 : vector<16xf32>
      %get3A_756 = arith.index_cast %scan3A_745 : i32 to index
      %get3A_757 = arith.constant 16 : index
      %get3A_758 = tpu.vector_load %arg14[%get3A_756, %get3A_757] {strides = array<i32>} : memref<128x128xf32, #tpu.memory_space<vmem>>, vector<1x16xf32>,
      %get3A_759 = vector.shape_cast %get3A_758 : vector<1x16xf32> to vector<16xf32>
      %get3A_760 = arith.index_cast %scan3A_745 : i32 to index
      %get3A_761 = arith.constant 16 : index
      %get3A_762 = tpu.vector_load %arg16[%get3A_760, %get3A_761] {strides = array<i32>} : memref<128x128xf32, #tpu.memory_space<vmem>>, vector<1x16xf32>,
      %get3A_763 = vector.shape_cast %get3A_762 : vector<1x16xf32> to vector<16xf32>
      %mul3A_764 = arith.mulf %get3A_759, %get3A_763 : vector<16xf32>
      %mul3A_765 = arith.mulf %mul3A_764, %get3A_193 : vector<16xf32>
      %add3A_766 = arith.addf %mul3A_755, %mul3A_765 : vector<16xf32>
      %get3A_767 = arith.index_cast %scan3A_745 : i32 to index
      %get3A_768 = arith.constant 32 : index
      %get3A_769 = tpu.vector_load %arg14[%get3A_767, %get3A_768] {strides = array<i32>} : memref<128x128xf32, #tpu.memory_space<vmem>>, vector<1x16xf32>,
      %get3A_770 = vector.shape_cast %get3A_769 : vector<1x16xf32> to vector<16xf32>
      %get3A_771 = arith.index_cast %scan3A_745 : i32 to index
      %get3A_772 = arith.constant 32 : index
      %get3A_773 = tpu.vector_load %arg16[%get3A_771, %get3A_772] {strides = array<i32>} : memref<128x128xf32, #tpu.memory_space<vmem>>, vector<1x16xf32>,
      %get3A_774 = vector.shape_cast %get3A_773 : vector<1x16xf32> to vector<16xf32>
      %mul3A_775 = arith.mulf %get3A_770, %get3A_774 : vector<16xf32>
      %mul3A_776 = arith.mulf %mul3A_775, %get3A_196 : vector<16xf32>
      %add3A_777 = arith.addf %add3A_766, %mul3A_776 : vector<16xf32>
      %get3A_778 = arith.index_cast %scan3A_745 : i32 to index
      %get3A_779 = arith.constant 48 : index
      %get3A_780 = tpu.vector_load %arg14[%get3A_778, %get3A_779] {strides = array<i32>} : memref<128x128xf32, #tpu.memory_space<vmem>>, vector<1x16xf32>,
      %get3A_781 = vector.shape_cast %get3A_780 : vector<1x16xf32> to vector<16xf32>
      %get3A_782 = arith.index_cast %scan3A_745 : i32 to index
      %get3A_783 = arith.constant 48 : index
      %get3A_784 = tpu.vector_load %arg16[%get3A_782, %get3A_783] {strides = array<i32>} : memref<128x128xf32, #tpu.memory_space<vmem>>, vector<1x16xf32>,
      %get3A_785 = vector.shape_cast %get3A_784 : vector<1x16xf32> to vector<16xf32>
      %mul3A_786 = arith.mulf %get3A_781, %get3A_785 : vector<16xf32>
      %mul3A_787 = arith.mulf %mul3A_786, %get3A_199 : vector<16xf32>
      %add3A_788 = arith.addf %add3A_777, %mul3A_787 : vector<16xf32>
      %get3A_789 = arith.index_cast %scan3A_745 : i32 to index
      %get3A_790 = arith.constant 64 : index
      %get3A_791 = tpu.vector_load %arg14[%get3A_789, %get3A_790] {strides = array<i32>} : memref<128x128xf32, #tpu.memory_space<vmem>>, vector<1x16xf32>,
      %get3A_792 = vector.shape_cast %get3A_791 : vector<1x16xf32> to vector<16xf32>
      %get3A_793 = arith.index_cast %scan3A_745 : i32 to index
      %get3A_794 = arith.constant 64 : index
      %get3A_795 = tpu.vector_load %arg16[%get3A_793, %get3A_794] {strides = array<i32>} : memref<128x128xf32, #tpu.memory_space<vmem>>, vector<1x16xf32>,
      %get3A_796 = vector.shape_cast %get3A_795 : vector<1x16xf32> to vector<16xf32>
      %mul3A_797 = arith.mulf %get3A_792, %get3A_796 : vector<16xf32>
      %mul3A_798 = arith.mulf %mul3A_797, %get3A_202 : vector<16xf32>
      %add3A_799 = arith.addf %add3A_788, %mul3A_798 : vector<16xf32>
      %get3A_800 = arith.index_cast %scan3A_745 : i32 to index
      %get3A_801 = arith.constant 80 : index
      %get3A_802 = tpu.vector_load %arg14[%get3A_800, %get3A_801] {strides = array<i32>} : memref<128x128xf32, #tpu.memory_space<vmem>>, vector<1x16xf32>,
      %get3A_803 = vector.shape_cast %get3A_802 : vector<1x16xf32> to vector<16xf32>
      %get3A_804 = arith.index_cast %scan3A_745 : i32 to index
      %get3A_805 = arith.constant 80 : index
      %get3A_806 = tpu.vector_load %arg16[%get3A_804, %get3A_805] {strides = array<i32>} : memref<128x128xf32, #tpu.memory_space<vmem>>, vector<1x16xf32>,
      %get3A_807 = vector.shape_cast %get3A_806 : vector<1x16xf32> to vector<16xf32>
      %mul3A_808 = arith.mulf %get3A_803, %get3A_807 : vector<16xf32>
      %mul3A_809 = arith.mulf %mul3A_808, %get3A_205 : vector<16xf32>
      %add3A_810 = arith.addf %add3A_799, %mul3A_809 : vector<16xf32>
      %get3A_811 = arith.index_cast %scan3A_745 : i32 to index
      %get3A_812 = arith.constant 96 : index
      %get3A_813 = tpu.vector_load %arg14[%get3A_811, %get3A_812] {strides = array<i32>} : memref<128x128xf32, #tpu.memory_space<vmem>>, vector<1x16xf32>,
      %get3A_814 = vector.shape_cast %get3A_813 : vector<1x16xf32> to vector<16xf32>
      %get3A_815 = arith.index_cast %scan3A_745 : i32 to index
      %get3A_816 = arith.constant 96 : index
      %get3A_817 = tpu.vector_load %arg16[%get3A_815, %get3A_816] {strides = array<i32>} : memref<128x128xf32, #tpu.memory_space<vmem>>, vector<1x16xf32>,
      %get3A_818 = vector.shape_cast %get3A_817 : vector<1x16xf32> to vector<16xf32>
      %mul3A_819 = arith.mulf %get3A_814, %get3A_818 : vector<16xf32>
      %mul3A_820 = arith.mulf %mul3A_819, %get3A_208 : vector<16xf32>
      %add3A_821 = arith.addf %add3A_810, %mul3A_820 : vector<16xf32>
      %get3A_822 = arith.index_cast %scan3A_745 : i32 to index
      %get3A_823 = arith.constant 112 : index
      %get3A_824 = tpu.vector_load %arg14[%get3A_822, %get3A_823] {strides = array<i32>} : memref<128x128xf32, #tpu.memory_space<vmem>>, vector<1x16xf32>,
      %get3A_825 = vector.shape_cast %get3A_824 : vector<1x16xf32> to vector<16xf32>
      %get3A_826 = arith.index_cast %scan3A_745 : i32 to index
      %get3A_827 = arith.constant 112 : index
      %get3A_828 = tpu.vector_load %arg16[%get3A_826, %get3A_827] {strides = array<i32>} : memref<128x128xf32, #tpu.memory_space<vmem>>, vector<1x16xf32>,
      %get3A_829 = vector.shape_cast %get3A_828 : vector<1x16xf32> to vector<16xf32>
      %mul3A_830 = arith.mulf %get3A_825, %get3A_829 : vector<16xf32>
      %mul3A_831 = arith.mulf %mul3A_830, %get3A_211 : vector<16xf32>
      %add3A_832 = arith.addf %add3A_821, %mul3A_831 : vector<16xf32>
      %swap3A_833 = arith.index_cast %scan3A_745 : i32 to index
      %swap3A_834 = arith.constant 0 : index
      %swap3A_835 = tpu.vector_load %arg20[%swap3A_833, %swap3A_834] {strides = array<i32>} : memref<128x16xf32, #tpu.memory_space<vmem>>, vector<1x16xf32>,
      %swap3A_836 = vector.shape_cast %swap3A_835 : vector<1x16xf32> to vector<16xf32>
      %swap3A_837 = vector.shape_cast %add3A_832 : vector<16xf32> to vector<1x16xf32>
      tpu.vector_store %arg20[%swap3A_833, %swap3A_834], %swap3A_837 {strides = array<i32>} : memref<128x16xf32, #tpu.memory_space<vmem>>, vector<1x16xf32>,
      %scan3A_838 = arith.constant 0 : i32
      %scan3A_839 = arith.constant 3 : i32
      %scan3A_840 = arith.addi %scan3A_555, %scan3A_839 : i32
      %get3A_841 = arith.index_cast %scan3A_840 : i32 to index
      %get3A_842 = arith.constant 0 : index
      %get3A_843 = tpu.vector_load %arg14[%get3A_841, %get3A_842] {strides = array<i32>} : memref<128x128xf32, #tpu.memory_space<vmem>>, vector<1x16xf32>,
      %get3A_844 = vector.shape_cast %get3A_843 : vector<1x16xf32> to vector<16xf32>
      %get3A_845 = arith.index_cast %scan3A_840 : i32 to index
      %get3A_846 = arith.constant 0 : index
      %get3A_847 = tpu.vector_load %arg16[%get3A_845, %get3A_846] {strides = array<i32>} : memref<128x128xf32, #tpu.memory_space<vmem>>, vector<1x16xf32>,
      %get3A_848 = vector.shape_cast %get3A_847 : vector<1x16xf32> to vector<16xf32>
      %mul3A_849 = arith.mulf %get3A_844, %get3A_848 : vector<16xf32>
      %mul3A_850 = arith.mulf %mul3A_849, %get3A_190 : vector<16xf32>
      %get3A_851 = arith.index_cast %scan3A_840 : i32 to index
      %get3A_852 = arith.constant 16 : index
      %get3A_853 = tpu.vector_load %arg14[%get3A_851, %get3A_852] {strides = array<i32>} : memref<128x128xf32, #tpu.memory_space<vmem>>, vector<1x16xf32>,
      %get3A_854 = vector.shape_cast %get3A_853 : vector<1x16xf32> to vector<16xf32>
      %get3A_855 = arith.index_cast %scan3A_840 : i32 to index
      %get3A_856 = arith.constant 16 : index
      %get3A_857 = tpu.vector_load %arg16[%get3A_855, %get3A_856] {strides = array<i32>} : memref<128x128xf32, #tpu.memory_space<vmem>>, vector<1x16xf32>,
      %get3A_858 = vector.shape_cast %get3A_857 : vector<1x16xf32> to vector<16xf32>
      %mul3A_859 = arith.mulf %get3A_854, %get3A_858 : vector<16xf32>
      %mul3A_860 = arith.mulf %mul3A_859, %get3A_193 : vector<16xf32>
      %add3A_861 = arith.addf %mul3A_850, %mul3A_860 : vector<16xf32>
      %get3A_862 = arith.index_cast %scan3A_840 : i32 to index
      %get3A_863 = arith.constant 32 : index
      %get3A_864 = tpu.vector_load %arg14[%get3A_862, %get3A_863] {strides = array<i32>} : memref<128x128xf32, #tpu.memory_space<vmem>>, vector<1x16xf32>,
      %get3A_865 = vector.shape_cast %get3A_864 : vector<1x16xf32> to vector<16xf32>
      %get3A_866 = arith.index_cast %scan3A_840 : i32 to index
      %get3A_867 = arith.constant 32 : index
      %get3A_868 = tpu.vector_load %arg16[%get3A_866, %get3A_867] {strides = array<i32>} : memref<128x128xf32, #tpu.memory_space<vmem>>, vector<1x16xf32>,
      %get3A_869 = vector.shape_cast %get3A_868 : vector<1x16xf32> to vector<16xf32>
      %mul3A_870 = arith.mulf %get3A_865, %get3A_869 : vector<16xf32>
      %mul3A_871 = arith.mulf %mul3A_870, %get3A_196 : vector<16xf32>
      %add3A_872 = arith.addf %add3A_861, %mul3A_871 : vector<16xf32>
      %get3A_873 = arith.index_cast %scan3A_840 : i32 to index
      %get3A_874 = arith.constant 48 : index
      %get3A_875 = tpu.vector_load %arg14[%get3A_873, %get3A_874] {strides = array<i32>} : memref<128x128xf32, #tpu.memory_space<vmem>>, vector<1x16xf32>,
      %get3A_876 = vector.shape_cast %get3A_875 : vector<1x16xf32> to vector<16xf32>
      %get3A_877 = arith.index_cast %scan3A_840 : i32 to index
      %get3A_878 = arith.constant 48 : index
      %get3A_879 = tpu.vector_load %arg16[%get3A_877, %get3A_878] {strides = array<i32>} : memref<128x128xf32, #tpu.memory_space<vmem>>, vector<1x16xf32>,
      %get3A_880 = vector.shape_cast %get3A_879 : vector<1x16xf32> to vector<16xf32>
      %mul3A_881 = arith.mulf %get3A_876, %get3A_880 : vector<16xf32>
      %mul3A_882 = arith.mulf %mul3A_881, %get3A_199 : vector<16xf32>
      %add3A_883 = arith.addf %add3A_872, %mul3A_882 : vector<16xf32>
      %get3A_884 = arith.index_cast %scan3A_840 : i32 to index
      %get3A_885 = arith.constant 64 : index
      %get3A_886 = tpu.vector_load %arg14[%get3A_884, %get3A_885] {strides = array<i32>} : memref<128x128xf32, #tpu.memory_space<vmem>>, vector<1x16xf32>,
      %get3A_887 = vector.shape_cast %get3A_886 : vector<1x16xf32> to vector<16xf32>
      %get3A_888 = arith.index_cast %scan3A_840 : i32 to index
      %get3A_889 = arith.constant 64 : index
      %get3A_890 = tpu.vector_load %arg16[%get3A_888, %get3A_889] {strides = array<i32>} : memref<128x128xf32, #tpu.memory_space<vmem>>, vector<1x16xf32>,
      %get3A_891 = vector.shape_cast %get3A_890 : vector<1x16xf32> to vector<16xf32>
      %mul3A_892 = arith.mulf %get3A_887, %get3A_891 : vector<16xf32>
      %mul3A_893 = arith.mulf %mul3A_892, %get3A_202 : vector<16xf32>
      %add3A_894 = arith.addf %add3A_883, %mul3A_893 : vector<16xf32>
      %get3A_895 = arith.index_cast %scan3A_840 : i32 to index
      %get3A_896 = arith.constant 80 : index
      %get3A_897 = tpu.vector_load %arg14[%get3A_895, %get3A_896] {strides = array<i32>} : memref<128x128xf32, #tpu.memory_space<vmem>>, vector<1x16xf32>,
      %get3A_898 = vector.shape_cast %get3A_897 : vector<1x16xf32> to vector<16xf32>
      %get3A_899 = arith.index_cast %scan3A_840 : i32 to index
      %get3A_900 = arith.constant 80 : index
      %get3A_901 = tpu.vector_load %arg16[%get3A_899, %get3A_900] {strides = array<i32>} : memref<128x128xf32, #tpu.memory_space<vmem>>, vector<1x16xf32>,
      %get3A_902 = vector.shape_cast %get3A_901 : vector<1x16xf32> to vector<16xf32>
      %mul3A_903 = arith.mulf %get3A_898, %get3A_902 : vector<16xf32>
      %mul3A_904 = arith.mulf %mul3A_903, %get3A_205 : vector<16xf32>
      %add3A_905 = arith.addf %add3A_894, %mul3A_904 : vector<16xf32>
      %get3A_906 = arith.index_cast %scan3A_840 : i32 to index
      %get3A_907 = arith.constant 96 : index
      %get3A_908 = tpu.vector_load %arg14[%get3A_906, %get3A_907] {strides = array<i32>} : memref<128x128xf32, #tpu.memory_space<vmem>>, vector<1x16xf32>,
      %get3A_909 = vector.shape_cast %get3A_908 : vector<1x16xf32> to vector<16xf32>
      %get3A_910 = arith.index_cast %scan3A_840 : i32 to index
      %get3A_911 = arith.constant 96 : index
      %get3A_912 = tpu.vector_load %arg16[%get3A_910, %get3A_911] {strides = array<i32>} : memref<128x128xf32, #tpu.memory_space<vmem>>, vector<1x16xf32>,
      %get3A_913 = vector.shape_cast %get3A_912 : vector<1x16xf32> to vector<16xf32>
      %mul3A_914 = arith.mulf %get3A_909, %get3A_913 : vector<16xf32>
      %mul3A_915 = arith.mulf %mul3A_914, %get3A_208 : vector<16xf32>
      %add3A_916 = arith.addf %add3A_905, %mul3A_915 : vector<16xf32>
      %get3A_917 = arith.index_cast %scan3A_840 : i32 to index
      %get3A_918 = arith.constant 112 : index
      %get3A_919 = tpu.vector_load %arg14[%get3A_917, %get3A_918] {strides = array<i32>} : memref<128x128xf32, #tpu.memory_space<vmem>>, vector<1x16xf32>,
      %get3A_920 = vector.shape_cast %get3A_919 : vector<1x16xf32> to vector<16xf32>
      %get3A_921 = arith.index_cast %scan3A_840 : i32 to index
      %get3A_922 = arith.constant 112 : index
      %get3A_923 = tpu.vector_load %arg16[%get3A_921, %get3A_922] {strides = array<i32>} : memref<128x128xf32, #tpu.memory_space<vmem>>, vector<1x16xf32>,
      %get3A_924 = vector.shape_cast %get3A_923 : vector<1x16xf32> to vector<16xf32>
      %mul3A_925 = arith.mulf %get3A_920, %get3A_924 : vector<16xf32>
      %mul3A_926 = arith.mulf %mul3A_925, %get3A_211 : vector<16xf32>
      %add3A_927 = arith.addf %add3A_916, %mul3A_926 : vector<16xf32>
      %swap3A_928 = arith.index_cast %scan3A_840 : i32 to index
      %swap3A_929 = arith.constant 0 : index
      %swap3A_930 = tpu.vector_load %arg20[%swap3A_928, %swap3A_929] {strides = array<i32>} : memref<128x16xf32, #tpu.memory_space<vmem>>, vector<1x16xf32>,
      %swap3A_931 = vector.shape_cast %swap3A_930 : vector<1x16xf32> to vector<16xf32>
      %swap3A_932 = vector.shape_cast %add3A_927 : vector<16xf32> to vector<1x16xf32>
      tpu.vector_store %arg20[%swap3A_928, %swap3A_929], %swap3A_932 {strides = array<i32>} : memref<128x16xf32, #tpu.memory_space<vmem>>, vector<1x16xf32>,
      %scan3A_933 = arith.constant 0 : i32
      scf.yield %scan3A_933 : i32
    }
    %scan3A_446 = arith.constant 128 : i32
    %add3A_447 = arith.constant 256 : i32
    %add3A_448 = arith.addi %mul3A_2, %add3A_447 : i32
    %dma_start3A_449 = arith.constant 0 : i32
    %dma_start3A_450 = tpu.memref_slice %arg9[%add3A_448, %dma_start3A_449] : memref<16384x16xf32, #tpu.memory_space<hbm>> -> memref<128x16xf32, #tpu.memory_space<hbm>>
    %dma_start3A_451 = arith.constant 0 : i32
    %dma_start3A_452 = tpu.memref_slice %arg9[%add3A_448, %dma_start3A_451] : memref<16384x16xf32, #tpu.memory_space<hbm>> -> memref<128x16xf32, #tpu.memory_space<hbm>>
    tpu.enqueue_dma source(%arg20 : memref<128x16xf32, #tpu.memory_space<vmem>>) target(%dma_start3A_452 : memref<128x16xf32, #tpu.memory_space<hbm>>) target_semaphore(%arg28 : memref<!tpu.dma_semaphore, #tpu.memory_space<semaphore_mem>>)
    %dma_wait3A_453 = arith.constant 0 : i32
    %dma_wait3A_454 = tpu.memref_slice %arg11[%add3A_397, %dma_wait3A_453] : memref<16384x128xf32, #tpu.memory_space<hbm>> -> memref<128x128xf32, #tpu.memory_space<hbm>>
    %dma_wait3A_455 = arith.constant 0 : i32
    %dma_wait3A_456 = tpu.memref_slice %arg11[%add3A_397, %dma_wait3A_455] : memref<16384x128xf32, #tpu.memory_space<hbm>> -> memref<128x128xf32, #tpu.memory_space<hbm>>
    tpu.wait_dma2 semaphore(%arg30 : memref<!tpu.dma_semaphore, #tpu.memory_space<semaphore_mem>>) src(%arg18 : memref<128x128xf32, #tpu.memory_space<vmem>>) dst(%dma_wait3A_456 : memref<128x128xf32, #tpu.memory_space<hbm>>)
    %dma_start3A_457 = arith.constant 2 : i32
    %dma_start3A_458 = arith.constant 0 : i32
    %dma_start3A_459 = tpu.memref_slice %arg13[%dma_start3A_457, %dma_start3A_458] : memref<4x128xi32, #tpu.memory_space<vmem>> -> memref<1x128xi32, #tpu.memory_space<vmem>>
    %dma_start3A_460 = tpu.memref_squeeze %dma_start3A_459 : memref<1x128xi32, #tpu.memory_space<vmem>> -> memref<128xi32, #tpu.memory_space<vmem>>
    %dma_start3A_461 = arith.constant 0 : i32
    %dma_start3A_462 = arith.constant 0 : i32
    %dma_start3A_463 = tpu.memref_slice %arg7[%dma_start3A_461, %dma_start3A_462] : memref<100001x128xf32, #tpu.memory_space<hbm>> -> memref<100001x128xf32, #tpu.memory_space<hbm>>
    tpu.enqueue_indirect_dma source(%dma_start3A_463 : memref<100001x128xf32, #tpu.memory_space<hbm>>) target(%arg18 : memref<128x128xf32, #tpu.memory_space<vmem>>) offsets(%dma_start3A_460 : memref<128xi32, #tpu.memory_space<vmem>>) semaphore(%arg26 : memref<!tpu.dma_semaphore, #tpu.memory_space<semaphore_mem>>)
    %dma_wait3A_464 = arith.constant 1 : i32
    %dma_wait3A_465 = arith.constant 0 : i32
    %dma_wait3A_466 = tpu.memref_slice %arg13[%dma_wait3A_464, %dma_wait3A_465] : memref<4x128xi32, #tpu.memory_space<vmem>> -> memref<1x128xi32, #tpu.memory_space<vmem>>
    %dma_wait3A_467 = tpu.memref_squeeze %dma_wait3A_466 : memref<1x128xi32, #tpu.memory_space<vmem>> -> memref<128xi32, #tpu.memory_space<vmem>>
    %dma_wait3A_468 = arith.constant 0 : i32
    %dma_wait3A_469 = arith.constant 0 : i32
    %dma_wait3A_470 = tpu.memref_slice %arg7[%dma_wait3A_468, %dma_wait3A_469] : memref<100001x128xf32, #tpu.memory_space<hbm>> -> memref<100001x128xf32, #tpu.memory_space<hbm>>
    tpu.wait_indirect_dma semaphore(%arg27 : memref<!tpu.dma_semaphore, #tpu.memory_space<semaphore_mem>>) src(%dma_wait3A_470 : memref<100001x128xf32, #tpu.memory_space<hbm>>) dst(%arg19 : memref<128x128xf32, #tpu.memory_space<vmem>>)
    %dma_start3A_471 = arith.constant 0 : i32
    %dma_start3A_472 = tpu.memref_slice %arg11[%add3A_421, %dma_start3A_471] : memref<16384x128xf32, #tpu.memory_space<hbm>> -> memref<128x128xf32, #tpu.memory_space<hbm>>
    %dma_start3A_473 = arith.constant 0 : i32
    %dma_start3A_474 = tpu.memref_slice %arg11[%add3A_421, %dma_start3A_473] : memref<16384x128xf32, #tpu.memory_space<hbm>> -> memref<128x128xf32, #tpu.memory_space<hbm>>
    tpu.enqueue_dma source(%arg19 : memref<128x128xf32, #tpu.memory_space<vmem>>) target(%dma_start3A_474 : memref<128x128xf32, #tpu.memory_space<hbm>>) target_semaphore(%arg31 : memref<!tpu.dma_semaphore, #tpu.memory_space<semaphore_mem>>)
    %add3A_475 = arith.constant 256 : i32
    %add3A_476 = arith.addi %mul3A_2, %add3A_475 : i32
    %dma_wait3A_477 = arith.constant 0 : i32
    %dma_wait3A_478 = tpu.memref_slice %arg11[%add3A_421, %dma_wait3A_477] : memref<16384x128xf32, #tpu.memory_space<hbm>> -> memref<128x128xf32, #tpu.memory_space<hbm>>
    %dma_wait3A_479 = arith.constant 0 : i32
    %dma_wait3A_480 = tpu.memref_slice %arg11[%add3A_421, %dma_wait3A_479] : memref<16384x128xf32, #tpu.memory_space<hbm>> -> memref<128x128xf32, #tpu.memory_space<hbm>>
    tpu.wait_dma2 semaphore(%arg31 : memref<!tpu.dma_semaphore, #tpu.memory_space<semaphore_mem>>) src(%arg19 : memref<128x128xf32, #tpu.memory_space<vmem>>) dst(%dma_wait3A_480 : memref<128x128xf32, #tpu.memory_space<hbm>>)
    %dma_start3A_481 = arith.constant 3 : i32
    %dma_start3A_482 = arith.constant 0 : i32
    %dma_start3A_483 = tpu.memref_slice %arg13[%dma_start3A_481, %dma_start3A_482] : memref<4x128xi32, #tpu.memory_space<vmem>> -> memref<1x128xi32, #tpu.memory_space<vmem>>
    %dma_start3A_484 = tpu.memref_squeeze %dma_start3A_483 : memref<1x128xi32, #tpu.memory_space<vmem>> -> memref<128xi32, #tpu.memory_space<vmem>>
    %dma_start3A_485 = arith.constant 0 : i32
    %dma_start3A_486 = arith.constant 0 : i32
    %dma_start3A_487 = tpu.memref_slice %arg7[%dma_start3A_485, %dma_start3A_486] : memref<100001x128xf32, #tpu.memory_space<hbm>> -> memref<100001x128xf32, #tpu.memory_space<hbm>>
    tpu.enqueue_indirect_dma source(%dma_start3A_487 : memref<100001x128xf32, #tpu.memory_space<hbm>>) target(%arg19 : memref<128x128xf32, #tpu.memory_space<vmem>>) offsets(%dma_start3A_484 : memref<128xi32, #tpu.memory_space<vmem>>) semaphore(%arg27 : memref<!tpu.dma_semaphore, #tpu.memory_space<semaphore_mem>>)
    %dma_wait3A_488 = arith.constant 2 : i32
    %dma_wait3A_489 = arith.constant 0 : i32
    %dma_wait3A_490 = tpu.memref_slice %arg13[%dma_wait3A_488, %dma_wait3A_489] : memref<4x128xi32, #tpu.memory_space<vmem>> -> memref<1x128xi32, #tpu.memory_space<vmem>>
    %dma_wait3A_491 = tpu.memref_squeeze %dma_wait3A_490 : memref<1x128xi32, #tpu.memory_space<vmem>> -> memref<128xi32, #tpu.memory_space<vmem>>
    %dma_wait3A_492 = arith.constant 0 : i32
    %dma_wait3A_493 = arith.constant 0 : i32
    %dma_wait3A_494 = tpu.memref_slice %arg7[%dma_wait3A_492, %dma_wait3A_493] : memref<100001x128xf32, #tpu.memory_space<hbm>> -> memref<100001x128xf32, #tpu.memory_space<hbm>>
    tpu.wait_indirect_dma semaphore(%arg26 : memref<!tpu.dma_semaphore, #tpu.memory_space<semaphore_mem>>) src(%dma_wait3A_494 : memref<100001x128xf32, #tpu.memory_space<hbm>>) dst(%arg18 : memref<128x128xf32, #tpu.memory_space<vmem>>)
    %dma_start3A_495 = arith.constant 0 : i32
    %dma_start3A_496 = tpu.memref_slice %arg11[%add3A_476, %dma_start3A_495] : memref<16384x128xf32, #tpu.memory_space<hbm>> -> memref<128x128xf32, #tpu.memory_space<hbm>>
    %dma_start3A_497 = arith.constant 0 : i32
    %dma_start3A_498 = tpu.memref_slice %arg11[%add3A_476, %dma_start3A_497] : memref<16384x128xf32, #tpu.memory_space<hbm>> -> memref<128x128xf32, #tpu.memory_space<hbm>>
    tpu.enqueue_dma source(%arg18 : memref<128x128xf32, #tpu.memory_space<vmem>>) target(%dma_start3A_498 : memref<128x128xf32, #tpu.memory_space<hbm>>) target_semaphore(%arg30 : memref<!tpu.dma_semaphore, #tpu.memory_space<semaphore_mem>>)
    %add3A_499 = arith.constant 384 : i32
    %add3A_500 = arith.addi %mul3A_2, %add3A_499 : i32
    %dma_wait3A_501 = arith.constant 3 : i32
    %dma_wait3A_502 = arith.constant 0 : i32
    %dma_wait3A_503 = tpu.memref_slice %arg12[%dma_wait3A_501, %dma_wait3A_502] : memref<4x128xi32, #tpu.memory_space<vmem>> -> memref<1x128xi32, #tpu.memory_space<vmem>>
    %dma_wait3A_504 = tpu.memref_squeeze %dma_wait3A_503 : memref<1x128xi32, #tpu.memory_space<vmem>> -> memref<128xi32, #tpu.memory_space<vmem>>
    %dma_wait3A_505 = arith.constant 0 : i32
    %dma_wait3A_506 = arith.constant 0 : i32
    %dma_wait3A_507 = tpu.memref_slice %arg4[%dma_wait3A_505, %dma_wait3A_506] : memref<100001x128xf32, #tpu.memory_space<hbm>> -> memref<100001x128xf32, #tpu.memory_space<hbm>>
    tpu.wait_indirect_dma semaphore(%arg23 : memref<!tpu.dma_semaphore, #tpu.memory_space<semaphore_mem>>) src(%dma_wait3A_507 : memref<100001x128xf32, #tpu.memory_space<hbm>>) dst(%arg15 : memref<128x128xf32, #tpu.memory_space<vmem>>)
    %dma_wait3A_508 = arith.constant 3 : i32
    %dma_wait3A_509 = arith.constant 0 : i32
    %dma_wait3A_510 = tpu.memref_slice %arg13[%dma_wait3A_508, %dma_wait3A_509] : memref<4x128xi32, #tpu.memory_space<vmem>> -> memref<1x128xi32, #tpu.memory_space<vmem>>
    %dma_wait3A_511 = tpu.memref_squeeze %dma_wait3A_510 : memref<1x128xi32, #tpu.memory_space<vmem>> -> memref<128xi32, #tpu.memory_space<vmem>>
    %dma_wait3A_512 = arith.constant 0 : i32
    %dma_wait3A_513 = arith.constant 0 : i32
    %dma_wait3A_514 = tpu.memref_slice %arg5[%dma_wait3A_512, %dma_wait3A_513] : memref<100001x128xf32, #tpu.memory_space<hbm>> -> memref<100001x128xf32, #tpu.memory_space<hbm>>
    tpu.wait_indirect_dma semaphore(%arg25 : memref<!tpu.dma_semaphore, #tpu.memory_space<semaphore_mem>>) src(%dma_wait3A_514 : memref<100001x128xf32, #tpu.memory_space<hbm>>) dst(%arg17 : memref<128x128xf32, #tpu.memory_space<vmem>>)
    %dma_wait3A_515 = arith.constant 0 : i32
    %dma_wait3A_516 = tpu.memref_slice %arg9[%add3A_448, %dma_wait3A_515] : memref<16384x16xf32, #tpu.memory_space<hbm>> -> memref<128x16xf32, #tpu.memory_space<hbm>>
    %dma_wait3A_517 = arith.constant 0 : i32
    %dma_wait3A_518 = tpu.memref_slice %arg9[%add3A_448, %dma_wait3A_517] : memref<16384x16xf32, #tpu.memory_space<hbm>> -> memref<128x16xf32, #tpu.memory_space<hbm>>
    tpu.wait_dma2 semaphore(%arg28 : memref<!tpu.dma_semaphore, #tpu.memory_space<semaphore_mem>>) src(%arg20 : memref<128x16xf32, #tpu.memory_space<vmem>>) dst(%dma_wait3A_518 : memref<128x16xf32, #tpu.memory_space<hbm>>)
    %scan3A_519 = arith.constant 0 : i32
    %scan3A_520 = arith.constant 0 : i32
    %scan3A_521 = arith.constant 128 : i32
    %scan3A_522 = arith.addi %scan3A_520, %scan3A_521 : i32
    %scan3A_523 = arith.constant 4 : i32
    %scan3A_524 = scf.for %scan3A_555 = %scan3A_520 to %scan3A_522 step %scan3A_523 iter_args(%scan3A_556 = %scan3A_519) -> (i32)  : i32 {
      %get3A_557 = arith.index_cast %scan3A_555 : i32 to index
      %get3A_558 = arith.constant 0 : index
      %get3A_559 = tpu.vector_load %arg15[%get3A_557, %get3A_558] {strides = array<i32>} : memref<128x128xf32, #tpu.memory_space<vmem>>, vector<1x16xf32>,
      %get3A_560 = vector.shape_cast %get3A_559 : vector<1x16xf32> to vector<16xf32>
      %get3A_561 = arith.index_cast %scan3A_555 : i32 to index
      %get3A_562 = arith.constant 0 : index
      %get3A_563 = tpu.vector_load %arg17[%get3A_561, %get3A_562] {strides = array<i32>} : memref<128x128xf32, #tpu.memory_space<vmem>>, vector<1x16xf32>,
      %get3A_564 = vector.shape_cast %get3A_563 : vector<1x16xf32> to vector<16xf32>
      %mul3A_565 = arith.mulf %get3A_560, %get3A_564 : vector<16xf32>
      %mul3A_566 = arith.mulf %mul3A_565, %get3A_190 : vector<16xf32>
      %get3A_567 = arith.index_cast %scan3A_555 : i32 to index
      %get3A_568 = arith.constant 16 : index
      %get3A_569 = tpu.vector_load %arg15[%get3A_567, %get3A_568] {strides = array<i32>} : memref<128x128xf32, #tpu.memory_space<vmem>>, vector<1x16xf32>,
      %get3A_570 = vector.shape_cast %get3A_569 : vector<1x16xf32> to vector<16xf32>
      %get3A_571 = arith.index_cast %scan3A_555 : i32 to index
      %get3A_572 = arith.constant 16 : index
      %get3A_573 = tpu.vector_load %arg17[%get3A_571, %get3A_572] {strides = array<i32>} : memref<128x128xf32, #tpu.memory_space<vmem>>, vector<1x16xf32>,
      %get3A_574 = vector.shape_cast %get3A_573 : vector<1x16xf32> to vector<16xf32>
      %mul3A_575 = arith.mulf %get3A_570, %get3A_574 : vector<16xf32>
      %mul3A_576 = arith.mulf %mul3A_575, %get3A_193 : vector<16xf32>
      %add3A_577 = arith.addf %mul3A_566, %mul3A_576 : vector<16xf32>
      %get3A_578 = arith.index_cast %scan3A_555 : i32 to index
      %get3A_579 = arith.constant 32 : index
      %get3A_580 = tpu.vector_load %arg15[%get3A_578, %get3A_579] {strides = array<i32>} : memref<128x128xf32, #tpu.memory_space<vmem>>, vector<1x16xf32>,
      %get3A_581 = vector.shape_cast %get3A_580 : vector<1x16xf32> to vector<16xf32>
      %get3A_582 = arith.index_cast %scan3A_555 : i32 to index
      %get3A_583 = arith.constant 32 : index
      %get3A_584 = tpu.vector_load %arg17[%get3A_582, %get3A_583] {strides = array<i32>} : memref<128x128xf32, #tpu.memory_space<vmem>>, vector<1x16xf32>,
      %get3A_585 = vector.shape_cast %get3A_584 : vector<1x16xf32> to vector<16xf32>
      %mul3A_586 = arith.mulf %get3A_581, %get3A_585 : vector<16xf32>
      %mul3A_587 = arith.mulf %mul3A_586, %get3A_196 : vector<16xf32>
      %add3A_588 = arith.addf %add3A_577, %mul3A_587 : vector<16xf32>
      %get3A_589 = arith.index_cast %scan3A_555 : i32 to index
      %get3A_590 = arith.constant 48 : index
      %get3A_591 = tpu.vector_load %arg15[%get3A_589, %get3A_590] {strides = array<i32>} : memref<128x128xf32, #tpu.memory_space<vmem>>, vector<1x16xf32>,
      %get3A_592 = vector.shape_cast %get3A_591 : vector<1x16xf32> to vector<16xf32>
      %get3A_593 = arith.index_cast %scan3A_555 : i32 to index
      %get3A_594 = arith.constant 48 : index
      %get3A_595 = tpu.vector_load %arg17[%get3A_593, %get3A_594] {strides = array<i32>} : memref<128x128xf32, #tpu.memory_space<vmem>>, vector<1x16xf32>,
      %get3A_596 = vector.shape_cast %get3A_595 : vector<1x16xf32> to vector<16xf32>
      %mul3A_597 = arith.mulf %get3A_592, %get3A_596 : vector<16xf32>
      %mul3A_598 = arith.mulf %mul3A_597, %get3A_199 : vector<16xf32>
      %add3A_599 = arith.addf %add3A_588, %mul3A_598 : vector<16xf32>
      %get3A_600 = arith.index_cast %scan3A_555 : i32 to index
      %get3A_601 = arith.constant 64 : index
      %get3A_602 = tpu.vector_load %arg15[%get3A_600, %get3A_601] {strides = array<i32>} : memref<128x128xf32, #tpu.memory_space<vmem>>, vector<1x16xf32>,
      %get3A_603 = vector.shape_cast %get3A_602 : vector<1x16xf32> to vector<16xf32>
      %get3A_604 = arith.index_cast %scan3A_555 : i32 to index
      %get3A_605 = arith.constant 64 : index
      %get3A_606 = tpu.vector_load %arg17[%get3A_604, %get3A_605] {strides = array<i32>} : memref<128x128xf32, #tpu.memory_space<vmem>>, vector<1x16xf32>,
      %get3A_607 = vector.shape_cast %get3A_606 : vector<1x16xf32> to vector<16xf32>
      %mul3A_608 = arith.mulf %get3A_603, %get3A_607 : vector<16xf32>
      %mul3A_609 = arith.mulf %mul3A_608, %get3A_202 : vector<16xf32>
      %add3A_610 = arith.addf %add3A_599, %mul3A_609 : vector<16xf32>
      %get3A_611 = arith.index_cast %scan3A_555 : i32 to index
      %get3A_612 = arith.constant 80 : index
      %get3A_613 = tpu.vector_load %arg15[%get3A_611, %get3A_612] {strides = array<i32>} : memref<128x128xf32, #tpu.memory_space<vmem>>, vector<1x16xf32>,
      %get3A_614 = vector.shape_cast %get3A_613 : vector<1x16xf32> to vector<16xf32>
      %get3A_615 = arith.index_cast %scan3A_555 : i32 to index
      %get3A_616 = arith.constant 80 : index
      %get3A_617 = tpu.vector_load %arg17[%get3A_615, %get3A_616] {strides = array<i32>} : memref<128x128xf32, #tpu.memory_space<vmem>>, vector<1x16xf32>,
      %get3A_618 = vector.shape_cast %get3A_617 : vector<1x16xf32> to vector<16xf32>
      %mul3A_619 = arith.mulf %get3A_614, %get3A_618 : vector<16xf32>
      %mul3A_620 = arith.mulf %mul3A_619, %get3A_205 : vector<16xf32>
      %add3A_621 = arith.addf %add3A_610, %mul3A_620 : vector<16xf32>
      %get3A_622 = arith.index_cast %scan3A_555 : i32 to index
      %get3A_623 = arith.constant 96 : index
      %get3A_624 = tpu.vector_load %arg15[%get3A_622, %get3A_623] {strides = array<i32>} : memref<128x128xf32, #tpu.memory_space<vmem>>, vector<1x16xf32>,
      %get3A_625 = vector.shape_cast %get3A_624 : vector<1x16xf32> to vector<16xf32>
      %get3A_626 = arith.index_cast %scan3A_555 : i32 to index
      %get3A_627 = arith.constant 96 : index
      %get3A_628 = tpu.vector_load %arg17[%get3A_626, %get3A_627] {strides = array<i32>} : memref<128x128xf32, #tpu.memory_space<vmem>>, vector<1x16xf32>,
      %get3A_629 = vector.shape_cast %get3A_628 : vector<1x16xf32> to vector<16xf32>
      %mul3A_630 = arith.mulf %get3A_625, %get3A_629 : vector<16xf32>
      %mul3A_631 = arith.mulf %mul3A_630, %get3A_208 : vector<16xf32>
      %add3A_632 = arith.addf %add3A_621, %mul3A_631 : vector<16xf32>
      %get3A_633 = arith.index_cast %scan3A_555 : i32 to index
      %get3A_634 = arith.constant 112 : index
      %get3A_635 = tpu.vector_load %arg15[%get3A_633, %get3A_634] {strides = array<i32>} : memref<128x128xf32, #tpu.memory_space<vmem>>, vector<1x16xf32>,
      %get3A_636 = vector.shape_cast %get3A_635 : vector<1x16xf32> to vector<16xf32>
      %get3A_637 = arith.index_cast %scan3A_555 : i32 to index
      %get3A_638 = arith.constant 112 : index
      %get3A_639 = tpu.vector_load %arg17[%get3A_637, %get3A_638] {strides = array<i32>} : memref<128x128xf32, #tpu.memory_space<vmem>>, vector<1x16xf32>,
      %get3A_640 = vector.shape_cast %get3A_639 : vector<1x16xf32> to vector<16xf32>
      %mul3A_641 = arith.mulf %get3A_636, %get3A_640 : vector<16xf32>
      %mul3A_642 = arith.mulf %mul3A_641, %get3A_211 : vector<16xf32>
      %add3A_643 = arith.addf %add3A_632, %mul3A_642 : vector<16xf32>
      %swap3A = arith.index_cast %scan3A_555 : i32 to index
      %swap3A_644 = arith.constant 0 : index
      %swap3A_645 = tpu.vector_load %arg20[%swap3A, %swap3A_644] {strides = array<i32>} : memref<128x16xf32, #tpu.memory_space<vmem>>, vector<1x16xf32>,
      %swap3A_646 = vector.shape_cast %swap3A_645 : vector<1x16xf32> to vector<16xf32>
      %swap3A_647 = vector.shape_cast %add3A_643 : vector<16xf32> to vector<1x16xf32>
      tpu.vector_store %arg20[%swap3A, %swap3A_644], %swap3A_647 {strides = array<i32>} : memref<128x16xf32, #tpu.memory_space<vmem>>, vector<1x16xf32>,
      %scan3A_648 = arith.constant 0 : i32
      %scan3A_649 = arith.constant 1 : i32
      %scan3A_650 = arith.addi %scan3A_555, %scan3A_649 : i32
      %get3A_651 = arith.index_cast %scan3A_650 : i32 to index
      %get3A_652 = arith.constant 0 : index
      %get3A_653 = tpu.vector_load %arg15[%get3A_651, %get3A_652] {strides = array<i32>} : memref<128x128xf32, #tpu.memory_space<vmem>>, vector<1x16xf32>,
      %get3A_654 = vector.shape_cast %get3A_653 : vector<1x16xf32> to vector<16xf32>
      %get3A_655 = arith.index_cast %scan3A_650 : i32 to index
      %get3A_656 = arith.constant 0 : index
      %get3A_657 = tpu.vector_load %arg17[%get3A_655, %get3A_656] {strides = array<i32>} : memref<128x128xf32, #tpu.memory_space<vmem>>, vector<1x16xf32>,
      %get3A_658 = vector.shape_cast %get3A_657 : vector<1x16xf32> to vector<16xf32>
      %mul3A_659 = arith.mulf %get3A_654, %get3A_658 : vector<16xf32>
      %mul3A_660 = arith.mulf %mul3A_659, %get3A_190 : vector<16xf32>
      %get3A_661 = arith.index_cast %scan3A_650 : i32 to index
      %get3A_662 = arith.constant 16 : index
      %get3A_663 = tpu.vector_load %arg15[%get3A_661, %get3A_662] {strides = array<i32>} : memref<128x128xf32, #tpu.memory_space<vmem>>, vector<1x16xf32>,
      %get3A_664 = vector.shape_cast %get3A_663 : vector<1x16xf32> to vector<16xf32>
      %get3A_665 = arith.index_cast %scan3A_650 : i32 to index
      %get3A_666 = arith.constant 16 : index
      %get3A_667 = tpu.vector_load %arg17[%get3A_665, %get3A_666] {strides = array<i32>} : memref<128x128xf32, #tpu.memory_space<vmem>>, vector<1x16xf32>,
      %get3A_668 = vector.shape_cast %get3A_667 : vector<1x16xf32> to vector<16xf32>
      %mul3A_669 = arith.mulf %get3A_664, %get3A_668 : vector<16xf32>
      %mul3A_670 = arith.mulf %mul3A_669, %get3A_193 : vector<16xf32>
      %add3A_671 = arith.addf %mul3A_660, %mul3A_670 : vector<16xf32>
      %get3A_672 = arith.index_cast %scan3A_650 : i32 to index
      %get3A_673 = arith.constant 32 : index
      %get3A_674 = tpu.vector_load %arg15[%get3A_672, %get3A_673] {strides = array<i32>} : memref<128x128xf32, #tpu.memory_space<vmem>>, vector<1x16xf32>,
      %get3A_675 = vector.shape_cast %get3A_674 : vector<1x16xf32> to vector<16xf32>
      %get3A_676 = arith.index_cast %scan3A_650 : i32 to index
      %get3A_677 = arith.constant 32 : index
      %get3A_678 = tpu.vector_load %arg17[%get3A_676, %get3A_677] {strides = array<i32>} : memref<128x128xf32, #tpu.memory_space<vmem>>, vector<1x16xf32>,
      %get3A_679 = vector.shape_cast %get3A_678 : vector<1x16xf32> to vector<16xf32>
      %mul3A_680 = arith.mulf %get3A_675, %get3A_679 : vector<16xf32>
      %mul3A_681 = arith.mulf %mul3A_680, %get3A_196 : vector<16xf32>
      %add3A_682 = arith.addf %add3A_671, %mul3A_681 : vector<16xf32>
      %get3A_683 = arith.index_cast %scan3A_650 : i32 to index
      %get3A_684 = arith.constant 48 : index
      %get3A_685 = tpu.vector_load %arg15[%get3A_683, %get3A_684] {strides = array<i32>} : memref<128x128xf32, #tpu.memory_space<vmem>>, vector<1x16xf32>,
      %get3A_686 = vector.shape_cast %get3A_685 : vector<1x16xf32> to vector<16xf32>
      %get3A_687 = arith.index_cast %scan3A_650 : i32 to index
      %get3A_688 = arith.constant 48 : index
      %get3A_689 = tpu.vector_load %arg17[%get3A_687, %get3A_688] {strides = array<i32>} : memref<128x128xf32, #tpu.memory_space<vmem>>, vector<1x16xf32>,
      %get3A_690 = vector.shape_cast %get3A_689 : vector<1x16xf32> to vector<16xf32>
      %mul3A_691 = arith.mulf %get3A_686, %get3A_690 : vector<16xf32>
      %mul3A_692 = arith.mulf %mul3A_691, %get3A_199 : vector<16xf32>
      %add3A_693 = arith.addf %add3A_682, %mul3A_692 : vector<16xf32>
      %get3A_694 = arith.index_cast %scan3A_650 : i32 to index
      %get3A_695 = arith.constant 64 : index
      %get3A_696 = tpu.vector_load %arg15[%get3A_694, %get3A_695] {strides = array<i32>} : memref<128x128xf32, #tpu.memory_space<vmem>>, vector<1x16xf32>,
      %get3A_697 = vector.shape_cast %get3A_696 : vector<1x16xf32> to vector<16xf32>
      %get3A_698 = arith.index_cast %scan3A_650 : i32 to index
      %get3A_699 = arith.constant 64 : index
      %get3A_700 = tpu.vector_load %arg17[%get3A_698, %get3A_699] {strides = array<i32>} : memref<128x128xf32, #tpu.memory_space<vmem>>, vector<1x16xf32>,
      %get3A_701 = vector.shape_cast %get3A_700 : vector<1x16xf32> to vector<16xf32>
      %mul3A_702 = arith.mulf %get3A_697, %get3A_701 : vector<16xf32>
      %mul3A_703 = arith.mulf %mul3A_702, %get3A_202 : vector<16xf32>
      %add3A_704 = arith.addf %add3A_693, %mul3A_703 : vector<16xf32>
      %get3A_705 = arith.index_cast %scan3A_650 : i32 to index
      %get3A_706 = arith.constant 80 : index
      %get3A_707 = tpu.vector_load %arg15[%get3A_705, %get3A_706] {strides = array<i32>} : memref<128x128xf32, #tpu.memory_space<vmem>>, vector<1x16xf32>,
      %get3A_708 = vector.shape_cast %get3A_707 : vector<1x16xf32> to vector<16xf32>
      %get3A_709 = arith.index_cast %scan3A_650 : i32 to index
      %get3A_710 = arith.constant 80 : index
      %get3A_711 = tpu.vector_load %arg17[%get3A_709, %get3A_710] {strides = array<i32>} : memref<128x128xf32, #tpu.memory_space<vmem>>, vector<1x16xf32>,
      %get3A_712 = vector.shape_cast %get3A_711 : vector<1x16xf32> to vector<16xf32>
      %mul3A_713 = arith.mulf %get3A_708, %get3A_712 : vector<16xf32>
      %mul3A_714 = arith.mulf %mul3A_713, %get3A_205 : vector<16xf32>
      %add3A_715 = arith.addf %add3A_704, %mul3A_714 : vector<16xf32>
      %get3A_716 = arith.index_cast %scan3A_650 : i32 to index
      %get3A_717 = arith.constant 96 : index
      %get3A_718 = tpu.vector_load %arg15[%get3A_716, %get3A_717] {strides = array<i32>} : memref<128x128xf32, #tpu.memory_space<vmem>>, vector<1x16xf32>,
      %get3A_719 = vector.shape_cast %get3A_718 : vector<1x16xf32> to vector<16xf32>
      %get3A_720 = arith.index_cast %scan3A_650 : i32 to index
      %get3A_721 = arith.constant 96 : index
      %get3A_722 = tpu.vector_load %arg17[%get3A_720, %get3A_721] {strides = array<i32>} : memref<128x128xf32, #tpu.memory_space<vmem>>, vector<1x16xf32>,
      %get3A_723 = vector.shape_cast %get3A_722 : vector<1x16xf32> to vector<16xf32>
      %mul3A_724 = arith.mulf %get3A_719, %get3A_723 : vector<16xf32>
      %mul3A_725 = arith.mulf %mul3A_724, %get3A_208 : vector<16xf32>
      %add3A_726 = arith.addf %add3A_715, %mul3A_725 : vector<16xf32>
      %get3A_727 = arith.index_cast %scan3A_650 : i32 to index
      %get3A_728 = arith.constant 112 : index
      %get3A_729 = tpu.vector_load %arg15[%get3A_727, %get3A_728] {strides = array<i32>} : memref<128x128xf32, #tpu.memory_space<vmem>>, vector<1x16xf32>,
      %get3A_730 = vector.shape_cast %get3A_729 : vector<1x16xf32> to vector<16xf32>
      %get3A_731 = arith.index_cast %scan3A_650 : i32 to index
      %get3A_732 = arith.constant 112 : index
      %get3A_733 = tpu.vector_load %arg17[%get3A_731, %get3A_732] {strides = array<i32>} : memref<128x128xf32, #tpu.memory_space<vmem>>, vector<1x16xf32>,
      %get3A_734 = vector.shape_cast %get3A_733 : vector<1x16xf32> to vector<16xf32>
      %mul3A_735 = arith.mulf %get3A_730, %get3A_734 : vector<16xf32>
      %mul3A_736 = arith.mulf %mul3A_735, %get3A_211 : vector<16xf32>
      %add3A_737 = arith.addf %add3A_726, %mul3A_736 : vector<16xf32>
      %swap3A_738 = arith.index_cast %scan3A_650 : i32 to index
      %swap3A_739 = arith.constant 0 : index
      %swap3A_740 = tpu.vector_load %arg20[%swap3A_738, %swap3A_739] {strides = array<i32>} : memref<128x16xf32, #tpu.memory_space<vmem>>, vector<1x16xf32>,
      %swap3A_741 = vector.shape_cast %swap3A_740 : vector<1x16xf32> to vector<16xf32>
      %swap3A_742 = vector.shape_cast %add3A_737 : vector<16xf32> to vector<1x16xf32>
      tpu.vector_store %arg20[%swap3A_738, %swap3A_739], %swap3A_742 {strides = array<i32>} : memref<128x16xf32, #tpu.memory_space<vmem>>, vector<1x16xf32>,
      %scan3A_743 = arith.constant 0 : i32
      %scan3A_744 = arith.constant 2 : i32
      %scan3A_745 = arith.addi %scan3A_555, %scan3A_744 : i32
      %get3A_746 = arith.index_cast %scan3A_745 : i32 to index
      %get3A_747 = arith.constant 0 : index
      %get3A_748 = tpu.vector_load %arg15[%get3A_746, %get3A_747] {strides = array<i32>} : memref<128x128xf32, #tpu.memory_space<vmem>>, vector<1x16xf32>,
      %get3A_749 = vector.shape_cast %get3A_748 : vector<1x16xf32> to vector<16xf32>
      %get3A_750 = arith.index_cast %scan3A_745 : i32 to index
      %get3A_751 = arith.constant 0 : index
      %get3A_752 = tpu.vector_load %arg17[%get3A_750, %get3A_751] {strides = array<i32>} : memref<128x128xf32, #tpu.memory_space<vmem>>, vector<1x16xf32>,
      %get3A_753 = vector.shape_cast %get3A_752 : vector<1x16xf32> to vector<16xf32>
      %mul3A_754 = arith.mulf %get3A_749, %get3A_753 : vector<16xf32>
      %mul3A_755 = arith.mulf %mul3A_754, %get3A_190 : vector<16xf32>
      %get3A_756 = arith.index_cast %scan3A_745 : i32 to index
      %get3A_757 = arith.constant 16 : index
      %get3A_758 = tpu.vector_load %arg15[%get3A_756, %get3A_757] {strides = array<i32>} : memref<128x128xf32, #tpu.memory_space<vmem>>, vector<1x16xf32>,
      %get3A_759 = vector.shape_cast %get3A_758 : vector<1x16xf32> to vector<16xf32>
      %get3A_760 = arith.index_cast %scan3A_745 : i32 to index
      %get3A_761 = arith.constant 16 : index
      %get3A_762 = tpu.vector_load %arg17[%get3A_760, %get3A_761] {strides = array<i32>} : memref<128x128xf32, #tpu.memory_space<vmem>>, vector<1x16xf32>,
      %get3A_763 = vector.shape_cast %get3A_762 : vector<1x16xf32> to vector<16xf32>
      %mul3A_764 = arith.mulf %get3A_759, %get3A_763 : vector<16xf32>
      %mul3A_765 = arith.mulf %mul3A_764, %get3A_193 : vector<16xf32>
      %add3A_766 = arith.addf %mul3A_755, %mul3A_765 : vector<16xf32>
      %get3A_767 = arith.index_cast %scan3A_745 : i32 to index
      %get3A_768 = arith.constant 32 : index
      %get3A_769 = tpu.vector_load %arg15[%get3A_767, %get3A_768] {strides = array<i32>} : memref<128x128xf32, #tpu.memory_space<vmem>>, vector<1x16xf32>,
      %get3A_770 = vector.shape_cast %get3A_769 : vector<1x16xf32> to vector<16xf32>
      %get3A_771 = arith.index_cast %scan3A_745 : i32 to index
      %get3A_772 = arith.constant 32 : index
      %get3A_773 = tpu.vector_load %arg17[%get3A_771, %get3A_772] {strides = array<i32>} : memref<128x128xf32, #tpu.memory_space<vmem>>, vector<1x16xf32>,
      %get3A_774 = vector.shape_cast %get3A_773 : vector<1x16xf32> to vector<16xf32>
      %mul3A_775 = arith.mulf %get3A_770, %get3A_774 : vector<16xf32>
      %mul3A_776 = arith.mulf %mul3A_775, %get3A_196 : vector<16xf32>
      %add3A_777 = arith.addf %add3A_766, %mul3A_776 : vector<16xf32>
      %get3A_778 = arith.index_cast %scan3A_745 : i32 to index
      %get3A_779 = arith.constant 48 : index
      %get3A_780 = tpu.vector_load %arg15[%get3A_778, %get3A_779] {strides = array<i32>} : memref<128x128xf32, #tpu.memory_space<vmem>>, vector<1x16xf32>,
      %get3A_781 = vector.shape_cast %get3A_780 : vector<1x16xf32> to vector<16xf32>
      %get3A_782 = arith.index_cast %scan3A_745 : i32 to index
      %get3A_783 = arith.constant 48 : index
      %get3A_784 = tpu.vector_load %arg17[%get3A_782, %get3A_783] {strides = array<i32>} : memref<128x128xf32, #tpu.memory_space<vmem>>, vector<1x16xf32>,
      %get3A_785 = vector.shape_cast %get3A_784 : vector<1x16xf32> to vector<16xf32>
      %mul3A_786 = arith.mulf %get3A_781, %get3A_785 : vector<16xf32>
      %mul3A_787 = arith.mulf %mul3A_786, %get3A_199 : vector<16xf32>
      %add3A_788 = arith.addf %add3A_777, %mul3A_787 : vector<16xf32>
      %get3A_789 = arith.index_cast %scan3A_745 : i32 to index
      %get3A_790 = arith.constant 64 : index
      %get3A_791 = tpu.vector_load %arg15[%get3A_789, %get3A_790] {strides = array<i32>} : memref<128x128xf32, #tpu.memory_space<vmem>>, vector<1x16xf32>,
      %get3A_792 = vector.shape_cast %get3A_791 : vector<1x16xf32> to vector<16xf32>
      %get3A_793 = arith.index_cast %scan3A_745 : i32 to index
      %get3A_794 = arith.constant 64 : index
      %get3A_795 = tpu.vector_load %arg17[%get3A_793, %get3A_794] {strides = array<i32>} : memref<128x128xf32, #tpu.memory_space<vmem>>, vector<1x16xf32>,
      %get3A_796 = vector.shape_cast %get3A_795 : vector<1x16xf32> to vector<16xf32>
      %mul3A_797 = arith.mulf %get3A_792, %get3A_796 : vector<16xf32>
      %mul3A_798 = arith.mulf %mul3A_797, %get3A_202 : vector<16xf32>
      %add3A_799 = arith.addf %add3A_788, %mul3A_798 : vector<16xf32>
      %get3A_800 = arith.index_cast %scan3A_745 : i32 to index
      %get3A_801 = arith.constant 80 : index
      %get3A_802 = tpu.vector_load %arg15[%get3A_800, %get3A_801] {strides = array<i32>} : memref<128x128xf32, #tpu.memory_space<vmem>>, vector<1x16xf32>,
      %get3A_803 = vector.shape_cast %get3A_802 : vector<1x16xf32> to vector<16xf32>
      %get3A_804 = arith.index_cast %scan3A_745 : i32 to index
      %get3A_805 = arith.constant 80 : index
      %get3A_806 = tpu.vector_load %arg17[%get3A_804, %get3A_805] {strides = array<i32>} : memref<128x128xf32, #tpu.memory_space<vmem>>, vector<1x16xf32>,
      %get3A_807 = vector.shape_cast %get3A_806 : vector<1x16xf32> to vector<16xf32>
      %mul3A_808 = arith.mulf %get3A_803, %get3A_807 : vector<16xf32>
      %mul3A_809 = arith.mulf %mul3A_808, %get3A_205 : vector<16xf32>
      %add3A_810 = arith.addf %add3A_799, %mul3A_809 : vector<16xf32>
      %get3A_811 = arith.index_cast %scan3A_745 : i32 to index
      %get3A_812 = arith.constant 96 : index
      %get3A_813 = tpu.vector_load %arg15[%get3A_811, %get3A_812] {strides = array<i32>} : memref<128x128xf32, #tpu.memory_space<vmem>>, vector<1x16xf32>,
      %get3A_814 = vector.shape_cast %get3A_813 : vector<1x16xf32> to vector<16xf32>
      %get3A_815 = arith.index_cast %scan3A_745 : i32 to index
      %get3A_816 = arith.constant 96 : index
      %get3A_817 = tpu.vector_load %arg17[%get3A_815, %get3A_816] {strides = array<i32>} : memref<128x128xf32, #tpu.memory_space<vmem>>, vector<1x16xf32>,
      %get3A_818 = vector.shape_cast %get3A_817 : vector<1x16xf32> to vector<16xf32>
      %mul3A_819 = arith.mulf %get3A_814, %get3A_818 : vector<16xf32>
      %mul3A_820 = arith.mulf %mul3A_819, %get3A_208 : vector<16xf32>
      %add3A_821 = arith.addf %add3A_810, %mul3A_820 : vector<16xf32>
      %get3A_822 = arith.index_cast %scan3A_745 : i32 to index
      %get3A_823 = arith.constant 112 : index
      %get3A_824 = tpu.vector_load %arg15[%get3A_822, %get3A_823] {strides = array<i32>} : memref<128x128xf32, #tpu.memory_space<vmem>>, vector<1x16xf32>,
      %get3A_825 = vector.shape_cast %get3A_824 : vector<1x16xf32> to vector<16xf32>
      %get3A_826 = arith.index_cast %scan3A_745 : i32 to index
      %get3A_827 = arith.constant 112 : index
      %get3A_828 = tpu.vector_load %arg17[%get3A_826, %get3A_827] {strides = array<i32>} : memref<128x128xf32, #tpu.memory_space<vmem>>, vector<1x16xf32>,
      %get3A_829 = vector.shape_cast %get3A_828 : vector<1x16xf32> to vector<16xf32>
      %mul3A_830 = arith.mulf %get3A_825, %get3A_829 : vector<16xf32>
      %mul3A_831 = arith.mulf %mul3A_830, %get3A_211 : vector<16xf32>
      %add3A_832 = arith.addf %add3A_821, %mul3A_831 : vector<16xf32>
      %swap3A_833 = arith.index_cast %scan3A_745 : i32 to index
      %swap3A_834 = arith.constant 0 : index
      %swap3A_835 = tpu.vector_load %arg20[%swap3A_833, %swap3A_834] {strides = array<i32>} : memref<128x16xf32, #tpu.memory_space<vmem>>, vector<1x16xf32>,
      %swap3A_836 = vector.shape_cast %swap3A_835 : vector<1x16xf32> to vector<16xf32>
      %swap3A_837 = vector.shape_cast %add3A_832 : vector<16xf32> to vector<1x16xf32>
      tpu.vector_store %arg20[%swap3A_833, %swap3A_834], %swap3A_837 {strides = array<i32>} : memref<128x16xf32, #tpu.memory_space<vmem>>, vector<1x16xf32>,
      %scan3A_838 = arith.constant 0 : i32
      %scan3A_839 = arith.constant 3 : i32
      %scan3A_840 = arith.addi %scan3A_555, %scan3A_839 : i32
      %get3A_841 = arith.index_cast %scan3A_840 : i32 to index
      %get3A_842 = arith.constant 0 : index
      %get3A_843 = tpu.vector_load %arg15[%get3A_841, %get3A_842] {strides = array<i32>} : memref<128x128xf32, #tpu.memory_space<vmem>>, vector<1x16xf32>,
      %get3A_844 = vector.shape_cast %get3A_843 : vector<1x16xf32> to vector<16xf32>
      %get3A_845 = arith.index_cast %scan3A_840 : i32 to index
      %get3A_846 = arith.constant 0 : index
      %get3A_847 = tpu.vector_load %arg17[%get3A_845, %get3A_846] {strides = array<i32>} : memref<128x128xf32, #tpu.memory_space<vmem>>, vector<1x16xf32>,
      %get3A_848 = vector.shape_cast %get3A_847 : vector<1x16xf32> to vector<16xf32>
      %mul3A_849 = arith.mulf %get3A_844, %get3A_848 : vector<16xf32>
      %mul3A_850 = arith.mulf %mul3A_849, %get3A_190 : vector<16xf32>
      %get3A_851 = arith.index_cast %scan3A_840 : i32 to index
      %get3A_852 = arith.constant 16 : index
      %get3A_853 = tpu.vector_load %arg15[%get3A_851, %get3A_852] {strides = array<i32>} : memref<128x128xf32, #tpu.memory_space<vmem>>, vector<1x16xf32>,
      %get3A_854 = vector.shape_cast %get3A_853 : vector<1x16xf32> to vector<16xf32>
      %get3A_855 = arith.index_cast %scan3A_840 : i32 to index
      %get3A_856 = arith.constant 16 : index
      %get3A_857 = tpu.vector_load %arg17[%get3A_855, %get3A_856] {strides = array<i32>} : memref<128x128xf32, #tpu.memory_space<vmem>>, vector<1x16xf32>,
      %get3A_858 = vector.shape_cast %get3A_857 : vector<1x16xf32> to vector<16xf32>
      %mul3A_859 = arith.mulf %get3A_854, %get3A_858 : vector<16xf32>
      %mul3A_860 = arith.mulf %mul3A_859, %get3A_193 : vector<16xf32>
      %add3A_861 = arith.addf %mul3A_850, %mul3A_860 : vector<16xf32>
      %get3A_862 = arith.index_cast %scan3A_840 : i32 to index
      %get3A_863 = arith.constant 32 : index
      %get3A_864 = tpu.vector_load %arg15[%get3A_862, %get3A_863] {strides = array<i32>} : memref<128x128xf32, #tpu.memory_space<vmem>>, vector<1x16xf32>,
      %get3A_865 = vector.shape_cast %get3A_864 : vector<1x16xf32> to vector<16xf32>
      %get3A_866 = arith.index_cast %scan3A_840 : i32 to index
      %get3A_867 = arith.constant 32 : index
      %get3A_868 = tpu.vector_load %arg17[%get3A_866, %get3A_867] {strides = array<i32>} : memref<128x128xf32, #tpu.memory_space<vmem>>, vector<1x16xf32>,
      %get3A_869 = vector.shape_cast %get3A_868 : vector<1x16xf32> to vector<16xf32>
      %mul3A_870 = arith.mulf %get3A_865, %get3A_869 : vector<16xf32>
      %mul3A_871 = arith.mulf %mul3A_870, %get3A_196 : vector<16xf32>
      %add3A_872 = arith.addf %add3A_861, %mul3A_871 : vector<16xf32>
      %get3A_873 = arith.index_cast %scan3A_840 : i32 to index
      %get3A_874 = arith.constant 48 : index
      %get3A_875 = tpu.vector_load %arg15[%get3A_873, %get3A_874] {strides = array<i32>} : memref<128x128xf32, #tpu.memory_space<vmem>>, vector<1x16xf32>,
      %get3A_876 = vector.shape_cast %get3A_875 : vector<1x16xf32> to vector<16xf32>
      %get3A_877 = arith.index_cast %scan3A_840 : i32 to index
      %get3A_878 = arith.constant 48 : index
      %get3A_879 = tpu.vector_load %arg17[%get3A_877, %get3A_878] {strides = array<i32>} : memref<128x128xf32, #tpu.memory_space<vmem>>, vector<1x16xf32>,
      %get3A_880 = vector.shape_cast %get3A_879 : vector<1x16xf32> to vector<16xf32>
      %mul3A_881 = arith.mulf %get3A_876, %get3A_880 : vector<16xf32>
      %mul3A_882 = arith.mulf %mul3A_881, %get3A_199 : vector<16xf32>
      %add3A_883 = arith.addf %add3A_872, %mul3A_882 : vector<16xf32>
      %get3A_884 = arith.index_cast %scan3A_840 : i32 to index
      %get3A_885 = arith.constant 64 : index
      %get3A_886 = tpu.vector_load %arg15[%get3A_884, %get3A_885] {strides = array<i32>} : memref<128x128xf32, #tpu.memory_space<vmem>>, vector<1x16xf32>,
      %get3A_887 = vector.shape_cast %get3A_886 : vector<1x16xf32> to vector<16xf32>
      %get3A_888 = arith.index_cast %scan3A_840 : i32 to index
      %get3A_889 = arith.constant 64 : index
      %get3A_890 = tpu.vector_load %arg17[%get3A_888, %get3A_889] {strides = array<i32>} : memref<128x128xf32, #tpu.memory_space<vmem>>, vector<1x16xf32>,
      %get3A_891 = vector.shape_cast %get3A_890 : vector<1x16xf32> to vector<16xf32>
      %mul3A_892 = arith.mulf %get3A_887, %get3A_891 : vector<16xf32>
      %mul3A_893 = arith.mulf %mul3A_892, %get3A_202 : vector<16xf32>
      %add3A_894 = arith.addf %add3A_883, %mul3A_893 : vector<16xf32>
      %get3A_895 = arith.index_cast %scan3A_840 : i32 to index
      %get3A_896 = arith.constant 80 : index
      %get3A_897 = tpu.vector_load %arg15[%get3A_895, %get3A_896] {strides = array<i32>} : memref<128x128xf32, #tpu.memory_space<vmem>>, vector<1x16xf32>,
      %get3A_898 = vector.shape_cast %get3A_897 : vector<1x16xf32> to vector<16xf32>
      %get3A_899 = arith.index_cast %scan3A_840 : i32 to index
      %get3A_900 = arith.constant 80 : index
      %get3A_901 = tpu.vector_load %arg17[%get3A_899, %get3A_900] {strides = array<i32>} : memref<128x128xf32, #tpu.memory_space<vmem>>, vector<1x16xf32>,
      %get3A_902 = vector.shape_cast %get3A_901 : vector<1x16xf32> to vector<16xf32>
      %mul3A_903 = arith.mulf %get3A_898, %get3A_902 : vector<16xf32>
      %mul3A_904 = arith.mulf %mul3A_903, %get3A_205 : vector<16xf32>
      %add3A_905 = arith.addf %add3A_894, %mul3A_904 : vector<16xf32>
      %get3A_906 = arith.index_cast %scan3A_840 : i32 to index
      %get3A_907 = arith.constant 96 : index
      %get3A_908 = tpu.vector_load %arg15[%get3A_906, %get3A_907] {strides = array<i32>} : memref<128x128xf32, #tpu.memory_space<vmem>>, vector<1x16xf32>,
      %get3A_909 = vector.shape_cast %get3A_908 : vector<1x16xf32> to vector<16xf32>
      %get3A_910 = arith.index_cast %scan3A_840 : i32 to index
      %get3A_911 = arith.constant 96 : index
      %get3A_912 = tpu.vector_load %arg17[%get3A_910, %get3A_911] {strides = array<i32>} : memref<128x128xf32, #tpu.memory_space<vmem>>, vector<1x16xf32>,
      %get3A_913 = vector.shape_cast %get3A_912 : vector<1x16xf32> to vector<16xf32>
      %mul3A_914 = arith.mulf %get3A_909, %get3A_913 : vector<16xf32>
      %mul3A_915 = arith.mulf %mul3A_914, %get3A_208 : vector<16xf32>
      %add3A_916 = arith.addf %add3A_905, %mul3A_915 : vector<16xf32>
      %get3A_917 = arith.index_cast %scan3A_840 : i32 to index
      %get3A_918 = arith.constant 112 : index
      %get3A_919 = tpu.vector_load %arg15[%get3A_917, %get3A_918] {strides = array<i32>} : memref<128x128xf32, #tpu.memory_space<vmem>>, vector<1x16xf32>,
      %get3A_920 = vector.shape_cast %get3A_919 : vector<1x16xf32> to vector<16xf32>
      %get3A_921 = arith.index_cast %scan3A_840 : i32 to index
      %get3A_922 = arith.constant 112 : index
      %get3A_923 = tpu.vector_load %arg17[%get3A_921, %get3A_922] {strides = array<i32>} : memref<128x128xf32, #tpu.memory_space<vmem>>, vector<1x16xf32>,
      %get3A_924 = vector.shape_cast %get3A_923 : vector<1x16xf32> to vector<16xf32>
      %mul3A_925 = arith.mulf %get3A_920, %get3A_924 : vector<16xf32>
      %mul3A_926 = arith.mulf %mul3A_925, %get3A_211 : vector<16xf32>
      %add3A_927 = arith.addf %add3A_916, %mul3A_926 : vector<16xf32>
      %swap3A_928 = arith.index_cast %scan3A_840 : i32 to index
      %swap3A_929 = arith.constant 0 : index
      %swap3A_930 = tpu.vector_load %arg20[%swap3A_928, %swap3A_929] {strides = array<i32>} : memref<128x16xf32, #tpu.memory_space<vmem>>, vector<1x16xf32>,
      %swap3A_931 = vector.shape_cast %swap3A_930 : vector<1x16xf32> to vector<16xf32>
      %swap3A_932 = vector.shape_cast %add3A_927 : vector<16xf32> to vector<1x16xf32>
      tpu.vector_store %arg20[%swap3A_928, %swap3A_929], %swap3A_932 {strides = array<i32>} : memref<128x16xf32, #tpu.memory_space<vmem>>, vector<1x16xf32>,
      %scan3A_933 = arith.constant 0 : i32
      scf.yield %scan3A_933 : i32
    }
    %scan3A_525 = arith.constant 128 : i32
    %add3A_526 = arith.constant 384 : i32
    %add3A_527 = arith.addi %mul3A_2, %add3A_526 : i32
    %dma_start3A_528 = arith.constant 0 : i32
    %dma_start3A_529 = tpu.memref_slice %arg9[%add3A_527, %dma_start3A_528] : memref<16384x16xf32, #tpu.memory_space<hbm>> -> memref<128x16xf32, #tpu.memory_space<hbm>>
    %dma_start3A_530 = arith.constant 0 : i32
    %dma_start3A_531 = tpu.memref_slice %arg9[%add3A_527, %dma_start3A_530] : memref<16384x16xf32, #tpu.memory_space<hbm>> -> memref<128x16xf32, #tpu.memory_space<hbm>>
    tpu.enqueue_dma source(%arg20 : memref<128x16xf32, #tpu.memory_space<vmem>>) target(%dma_start3A_531 : memref<128x16xf32, #tpu.memory_space<hbm>>) target_semaphore(%arg28 : memref<!tpu.dma_semaphore, #tpu.memory_space<semaphore_mem>>)
    %dma_wait3A_532 = arith.constant 3 : i32
    %dma_wait3A_533 = arith.constant 0 : i32
    %dma_wait3A_534 = tpu.memref_slice %arg13[%dma_wait3A_532, %dma_wait3A_533] : memref<4x128xi32, #tpu.memory_space<vmem>> -> memref<1x128xi32, #tpu.memory_space<vmem>>
    %dma_wait3A_535 = tpu.memref_squeeze %dma_wait3A_534 : memref<1x128xi32, #tpu.memory_space<vmem>> -> memref<128xi32, #tpu.memory_space<vmem>>
    %dma_wait3A_536 = arith.constant 0 : i32
    %dma_wait3A_537 = arith.constant 0 : i32
    %dma_wait3A_538 = tpu.memref_slice %arg7[%dma_wait3A_536, %dma_wait3A_537] : memref<100001x128xf32, #tpu.memory_space<hbm>> -> memref<100001x128xf32, #tpu.memory_space<hbm>>
    tpu.wait_indirect_dma semaphore(%arg27 : memref<!tpu.dma_semaphore, #tpu.memory_space<semaphore_mem>>) src(%dma_wait3A_538 : memref<100001x128xf32, #tpu.memory_space<hbm>>) dst(%arg19 : memref<128x128xf32, #tpu.memory_space<vmem>>)
    %dma_start3A_539 = arith.constant 0 : i32
    %dma_start3A_540 = tpu.memref_slice %arg11[%add3A_500, %dma_start3A_539] : memref<16384x128xf32, #tpu.memory_space<hbm>> -> memref<128x128xf32, #tpu.memory_space<hbm>>
    %dma_start3A_541 = arith.constant 0 : i32
    %dma_start3A_542 = tpu.memref_slice %arg11[%add3A_500, %dma_start3A_541] : memref<16384x128xf32, #tpu.memory_space<hbm>> -> memref<128x128xf32, #tpu.memory_space<hbm>>
    tpu.enqueue_dma source(%arg19 : memref<128x128xf32, #tpu.memory_space<vmem>>) target(%dma_start3A_542 : memref<128x128xf32, #tpu.memory_space<hbm>>) target_semaphore(%arg31 : memref<!tpu.dma_semaphore, #tpu.memory_space<semaphore_mem>>)
    %dma_wait3A_543 = arith.constant 0 : i32
    %dma_wait3A_544 = tpu.memref_slice %arg11[%add3A_476, %dma_wait3A_543] : memref<16384x128xf32, #tpu.memory_space<hbm>> -> memref<128x128xf32, #tpu.memory_space<hbm>>
    %dma_wait3A_545 = arith.constant 0 : i32
    %dma_wait3A_546 = tpu.memref_slice %arg11[%add3A_476, %dma_wait3A_545] : memref<16384x128xf32, #tpu.memory_space<hbm>> -> memref<128x128xf32, #tpu.memory_space<hbm>>
    tpu.wait_dma2 semaphore(%arg30 : memref<!tpu.dma_semaphore, #tpu.memory_space<semaphore_mem>>) src(%arg18 : memref<128x128xf32, #tpu.memory_space<vmem>>) dst(%dma_wait3A_546 : memref<128x128xf32, #tpu.memory_space<hbm>>)
    %dma_wait3A_547 = arith.constant 0 : i32
    %dma_wait3A_548 = tpu.memref_slice %arg11[%add3A_500, %dma_wait3A_547] : memref<16384x128xf32, #tpu.memory_space<hbm>> -> memref<128x128xf32, #tpu.memory_space<hbm>>
    %dma_wait3A_549 = arith.constant 0 : i32
    %dma_wait3A_550 = tpu.memref_slice %arg11[%add3A_500, %dma_wait3A_549] : memref<16384x128xf32, #tpu.memory_space<hbm>> -> memref<128x128xf32, #tpu.memory_space<hbm>>
    tpu.wait_dma2 semaphore(%arg31 : memref<!tpu.dma_semaphore, #tpu.memory_space<semaphore_mem>>) src(%arg19 : memref<128x128xf32, #tpu.memory_space<vmem>>) dst(%dma_wait3A_550 : memref<128x128xf32, #tpu.memory_space<hbm>>)
    %dma_wait3A_551 = arith.constant 0 : i32
    %dma_wait3A_552 = tpu.memref_slice %arg9[%add3A_527, %dma_wait3A_551] : memref<16384x16xf32, #tpu.memory_space<hbm>> -> memref<128x16xf32, #tpu.memory_space<hbm>>
    %dma_wait3A_553 = arith.constant 0 : i32
    %dma_wait3A_554 = tpu.memref_slice %arg9[%add3A_527, %dma_wait3A_553] : memref<16384x16xf32, #tpu.memory_space<hbm>> -> memref<128x16xf32, #tpu.memory_space<hbm>>
    tpu.wait_dma2 semaphore(%arg28 : memref<!tpu.dma_semaphore, #tpu.memory_space<semaphore_mem>>) src(%arg20 : memref<128x16xf32, #tpu.memory_space<vmem>>) dst(%dma_wait3A_554 : memref<128x16xf32, #tpu.memory_space<hbm>>)
    return
  }
}

module attributes {stable_mosaic.version = 14 : i64} {
  func.func @_tc_body(%arg0: i32, %arg1: memref<4096x16xf32, #tpu.memory_space<vmem>>, %arg2: memref<4096x128xf32, #tpu.memory_space<vmem>>, %arg3: memref<4096x128xf32, #tpu.memory_space<vmem>>, %arg4: memref<128x64xf32, #tpu.memory_space<vmem>>, %arg5: memref<128x64xf32, #tpu.memory_space<vmem>>, %arg6: memref<64x1xf32, #tpu.memory_space<vmem>>, %arg7: memref<64x32xf32, #tpu.memory_space<vmem>>, %arg8: memref<32x1xf32, #tpu.memory_space<vmem>>, %arg9: memref<32x16xf32, #tpu.memory_space<vmem>>, %arg10: memref<16x1xf32, #tpu.memory_space<vmem>>, %arg11: memref<16x1xf32, #tpu.memory_space<vmem>>, %arg12: memref<1x1xf32, #tpu.memory_space<vmem>>, %arg13: memref<1x1x4096xf32, #tpu.memory_space<vmem>>) attributes {dimension_semantics = [#tpu.dimension_semantics<arbitrary>], iteration_bounds = array<i64: 4>, scalar_prefetch = 0 : i64, scratch_operands = 0 : i64, tpu.core_type = #tpu.core_type<tc>, window_params = [{transform_indices = @transform_0, window_bounds = array<i64: 4096, 16>}, {transform_indices = @transform_1, window_bounds = array<i64: 4096, 128>}, {transform_indices = @transform_2, window_bounds = array<i64: 4096, 128>}, {pipeline_mode = #tpu.pipeline_mode<synchronous>, transform_indices = @transform_3, window_bounds = array<i64: 128, 64>}, {pipeline_mode = #tpu.pipeline_mode<synchronous>, transform_indices = @transform_4, window_bounds = array<i64: 128, 64>}, {pipeline_mode = #tpu.pipeline_mode<synchronous>, transform_indices = @transform_5, window_bounds = array<i64: 64, 1>}, {pipeline_mode = #tpu.pipeline_mode<synchronous>, transform_indices = @transform_6, window_bounds = array<i64: 64, 32>}, {pipeline_mode = #tpu.pipeline_mode<synchronous>, transform_indices = @transform_7, window_bounds = array<i64: 32, 1>}, {pipeline_mode = #tpu.pipeline_mode<synchronous>, transform_indices = @transform_8, window_bounds = array<i64: 32, 16>}, {pipeline_mode = #tpu.pipeline_mode<synchronous>, transform_indices = @transform_9, window_bounds = array<i64: 16, 1>}, {pipeline_mode = #tpu.pipeline_mode<synchronous>, transform_indices = @transform_10, window_bounds = array<i64: 16, 1>}, {pipeline_mode = #tpu.pipeline_mode<synchronous>, transform_indices = @transform_11, window_bounds = array<i64: 1, 1>}, {transform_indices = @transform_12, window_bounds = array<i64: 1, 1, 4096>}]} {
    %get3A = arith.constant 0 : index
    %get3A_0 = arith.constant 0 : index
    %get3A_1 = vector.load %arg4[%get3A, %get3A_0] : memref<128x64xf32, #tpu.memory_space<vmem>>, vector<128x64xf32>
    %get3A_2 = arith.constant 0 : index
    %get3A_3 = arith.constant 0 : index
    %get3A_4 = vector.load %arg2[%get3A_2, %get3A_3] : memref<4096x128xf32, #tpu.memory_space<vmem>>, vector<4096x128xf32>
    %dot_general3A = arith.constant dense<0.000000e+00> : vector<64x4096xf32>
    %dot_general3A_5 = tpu.matmul %get3A_1, %get3A_4, %dot_general3A {dimension_numbers = #tpu.dot_dimension_numbers<[0], [1], [1], [0], [0, 1, 1, 0], [], []>, transpose_lhs_hint = false} : vector<128x64xf32>, vector<4096x128xf32>, vector<64x4096xf32> -> vector<64x4096xf32>
    %get3A_6 = arith.constant 0 : index
    %get3A_7 = arith.constant 0 : index
    %get3A_8 = vector.load %arg5[%get3A_6, %get3A_7] : memref<128x64xf32, #tpu.memory_space<vmem>>, vector<128x64xf32>
    %get3A_9 = arith.constant 0 : index
    %get3A_10 = arith.constant 0 : index
    %get3A_11 = vector.load %arg3[%get3A_9, %get3A_10] : memref<4096x128xf32, #tpu.memory_space<vmem>>, vector<4096x128xf32>
    %dot_general3A_12 = arith.constant dense<0.000000e+00> : vector<64x4096xf32>
    %dot_general3A_13 = tpu.matmul %get3A_8, %get3A_11, %dot_general3A_12 {dimension_numbers = #tpu.dot_dimension_numbers<[0], [1], [1], [0], [0, 1, 1, 0], [], []>, transpose_lhs_hint = false} : vector<128x64xf32>, vector<4096x128xf32>, vector<64x4096xf32> -> vector<64x4096xf32>
    %add3A = arith.addf %dot_general3A_5, %dot_general3A_13 : vector<64x4096xf32>
    %get3A_14 = arith.constant 0 : index
    %get3A_15 = arith.constant 0 : index
    %get3A_16 = vector.load %arg6[%get3A_14, %get3A_15] : memref<64x1xf32, #tpu.memory_space<vmem>>, vector<64x1xf32>
    %add3A_17 = vector.broadcast %get3A_16 : vector<64x1xf32> to vector<64x4096xf32>
    %add3A_18 = arith.addf %add3A, %add3A_17 : vector<64x4096xf32>
    %max3A = arith.constant 0.000000e+00 : f32
    %max3A_19 = vector.broadcast %max3A : f32 to vector<64x4096xf32>
    %max3A_20 = arith.maximumf %add3A_18, %max3A_19 : vector<64x4096xf32>
    %get3A_21 = arith.constant 0 : index
    %get3A_22 = arith.constant 0 : index
    %get3A_23 = vector.load %arg7[%get3A_21, %get3A_22] : memref<64x32xf32, #tpu.memory_space<vmem>>, vector<64x32xf32>
    %dot_general3A_24 = arith.constant dense<0.000000e+00> : vector<32x4096xf32>
    %dot_general3A_25 = tpu.matmul %get3A_23, %max3A_20, %dot_general3A_24 {dimension_numbers = #tpu.dot_dimension_numbers<[0], [0], [1], [1], [0, 1, 1, 1], [], []>, transpose_lhs_hint = false} : vector<64x32xf32>, vector<64x4096xf32>, vector<32x4096xf32> -> vector<32x4096xf32>
    %get3A_26 = arith.constant 0 : index
    %get3A_27 = arith.constant 0 : index
    %get3A_28 = vector.load %arg8[%get3A_26, %get3A_27] : memref<32x1xf32, #tpu.memory_space<vmem>>, vector<32x1xf32>
    %add3A_29 = vector.broadcast %get3A_28 : vector<32x1xf32> to vector<32x4096xf32>
    %add3A_30 = arith.addf %dot_general3A_25, %add3A_29 : vector<32x4096xf32>
    %max3A_31 = arith.constant 0.000000e+00 : f32
    %max3A_32 = vector.broadcast %max3A_31 : f32 to vector<32x4096xf32>
    %max3A_33 = arith.maximumf %add3A_30, %max3A_32 : vector<32x4096xf32>
    %get3A_34 = arith.constant 0 : index
    %get3A_35 = arith.constant 0 : index
    %get3A_36 = vector.load %arg9[%get3A_34, %get3A_35] : memref<32x16xf32, #tpu.memory_space<vmem>>, vector<32x16xf32>
    %dot_general3A_37 = arith.constant dense<0.000000e+00> : vector<16x4096xf32>
    %dot_general3A_38 = tpu.matmul %get3A_36, %max3A_33, %dot_general3A_37 {dimension_numbers = #tpu.dot_dimension_numbers<[0], [0], [1], [1], [0, 1, 1, 1], [], []>, transpose_lhs_hint = false} : vector<32x16xf32>, vector<32x4096xf32>, vector<16x4096xf32> -> vector<16x4096xf32>
    %get3A_39 = arith.constant 0 : index
    %get3A_40 = arith.constant 0 : index
    %get3A_41 = vector.load %arg10[%get3A_39, %get3A_40] : memref<16x1xf32, #tpu.memory_space<vmem>>, vector<16x1xf32>
    %add3A_42 = vector.broadcast %get3A_41 : vector<16x1xf32> to vector<16x4096xf32>
    %add3A_43 = arith.addf %dot_general3A_38, %add3A_42 : vector<16x4096xf32>
    %max3A_44 = arith.constant 0.000000e+00 : f32
    %max3A_45 = vector.broadcast %max3A_44 : f32 to vector<16x4096xf32>
    %max3A_46 = arith.maximumf %add3A_43, %max3A_45 : vector<16x4096xf32>
    %get3A_47 = arith.constant 0 : index
    %get3A_48 = arith.constant 0 : index
    %get3A_49 = vector.load %arg11[%get3A_47, %get3A_48] : memref<16x1xf32, #tpu.memory_space<vmem>>, vector<16x1xf32>
    %dot_general3A_50 = arith.constant dense<0.000000e+00> : vector<1x4096xf32>
    %dot_general3A_51 = tpu.matmul %get3A_49, %max3A_46, %dot_general3A_50 {dimension_numbers = #tpu.dot_dimension_numbers<[0], [0], [1], [1], [0, 1, 1, 1], [], []>, transpose_lhs_hint = false} : vector<16x1xf32>, vector<16x4096xf32>, vector<1x4096xf32> -> vector<1x4096xf32>
    %broadcast_in_dim3A = arith.constant 1.000000e+00 : f32
    %broadcast_in_dim3A_52 = vector.broadcast %broadcast_in_dim3A : f32 to vector<16x1xf32>
    %get3A_53 = arith.constant 0 : index
    %get3A_54 = arith.constant 0 : index
    %get3A_55 = vector.load %arg1[%get3A_53, %get3A_54] : memref<4096x16xf32, #tpu.memory_space<vmem>>, vector<4096x16xf32>
    %dot_general3A_56 = arith.constant dense<0.000000e+00> : vector<1x4096xf32>
    %dot_general3A_57 = tpu.matmul %broadcast_in_dim3A_52, %get3A_55, %dot_general3A_56 {dimension_numbers = #tpu.dot_dimension_numbers<[0], [1], [1], [0], [0, 1, 1, 0], [], []>, transpose_lhs_hint = false} : vector<16x1xf32>, vector<4096x16xf32>, vector<1x4096xf32> -> vector<1x4096xf32>
    %add3A_58 = arith.addf %dot_general3A_51, %dot_general3A_57 : vector<1x4096xf32>
    %get3A_59 = arith.constant 0 : index
    %get3A_60 = arith.constant 0 : index
    %get3A_61 = vector.load %arg12[%get3A_59, %get3A_60] : memref<1x1xf32, #tpu.memory_space<vmem>>, vector<1x1xf32>
    %add3A_62 = vector.broadcast %get3A_61 : vector<1x1xf32> to vector<1x4096xf32>
    %add3A_63 = arith.addf %add3A_58, %add3A_62 : vector<1x4096xf32>
    %logistic3A = arith.negf %add3A_63 : vector<1x4096xf32>
    %logistic3A_64 = math.exp %logistic3A : vector<1x4096xf32>
    %logistic3A_65 = arith.constant 1.000000e+00 : f32
    %logistic3A_66 = vector.broadcast %logistic3A_65 : f32 to vector<1x4096xf32>
    %logistic3A_67 = arith.addf %logistic3A_66, %logistic3A_64 : vector<1x4096xf32>
    %logistic3A_68 = arith.divf %logistic3A_66, %logistic3A_67 : vector<1x4096xf32>
    %broadcast_in_dim3A_69 = vector.shape_cast %logistic3A_68 : vector<1x4096xf32> to vector<1x1x4096xf32>
    %swap3A = arith.constant 0 : index
    %swap3A_70 = arith.constant 0 : index
    %swap3A_71 = arith.constant 0 : index
    %swap3A_72 = vector.load %arg13[%swap3A, %swap3A_70, %swap3A_71] : memref<1x1x4096xf32, #tpu.memory_space<vmem>>, vector<1x1x4096xf32>
    tpu.vector_store %arg13[%swap3A, %swap3A_70, %swap3A_71], %broadcast_in_dim3A_69 {strides = array<i32>} : memref<1x1x4096xf32, #tpu.memory_space<vmem>>, vector<1x1x4096xf32>,
    return
  }
  func.func @transform_0(%arg0: i32) -> (i32, i32) {
    %c0_i32 = arith.constant 0 : i32
    %c0_i32_0 = arith.constant 0 : i32
    return %arg0, %c0_i32 : i32, i32
  }
  func.func @transform_1(%arg0: i32) -> (i32, i32) {
    %c0_i32 = arith.constant 0 : i32
    %c0_i32_0 = arith.constant 0 : i32
    return %arg0, %c0_i32 : i32, i32
  }
  func.func @transform_2(%arg0: i32) -> (i32, i32) {
    %c0_i32 = arith.constant 0 : i32
    %c0_i32_0 = arith.constant 0 : i32
    return %arg0, %c0_i32 : i32, i32
  }
  func.func @transform_3(%arg0: i32) -> (i32, i32) {
    %c0_i32 = arith.constant 0 : i32
    %c0_i32_0 = arith.constant 0 : i32
    %c0_i32_1 = arith.constant 0 : i32
    return %c0_i32, %c0_i32_0 : i32, i32
  }
  func.func @transform_4(%arg0: i32) -> (i32, i32) {
    %c0_i32 = arith.constant 0 : i32
    %c0_i32_0 = arith.constant 0 : i32
    %c0_i32_1 = arith.constant 0 : i32
    return %c0_i32, %c0_i32_0 : i32, i32
  }
  func.func @transform_5(%arg0: i32) -> (i32, i32) {
    %c0_i32 = arith.constant 0 : i32
    %c0_i32_0 = arith.constant 0 : i32
    %c0_i32_1 = arith.constant 0 : i32
    return %c0_i32, %c0_i32_0 : i32, i32
  }
  func.func @transform_6(%arg0: i32) -> (i32, i32) {
    %c0_i32 = arith.constant 0 : i32
    %c0_i32_0 = arith.constant 0 : i32
    %c0_i32_1 = arith.constant 0 : i32
    return %c0_i32, %c0_i32_0 : i32, i32
  }
  func.func @transform_7(%arg0: i32) -> (i32, i32) {
    %c0_i32 = arith.constant 0 : i32
    %c0_i32_0 = arith.constant 0 : i32
    %c0_i32_1 = arith.constant 0 : i32
    return %c0_i32, %c0_i32_0 : i32, i32
  }
  func.func @transform_8(%arg0: i32) -> (i32, i32) {
    %c0_i32 = arith.constant 0 : i32
    %c0_i32_0 = arith.constant 0 : i32
    %c0_i32_1 = arith.constant 0 : i32
    return %c0_i32, %c0_i32_0 : i32, i32
  }
  func.func @transform_9(%arg0: i32) -> (i32, i32) {
    %c0_i32 = arith.constant 0 : i32
    %c0_i32_0 = arith.constant 0 : i32
    %c0_i32_1 = arith.constant 0 : i32
    return %c0_i32, %c0_i32_0 : i32, i32
  }
  func.func @transform_10(%arg0: i32) -> (i32, i32) {
    %c0_i32 = arith.constant 0 : i32
    %c0_i32_0 = arith.constant 0 : i32
    %c0_i32_1 = arith.constant 0 : i32
    return %c0_i32, %c0_i32_0 : i32, i32
  }
  func.func @transform_11(%arg0: i32) -> (i32, i32) {
    %c0_i32 = arith.constant 0 : i32
    %c0_i32_0 = arith.constant 0 : i32
    %c0_i32_1 = arith.constant 0 : i32
    return %c0_i32, %c0_i32_0 : i32, i32
  }
  func.func @transform_12(%arg0: i32) -> (i32, i32, i32) {
    %c0_i32 = arith.constant 0 : i32
    %c0_i32_0 = arith.constant 0 : i32
    %c0_i32_1 = arith.constant 0 : i32
    return %arg0, %c0_i32, %c0_i32_0 : i32, i32, i32
  }
}

</mosaic_0001>

<sc_bundles>
// kernel: kernel.4.cloned.1.call-start
scs
__scs_entry_jumppad:
0x0: {  	(pc) =	sbr.rel $0x88, $3  }
0x1: {  	(tag) =	ssettag $0x0;
	lr =	simm.s32 $0x1  }
0x2: {  	[smem:$0x3F93] =	sst lr;
	_ =	strace $0xD0000000  }
0x3: {  	_ = 	snop  }
0x4: {  	_ = 	snop  }
0x5: {  	_ = 	snop  }
0x6: {  	_ = 	snop  }
0x7: {  	_ = 	snop  }
__scs_overlays_trampoline_lowered:
0x8: {  	[smem:$0x3FA2] =	sst s0  }
0x9: {  	[smem:$0x3FA3] =	sst s1  }
0xa: {  	[smem:$0x3FA4] =	sst s2  }
0xb: {  	[smem:$0x3FA5] =	sst s3  }
0xc: {  	[smem:$0x3FA6] =	sst s4  }
0xd: {  	[smem:$0x3FA7] =	sst s5  }
0xe: {  	[smem:$0x3FA8] =	sst s6  }
0xf: {  	[smem:$0x3FA9] =	sst s7  }
0x10: {  	[smem:$0x3FAA] =	sst s8  }
0x11: {  	[smem:$0x3FAB] =	sst s9;
	s0 =	simm.s32 @!p0 $0x0  }
0x12: {  	s1 =	sld [smem:$0x3F91];
	s0 =	simm.s32 @p0 $0x1  }
0x13: {  	[smem:$0x3FAC] =	sst s0;
	s0 =	simm.s32 @!p1 $0x0  }
0x14: {  	s2 =	sld [smem:$0x3F90];
	s0 =	simm.s32 @p1 $0x1  }
0x15: {  	[smem:$0x3FAD] =	sst s0;
	s0 =	simm.s32 @!p2 $0x0  }
0x16: {  	s3 =	sld [smem:$0x3FDB];
	s0 =	simm.s32 @p2 $0x1  }
0x17: {  	s4 =	simm.s32 $0x1BF5;
	[smem:$0x3FAF] =	sst s0  }
0x18: {  	s0 =	sld [smem:$0x3F92];
	_ =	swait.ge [sflag:s4], $0x0  }
0x19: {  	s7 =	sld [smem:$0x3F93]  }
0x1a: {  	s8 =	sadd.s32 $0xFFFFE003, lr  }
0x1b: {  	s9 =	sadd.s32 $0xFFFFFEF7, lr;
	s5 =	simm.s32 $0xFFFFFFFF;
	p2 =	slt.u32 s8, $0xFFFFF086  }
0x1c: {  	p1 =	slt.u32 s9, $0xF7A;
	s5 =	simm.s32 @!p2 $0x0  }
0x1d: {  	s5 =	simm.s32 @p1 $0x1;
	p0 =	seq.s32 s7, s2  }
0x1e: {  	s7 =	smul.u32 @!p0 $0xF7A, s2;
	p2 =	seq.s32 @!p0 s5, $0x0  }
0x1f: {  	s9 =	smul.u32 $0xF7A, s1;
	s8 =	simm.s32 @!p0 $0x1BF5;
	p2 =	por !p2, p0  }
0x20: {  	[sflag:s8] =	ssyncset.s32 @!p0 $0xFFFFF086;
	s6 =	sadd.s32 @!p0 s3, s7;
	s7 =	simm.s32 @!p0 $0x108  }
0x21: {  	s3 =	sadd.s32 s3, s9;
	s6 =	sadd.s32 @!p0 $0x88, s6;
	s7 =	simm.s32 @p2 $0x1082  }
0x22: {  	[simem:s7], [sflag:s8] =	dma.local @!p0 [hbm:s6], $0xF7A  }
0x23: {  	s9 =	sor.u32 $0xD0000000, s2;
	s6 =	simm.s32 $0x108;
	_ =	swait.ge @!p0 [sflag:s8], $0x0  }
0x24: {  	s3 =	sadd.s32 $0x88, s3;
	s6 =	simm.s32 @!p1 $0x1082;
	[sflag:s4] =	ssyncset.s32 $0xFFFFF086  }
0x25: {  	[simem:s6], [sflag:s4] =	dma.local [hbm:s3], $0xF7A  }
0x26: {  	[smem:$0x3F93] =	sst s1;
	(tag) =	ssettag s2;
	_ =	strace s9  }
0x27: {  	s1 =	sld [smem:$0x3FA3]  }
0x28: {  	s2 =	sld [smem:$0x3FA4]  }
0x29: {  	s4 =	sld [smem:$0x3FA6]  }
0x2a: {  	p0 =	seq.s32 s5, $0x0;
	s5 =	sld [smem:$0x3FA7]  }
0x2b: {  	s6 =	sld [smem:$0x3FA8]  }
0x2c: {  	s7 =	sld [smem:$0x3FA9]  }
0x2d: {  	s3 =	simm.s32 $0x108;
	s8 =	sld [smem:$0x3FAA]  }
0x2e: {  	s3 =	simm.s32 @!p0 $0x1082;
	s9 =	sld [smem:$0x3FAB]  }
0x2f: {  	lr =	sadd.s32 s0, s3;
	s0 =	sld [smem:$0x3FA2]  }
0x30: {  	s3 =	sld [smem:$0x3FA5]  }
0x31: {  	[smem:$0x3FAE] =	sst s10  }
0x32: {  	s10 =	sld [smem:$0x3FAC];
	_ =	sdelay $0x3  }
0x33: {  	p0 =	seq.s32 s10, $0x1;
	s10 =	sld [smem:$0x3FAE];
	_ =	sdelay $0x3  }
0x34: {  	[smem:$0x3FAE] =	sst s10  }
0x35: {  	s10 =	sld [smem:$0x3FAD];
	_ =	sdelay $0x3  }
0x36: {  	p1 =	seq.s32 s10, $0x1;
	s10 =	sld [smem:$0x3FAE];
	_ =	sdelay $0x3  }
0x37: {  	[smem:$0x3FAE] =	sst s10  }
0x38: {  	s10 =	sld [smem:$0x3FAF]  }
0x39: {  	_ = 	snop;
	(pc) =	sbr.ind lr, $3  }
0x3a: {  	_ = 	snop  }
0x3b: {  	_ = 	snop  }
0x3c: {  	p2 =	seq.s32 s10, $0x1;
	s10 =	sld [smem:$0x3FAE]  }
0x3d: {  	_ =	shalt  }
0x3e: {  	_ =	shalt  }
0x3f: {  	_ =	shalt  }
0x40: {  	_ =	shalt  }
0x41: {  	_ =	shalt  }
0x42: {  	_ =	shalt  }
0x43: {  	_ =	shalt  }
0x44: {  	_ =	shalt  }
0x45: {  	_ =	shalt  }
0x46: {  	_ =	shalt  }
0x47: {  	_ =	shalt  }
0x48: {  	_ =	shalt  }
0x49: {  	_ =	shalt  }
0x4a: {  	_ =	shalt  }
0x4b: {  	_ =	shalt  }
0x4c: {  	_ =	shalt  }
0x4d: {  	_ =	shalt  }
0x4e: {  	_ =	shalt  }
0x4f: {  	_ =	shalt  }
0x50: {  	_ =	shalt  }
0x51: {  	_ =	shalt  }
0x52: {  	_ =	shalt  }
0x53: {  	_ =	shalt  }
0x54: {  	_ =	shalt  }
0x55: {  	_ =	shalt  }
0x56: {  	_ =	shalt  }
0x57: {  	_ =	shalt  }
0x58: {  	_ =	shalt  }
0x59: {  	_ =	shalt  }
0x5a: {  	_ =	shalt  }
0x5b: {  	_ =	shalt  }
0x5c: {  	_ =	shalt  }
0x5d: {  	_ =	shalt  }
0x5e: {  	_ =	shalt  }
0x5f: {  	_ =	shalt  }
0x60: {  	_ =	shalt  }
0x61: {  	_ =	shalt  }
0x62: {  	_ =	shalt  }
0x63: {  	_ =	shalt  }
0x64: {  	_ =	shalt  }
0x65: {  	_ =	shalt  }
0x66: {  	_ =	shalt  }
0x67: {  	_ =	shalt  }
0x68: {  	_ =	shalt  }
0x69: {  	_ =	shalt  }
0x6a: {  	_ =	shalt  }
0x6b: {  	_ =	shalt  }
0x6c: {  	_ =	shalt  }
0x6d: {  	_ =	shalt  }
0x6e: {  	_ =	shalt  }
0x6f: {  	_ =	shalt  }
0x70: {  	_ =	shalt  }
0x71: {  	_ =	shalt  }
0x72: {  	_ =	shalt  }
0x73: {  	_ =	shalt  }
0x74: {  	_ =	shalt  }
0x75: {  	_ =	shalt  }
0x76: {  	_ =	shalt  }
0x77: {  	_ =	shalt  }
0x78: {  	_ =	shalt  }
0x79: {  	_ =	shalt  }
0x7a: {  	_ =	shalt  }
0x7b: {  	_ =	shalt  }
0x7c: {  	_ =	shalt  }
0x7d: {  	_ =	shalt  }
0x7e: {  	_ =	shalt  }
0x7f: {  	_ =	shalt  }
0x80: {  	_ =	shalt  }
0x81: {  	_ =	shalt  }
0x82: {  	_ =	shalt  }
0x83: {  	_ =	shalt  }
0x84: {  	_ =	shalt  }
0x85: {  	_ =	shalt  }
0x86: {  	_ =	shalt  }
0x87: {  	_ =	shalt  }
.Lfunc_end0:
.L_simem_size_0:
called_computation_lowered:
.L_overlay_start_0:
0x88: {  	s2 =	sld [smem:$0x3FD9]  }
0x89: {  	s3 =	sld [smem:$0x3FFE];
	_ =	sdelay $0x1  }
0x8a: {  	s1 =	srdreg.scid  }
0x8b: {  	s0 =	sand.u32 $0x1, s1  }
0x8c: {  	s17 =	sshll.u32 s0, $0xA;
	s2 =	sadd.s32 s3, s2  }
0x8d: {  	s2 =	sadd.s32 s2, s17  }
0x8e: {  	[smem:$0x3FBA] =	sst s2  }
0x8f: {  	_ = 	snop  }
0x90: {  	s2 =	sld [smem:$0x3FC9]  }
0x91: {  	s18 =	sld [smem:$0x3FC8]  }
0x92: {  	s4 =	sld [smem:$0x3FC7]  }
0x93: {  	s5 =	sld [smem:$0x3FC6]  }
0x94: {  	s6 =	sld [smem:$0x3FC5]  }
0x95: {  	s7 =	sld [smem:$0x3FC4]  }
0x96: {  	s8 =	sld [smem:$0x3FD0];
	(tm) =	ssettm $0x1  }
0x97: {  	s9 =	sld [smem:$0x3FFB];
	_ =	sdelay $0x3  }
0x98: {  	_ =	strace s9  }
0x99: {  	s9 =	sld [smem:$0x3FFC];
	_ =	sdelay $0x3  }
0x9a: {  	_ =	strace s9  }
0x9b: {  	s9 =	sld [smem:$0x3FFD];
	_ =	sdelay $0x3  }
0x9c: {  	_ =	strace s9  }
0x9d: {  	_ =	strace $0x8FFFFFFF  }
0x9e: {  	s19 =	sld [smem:$0x3FDB];
	_ =	sdelay $0x1  }
0x9f: {  	s10 =	simm.s32 $_scs_section_size  }
0xa0: {  	s11 =	simm.s32 $_size__tile_overlayer_lowered;
	s12 =	simm.s32 $_tile_overlayer_lowered  }
0xa1: {  	s22 =	simm.s32 $0x1BFF;
	s21 =	sshll.u32 s12, $0x1;
	s9 =	sadd.s32 s10, s19  }
0xa2: {  	s13 =	simm.s32 $0x0;
	s20 =	sshll.u32 s11, $0x1;
	s11 =	sadd.s32 s21, s9  }
0xa3: {  	[timem:s13], [sflag:s22] =	dma.local [hbm:s11], s20  }
0xa4: {  	_ =	swait.ge [sflag:s22], s20  }
0xa5: {  	s10 =	ssub.s32 $0x0, s20;
	[sflag:s22] =	ssyncset.done $0x0  }
0xa6: {  	[sflag:s22] =	ssyncadd.s32 s10;
	_ =	sdelay $0x1  }
0xa7: {  	s23 =	simm.s32 $0x1B8B  }
0xa8: {  	_ =	swait.ge [sflag:s23], $0x1  }
0xa9: {  	[sflag:s23] =	ssyncset.done $0x0  }
0xaa: {  	s25 =	simm.s32 $0x1B8E;
	s24 =	sld [smem:$0x3FFE];
	[sflag:s23] =	ssyncadd.s32 $0xFFFFFFFF  }
0xab: {  	s26 =	simm.s32 $execute0_lowered;
	[smem:$0x3FD2] =	sst s25  }
0xac: {  	s11 =	sshll.u32 s26, $0x1;
	_ =	strace $0x80000046;
	[dreg:$0x1] =	wrdreg $0xFFFFFFFF  }
0xad: {  	s28 =	simm.s32 $_size_execute0_lowered;
	s9 =	sadd.s32 s9, s11;
	[dreg:$0x0] =	wrdreg $0x0  }
0xae: {  	s11 =	sshll.u32 s28, $0x1;
	[dreg:$0x2] =	wrdreg s9  }
0xaf: {  	[dreg:$0x3] =	wrdreg s11  }
0xb0: {  	[dreg:$0x4] =	wrdreg $0xC0  }
0xb1: {  	_ =	task [dreg:s13], $0x5FFFF  }
0xb2: {  	[dreg:$0x1] =	wrdreg $0xFFFFFFFF  }
0xb3: {  	[dreg:$0x0] =	wrdreg $0x60  }
0xb4: {  	[dreg:$0x2] =	wrdreg s2  }
0xb5: {  	[dreg:$0x3] =	wrdreg s18  }
0xb6: {  	[dreg:$0x4] =	wrdreg s4  }
0xb7: {  	[dreg:$0x5] =	wrdreg s5  }
0xb8: {  	[dreg:$0x6] =	wrdreg s6  }
0xb9: {  	[dreg:$0x7] =	wrdreg s7  }
0xba: {  	[dreg:$0x8] =	wrdreg s8  }
0xbb: {  	[dreg:$0x9] =	wrdreg s24  }
0xbc: {  	[dreg:$0xa] =	wrdreg $0x9  }
0xbd: {  	_ =	task.clear_ibuf [dreg:s13], $0xBFFFF;
	_ =	strace $0x90000046  }
0xbe: {  	s29 =	simm.s32 $0x9;
	_ =	strace $0x80000048  }
0xbf: {  	_ =	swait.ge [sflag:s29], $0x1  }
0xc0: {  	[sflag:s29] =	ssyncadd.s32 $0xFFFFFFFF  }
0xc1: {  	_ =	strace $0x90000048  }
0xc2: {  	_ =	sfence  }
0xc3: {  	s30 =	sld [smem:$0x0];
	_ =	sdelay $0x2  }
0xc4: {  	s31 =	sshll.u32 s1, $0xD;
	s1 =	sshrl.u32 s1, $0x2  }
0xc5: {  	s3 =	sand.u32 $0x4000, s31;
	s1 =	sadd.s32 s1, s30  }
0xc6: {  	s0 =	sor.u32 s3, s0;
	s1 =	sshll.u32 s1, $0x11  }
0xc7: {  	s0 =	sor.u32 s1, s0  }
0xc8: {  	s0 =	sadd.s32 $0x8F2B, s0  }
0xc9: {  	[sflag:s0] =	ssyncadd.remote.s32 $0x1  }
0xca: {  	_ =	sfence.sel $0xFFFF  }
0xcb: {  	[dreg:$0x0] =	wrdreg $0xFFFFFFFF;
	(pc) =	sbr.abs _section_cstart, $3  }
0xcc: {  	[dreg:$0x1] =	wrdreg $0xFFFFFFFF  }
0xcd: {  	_ =	task.clear_ibuf [dreg:s13], $0x2FFFF;
	_ =	strace $0x9FFFFFFF  }
0xce: {  	(tm) =	ssettm $0x7FFFFFFF  }
0xcf: {  	_ =	shalt  }
tec
execute0_lowered:
.L_overlay_start_1:
0x0: {  	(tag) =	ssettag $0x1  }
0x1: {  	s4 =	rddreg [dreg:$0x0]  }
0x2: {  	s6 =	rddreg [dreg:$0x1]  }
0x3: {  	s0 =	rddreg [dreg:$0x2]  }
0x4: {  	s1 =	rddreg [dreg:$0x3]  }
0x5: {  	s2 =	rddreg [dreg:$0x4]  }
0x6: {  	s3 =	rddreg [dreg:$0x5]  }
0x7: {  	s7 =	rddreg [dreg:$0x7];
	s5 =	simm.s32 $0x0;
	s8 =	srdreg.scid  }
0x8: {  	s11 =	stileid.u32;
	s30 =	simm.s32 $0x200;
	s31 =	simm.s32 $0x80  }
0x9: {  	[smem:$0x7FF] =	sst s5;
	s9 =	sadd.s32 $0x1E00, s7;
	s8 =	sand.u32 $0x1, s8  }
0xa: {  	s10 =	sadd.s32 $0x41E00, s7;
	s11 =	sshll.u32 s11, $0xA;
	s12 =	sshll.u32 s8, $0x9  }
0xb: {  	s7 =	sadd.s32 $0x81E00, s7;
	s8 =	ssub.s32 $0x2, s8;
	s11 =	sor.u32 s12, s11  }
0xc: {  	s22 =	sshrl.u32 s8, $0x1;
	s13 =	sshrl.u32 s11, $0x3;
	s14 =	sor.u32 $0x80, s11  }
0xd: {  	s8 =	ssub.s32 s8, s22;
	s26 =	sor.u32 $0x100, s11;
	s23 =	sadd.s32 s4, s13  }
0xe: {  	s24 =	sshrl.u32 s14, $0x3;
	s13 =	sadd.s32 s6, s13;
	[dreg:$0x9] =	wrdreg s23  }
0xf: {  	s15 =	sor.u32 $0x180, s11;
	[dreg:$0xa] =	wrdreg s13;
	s25 =	sadd.s32 s4, s24  }
0x10: {  	s28 =	sshrl.u32 s26, $0x3;
	s12 =	sadd.s32 s6, s24;
	[dreg:$0xb] =	wrdreg s25  }
0x11: {  	s29 =	sshrl.u32 s15, $0x3;
	s16 =	sadd.s32 s4, s28;
	[dreg:$0xc] =	wrdreg s12  }
0x12: {  	s18 =	sshll.u32 s14, $0x4;
	s4 =	sadd.s32 s4, s29;
	[dreg:$0xd] =	wrdreg s16  }
0x13: {  	s20 =	sshll.u32 s26, $0x4;
	s19 =	sadd.s32 s10, s18;
	[dreg:$0xf] =	wrdreg s4  }
0x14: {  	s21 =	sshll.u32 s15, $0x4;
	s13 =	sadd.s32 s10, s20;
	[dreg:$0x13] =	wrdreg s19  }
0x15: {  	s14 =	simm.s32 $0x3;
	s22 =	sadd.s32 s9, s18;
	[dreg:$0x14] =	wrdreg s13  }
0x16: {  	s15 =	simm.s32 $0x8;
	s23 =	sadd.s32 s7, s18;
	[dreg:$0x17] =	wrdreg s22  }
0x17: {  	s24 =	sadd.s32 s9, s20;
	s26 =	sadd.s32 s9, s21;
	[dreg:$0x18] =	wrdreg s23  }
0x18: {  	s18 =	simm.s32 $0x2;
	s12 =	sadd.s32 s6, s28;
	[dreg:$0x19] =	wrdreg s24  }
0x19: {  	s6 =	sadd.s32 s6, s29;
	s25 =	sadd.s32 s7, s20;
	[dreg:$0x1b] =	wrdreg s26  }
0x1a: {  	s28 =	sadd.s32 s7, s21;
	s29 =	smax.u32 s8, $0x1;
	s19 =	simm.s32 $0x280  }
0x1b: {  	s23 =	simm.s32 $0x100;
	s8 =	simm.s32 $0xA;
	[dreg:$0xe] =	wrdreg s12  }
0x1c: {  	s13 =	simm.s32 $0x14400;
	s20 =	simm.s32 $0x4;
	[dreg:$0x10] =	wrdreg s6  }
0x1d: {  	s22 =	simm.s32 $0x0;
	s12 =	sshll.u32 s11, $0x4;
	[dreg:$0x1a] =	wrdreg s25  }
0x1e: {  	[dreg:$0x1c] =	wrdreg s28;
	s6 =	simm.s32 $0x180;
	s16 =	sadd.s32 s10, s12  }
0x1f: {  	s11 =	simm.s32 $0x1;
	s17 =	sadd.s32 s9, s12;
	[dreg:$0x11] =	wrdreg s16  }
0x20: {  	s10 =	sadd.s32 s10, s21;
	s4 =	sadd.s32 s7, s12;
	[dreg:$0x12] =	wrdreg s17  }
0x21: {  	s7 =	simm.s32 $0x380;
	s9 =	simm.s32 $0x10400;
	[dreg:$0x15] =	wrdreg s10  }
0x22: {  	s12 =	simm.s32 $0x18400;
	s21 =	simm.s32 $0x7;
	[dreg:$0x16] =	wrdreg s4  }
0x23: {  	s4 =	simm.s32 $0x300;
	s10 =	simm.s32 $0x5;
	s16 =	simm.s32 $0x6  }
0x24: {  	s17 =	simm.s32 $0x9;
	_ =	strace $0x80000047;
	[dreg:$0x1d] =	wrdreg s29  }
.LBB2_1:
0x25: {  	s24 =	rddreg [dreg:$0x9]  }
0x26: {  	[tilespmem:s5], [sflag:$0xA] =	stream.linear.gather [hbm4b:s24+s5], $0x80, $0x38;
	[tilespmem:$0x1C480] =	vst v63  }
0x27: {  	s25 =	rddreg [dreg:$0xa]  }
0x28: {  	[tilespmem:s30], [sflag:$0xA] =	stream.linear.gather [hbm4b:s25+s5], $0x80, $0x38;
	[tilespmem:$0x1C480] =	vst v63  }
0x29: {  	s26 =	rddreg [dreg:$0xb]  }
0x2a: {  	[tilespmem:s31], [sflag:$0xA] =	stream.linear.gather [hbm4b:s26+s5], $0x80, $0x38;
	[tilespmem:$0x1C480] =	vst v63  }
0x2b: {  	s25 =	rddreg [dreg:$0xc]  }
0x2c: {  	[tilespmem:s19], [sflag:$0xA] =	stream.linear.gather [hbm4b:s25+s5], $0x80, $0x38;
	[tilespmem:$0x1C480] =	vst v63  }
0x2d: {  	s26 =	rddreg [dreg:$0x6];
	s25 =	simm.s32 $0x1C400  }
0x2e: {  	[tilespmem:s25], [sflag:$0xA] =	stream.linear.gather [hbm4b:s26+s5], $0x80, $0x38;
	[tilespmem:$0x1C480] =	vst v63  }
0x2f: {  	s26 =	rddreg [dreg:$0xd]  }
0x30: {  	[tilespmem:s23], [sflag:$0xA] =	stream.linear.gather [hbm4b:s26+s5], $0x80, $0x38;
	[tilespmem:$0x1C480] =	vst v63  }
0x31: {  	s25 =	rddreg [dreg:$0xe]  }
0x32: {  	[tilespmem:s4], [sflag:$0xA] =	stream.linear.gather [hbm4b:s25+s5], $0x80, $0x38;
	[tilespmem:$0x1C480] =	vst v63  }
0x33: {  	s26 =	rddreg [dreg:$0xf]  }
0x34: {  	[tilespmem:s6], [sflag:$0xA] =	stream.linear.gather [hbm4b:s26+s5], $0x80, $0x38;
	[tilespmem:$0x1C480] =	vst v63  }
0x35: {  	s25 =	rddreg [dreg:$0x10]  }
0x36: {  	[tilespmem:s7], [sflag:$0xA] =	stream.linear.gather [hbm4b:s25+s5], $0x80, $0x38;
	[tilespmem:$0x1C480] =	vst v63  }
0x37: {  	_ =	swait.ge [sflag:s8], $0x80  }
0x38: {  	[sflag:s8] =	ssyncset.done $0x0  }
0x39: {  	[sflag:s8] =	ssyncadd.s32 $0xFFFFFF80  }
0x3a: {  	_ =	swait.ge [sflag:s8], $0x80  }
0x3b: {  	[sflag:s8] =	ssyncset.done $0x0  }
0x3c: {  	[sflag:s8] =	ssyncadd.s32 $0xFFFFFF80  }
0x3d: {  	_ =	swait.ge [sflag:s8], $0x80  }
0x3e: {  	[sflag:s8] =	ssyncset.done $0x0  }
0x3f: {  	[sflag:s8] =	ssyncadd.s32 $0xFFFFFF80  }
0x40: {  	_ =	swait.ge [sflag:s8], $0x80  }
0x41: {  	[sflag:s8] =	ssyncset.done $0x0  }
0x42: {  	s26 =	simm.s32 $0x400;
	[sflag:s8] =	ssyncadd.s32 $0xFFFFFF80  }
0x43: {  	[tilespmem:s26], [sflag:$0x1] =	stream.indirect.gather [hbm4b:s0+s31], $0x80, s5, s31, $0xb8;
	[tilespmem:$0x1C480] =	vst v63  }
0x44: {  	s25 =	simm.s32 $0x8400  }
0x45: {  	[tilespmem:s25], [sflag:$0x3] =	stream.indirect.gather [hbm4b:s1+s31], $0x80, s30, s31, $0xb8;
	[tilespmem:$0x1C480] =	vst v63  }
0x46: {  	s26 =	simm.s32 $0x4400  }
0x47: {  	[tilespmem:s26], [sflag:$0x2] =	stream.indirect.gather [hbm4b:s0+s31], $0x80, s31, s31, $0xb8;
	[tilespmem:$0x1C480] =	vst v63  }
0x48: {  	s25 =	simm.s32 $0xC400  }
0x49: {  	[tilespmem:s25], [sflag:$0x4] =	stream.indirect.gather [hbm4b:s1+s31], $0x80, s19, s31, $0xb8;
	[tilespmem:$0x1C480] =	vst v63  }
0x4a: {  	_ =	swait.ge [sflag:s8], $0x80  }
0x4b: {  	[sflag:s8] =	ssyncset.done $0x0  }
0x4c: {  	[sflag:s8] =	ssyncadd.s32 $0xFFFFFF80  }
0x4d: {  	_ =	swait.ge [sflag:s8], $0x80  }
0x4e: {  	[sflag:s8] =	ssyncset.done $0x0  }
0x4f: {  	[sflag:s8] =	ssyncadd.s32 $0xFFFFFF80  }
0x50: {  	_ =	swait.ge [sflag:s8], $0x80  }
0x51: {  	[sflag:s8] =	ssyncset.done $0x0  }
0x52: {  	[sflag:s8] =	ssyncadd.s32 $0xFFFFFF80  }
0x53: {  	_ =	swait.ge [sflag:s8], $0x80  }
0x54: {  	[sflag:s8] =	ssyncset.done $0x0  }
0x55: {  	[sflag:s8] =	ssyncadd.s32 $0xFFFFFF80  }
0x56: {  	_ =	swait.ge [sflag:s8], $0x80  }
0x57: {  	[sflag:s8] =	ssyncset.done $0x0  }
0x58: {  	[sflag:s8] =	ssyncadd.s32 $0xFFFFFF80  }
0x59: {  	v3 =	vld [tilespmem:$0x1C400]  }
0x5a: {  	v4 =	vld [tilespmem:$0x1C410]  }
0x5b: {  	v6 =	vld [tilespmem:$0x1C420]  }
0x5c: {  	v7 =	vld [tilespmem:$0x1C430]  }
0x5d: {  	v5 =	vld [tilespmem:$0x1C440]  }
0x5e: {  	v2 =	vld [tilespmem:$0x1C450]  }
0x5f: {  	v1 =	vld [tilespmem:$0x1C460]  }
0x60: {  	v0 =	vld [tilespmem:$0x1C470];
	[tilespmem:s9], [sflag:$0x5] =	stream.indirect.gather [hbm4b:s2+s31], $0x80, s5, s31, $0xb8  }
0x61: {  	_ = 	snop  }
0x62: {  	[tilespmem:s13], [sflag:$0x6] =	stream.indirect.gather [hbm4b:s2+s31], $0x80, s31, s31, $0xb8;
	[tilespmem:$0x1C480] =	vst v63  }
0x63: {  	_ =	swait.ge [sflag:s10], $0x4000  }
0x64: {  	[sflag:s10] =	ssyncset.done $0x0  }
0x65: {  	s26 =	rddreg [dreg:$0x11];
	[sflag:s10] =	ssyncadd.s32 $0xFFFFC000  }
0x66: {  	[hbm4b:s26+s5] =	stream.linear.scatter [tilespmem:s9], [sflag:$0x8], $0x4000, $0x38;
	[tilespmem:$0x1C480] =	vst v63  }
0x67: {  	_ =	swait.ge [sflag:s11], $0x4000  }
0x68: {  	[sflag:s11] =	ssyncset.done $0x0  }
0x69: {  	[sflag:s11] =	ssyncadd.s32 $0xFFFFC000  }
0x6a: {  	_ =	swait.ge [sflag:s14], $0x4000  }
0x6b: {  	[sflag:s14] =	ssyncset.done $0x0  }
0x6c: {  	s24 =	simm.s32 $0x500;
	[sflag:s14] =	ssyncadd.s32 $0xFFFFC000  }
0x6d: {  	s26 =	simm.s32 $0x8500;
	v8 =	vld [tilespmem:s24+$0xFFFFFF00]  }
0x6e: {  	v9 =	vld [tilespmem:s26+$0xFFFFFF10]  }
0x6f: {  	v10 =	vld [tilespmem:s24+$0xFFFFFF10]  }
0x70: {  	v11 =	vld [tilespmem:s26+$0xFFFFFF00]  }
0x71: {  	v12 =	vld [tilespmem:s26+$0xFFFFFF20]  }
0x72: {  	v13 =	vld [tilespmem:s24+$0xFFFFFF20];
	_ =	sdelay $0x1  }
0x73: {  	v14 =	vld [tilespmem:s26+$0xFFFFFF30]  }
0x74: {  	v9 =	vmul.f32 v9, v10;
	v10 =	vld [tilespmem:s24+$0xFFFFFF30]  }
0x75: {  	v15 =	vld [tilespmem:s24+$0xFFFFFF40];
	v8 =	vmul.f32 v11, v8  }
0x76: {  	v11 =	vld [tilespmem:s26+$0xFFFFFF40];
	v12 =	vmul.f32 v12, v13  }
0x77: {  	v16 =	vld [tilespmem:s24+$0xFFFFFF50];
	v9 =	vmul.f32 v9, v4;
	v8 =	vmul.f32 v8, v3  }
0x78: {  	v13 =	vld [tilespmem:s26+$0xFFFFFF50]  }
0x79: {  	v8 =	vadd.f32 v9, v8;
	v9 =	vmul.f32 v12, v6;
	v12 =	vld [tilespmem:s26+$0xFFFFFF60];
	v10 =	vmul.f32 v14, v10  }
0x7a: {  	v14 =	vld [tilespmem:s24+$0xFFFFFF60]  }
0x7b: {  	v8 =	vadd.f32 v9, v8;
	v9 =	vmul.f32 v10, v7;
	v10 =	vmul.f32 v11, v15;
	v11 =	vld [tilespmem:s26+$0xFFFFFF70]  }
0x7c: {  	v15 =	vld [tilespmem:s24+$0xFFFFFF70]  }
0x7d: {  	v8 =	vadd.f32 v9, v8;
	v9 =	vmul.f32 v10, v5;
	v10 =	vmul.f32 v13, v16;
	_ =	sdelay $0x1  }
0x7e: {  	v8 =	vadd.f32 v9, v8;
	v9 =	vmul.f32 v10, v2;
	v10 =	vmul.f32 v12, v14;
	_ =	sdelay $0x1  }
0x7f: {  	v8 =	vadd.f32 v9, v8;
	v9 =	vmul.f32 v10, v1;
	v10 =	vmul.f32 v11, v15;
	_ =	sdelay $0x1  }
0x80: {  	v8 =	vadd.f32 v9, v8;
	v9 =	vmul.f32 v10, v0;
	_ =	sdelay $0x1  }
0x81: {  	v8 =	vadd.f32 v9, v8  }
0x82: {  	s25 =	simm.s32 $0x18500  }
0x83: {  	[tilespmem:s25+$0xFFFFFF00] =	vst v8  }
0x84: {  	v8 =	vld [tilespmem:s26+$0xFFFFFF80]  }
0x85: {  	v9 =	vld [tilespmem:s26+$0xFFFFFF90]  }
0x86: {  	v10 =	vld [tilespmem:s24+$0xFFFFFF90]  }
0x87: {  	v11 =	vld [tilespmem:s24+$0xFFFFFF80]  }
0x88: {  	v12 =	vld [tilespmem:s26+$0xFFFFFFA0]  }
0x89: {  	v13 =	vld [tilespmem:s24+$0xFFFFFFA0];
	_ =	sdelay $0x1  }
0x8a: {  	v14 =	vld [tilespmem:s26+$0xFFFFFFB0]  }
0x8b: {  	v9 =	vmul.f32 v9, v10;
	v10 =	vld [tilespmem:s24+$0xFFFFFFB0]  }
0x8c: {  	v15 =	vld [tilespmem:s24+$0xFFFFFFC0];
	v8 =	vmul.f32 v8, v11  }
0x8d: {  	v11 =	vld [tilespmem:s26+$0xFFFFFFC0];
	v12 =	vmul.f32 v12, v13  }
0x8e: {  	v16 =	vld [tilespmem:s24+$0xFFFFFFD0];
	v9 =	vmul.f32 v9, v4;
	v8 =	vmul.f32 v8, v3  }
0x8f: {  	v13 =	vld [tilespmem:s26+$0xFFFFFFD0]  }
0x90: {  	v17 =	vld [tilespmem:s24+$0xFFFFFFE0];
	v8 =	vadd.f32 v9, v8;
	v9 =	vmul.f32 v12, v6;
	v10 =	vmul.f32 v14, v10  }
0x91: {  	v12 =	vld [tilespmem:s26+$0xFFFFFFE0]  }
0x92: {  	v14 =	vld [tilespmem:s24+$0xFFFFFFF0];
	v8 =	vadd.f32 v9, v8;
	v9 =	vmul.f32 v10, v7;
	v10 =	vmul.f32 v11, v15  }
0x93: {  	v11 =	vld [tilespmem:s26+$0xFFFFFFF0]  }
0x94: {  	v8 =	vadd.f32 v9, v8;
	v9 =	vmul.f32 v10, v5;
	v10 =	vmul.f32 v13, v16;
	_ =	sdelay $0x1  }
0x95: {  	v8 =	vadd.f32 v9, v8;
	v9 =	vmul.f32 v10, v2;
	v10 =	vmul.f32 v12, v17;
	_ =	sdelay $0x1  }
0x96: {  	v8 =	vadd.f32 v9, v8;
	v9 =	vmul.f32 v10, v1;
	v10 =	vmul.f32 v11, v14;
	_ =	sdelay $0x1  }
0x97: {  	v8 =	vadd.f32 v9, v8;
	v9 =	vmul.f32 v10, v0;
	_ =	sdelay $0x1  }
0x98: {  	v8 =	vadd.f32 v9, v8;
	_ =	sdelay $0x1  }
0x99: {  	[tilespmem:s25+$0xFFFFFF80] =	vst v8  }
0x9a: {  	v8 =	vld [tilespmem:s24+$0x0]  }
0x9b: {  	v9 =	vld [tilespmem:s26+$0x0]  }
0x9c: {  	v10 =	vld [tilespmem:s26+$0x10]  }
0x9d: {  	v11 =	vld [tilespmem:s24+$0x10]  }
0x9e: {  	v12 =	vld [tilespmem:s26+$0x20]  }
0x9f: {  	v13 =	vld [tilespmem:s24+$0x20];
	_ =	sdelay $0x1  }
0xa0: {  	v14 =	vld [tilespmem:s26+$0x30]  }
0xa1: {  	v8 =	vmul.f32 v9, v8;
	v9 =	vld [tilespmem:s24+$0x30]  }
0xa2: {  	v15 =	vld [tilespmem:s24+$0x40];
	v10 =	vmul.f32 v10, v11  }
0xa3: {  	v11 =	vld [tilespmem:s26+$0x40];
	v12 =	vmul.f32 v12, v13  }
0xa4: {  	v16 =	vld [tilespmem:s24+$0x50];
	v8 =	vmul.f32 v8, v3;
	v10 =	vmul.f32 v10, v4  }
0xa5: {  	v13 =	vld [tilespmem:s26+$0x50]  }
0xa6: {  	v8 =	vadd.f32 v10, v8;
	v10 =	vmul.f32 v12, v6;
	v12 =	vld [tilespmem:s26+$0x60];
	v9 =	vmul.f32 v14, v9  }
0xa7: {  	v14 =	vld [tilespmem:s24+$0x60]  }
0xa8: {  	v8 =	vadd.f32 v10, v8;
	v10 =	vmul.f32 v11, v15;
	v11 =	vld [tilespmem:s26+$0x70];
	v9 =	vmul.f32 v9, v7  }
0xa9: {  	v15 =	vld [tilespmem:s24+$0x70]  }
0xaa: {  	v8 =	vadd.f32 v9, v8;
	v9 =	vmul.f32 v10, v5;
	v10 =	vmul.f32 v13, v16;
	_ =	sdelay $0x1  }
0xab: {  	v8 =	vadd.f32 v9, v8;
	v9 =	vmul.f32 v10, v2;
	v10 =	vmul.f32 v12, v14;
	_ =	sdelay $0x1  }
0xac: {  	v8 =	vadd.f32 v9, v8;
	v9 =	vmul.f32 v10, v1;
	v10 =	vmul.f32 v11, v15;
	_ =	sdelay $0x1  }
0xad: {  	v8 =	vadd.f32 v9, v8;
	v9 =	vmul.f32 v10, v0;
	_ =	sdelay $0x1  }
0xae: {  	v8 =	vadd.f32 v9, v8;
	_ =	sdelay $0x1  }
0xaf: {  	[tilespmem:s25+$0x0] =	vst v8  }
0xb0: {  	v10 =	vld [tilespmem:s24+$0xA0]  }
0xb1: {  	v8 =	vld [tilespmem:s24+$0x80]  }
0xb2: {  	v9 =	vld [tilespmem:s26+$0x90]  }
0xb3: {  	v11 =	vld [tilespmem:s26+$0xA0]  }
0xb4: {  	v12 =	vld [tilespmem:s26+$0x80]  }
0xb5: {  	v13 =	vld [tilespmem:s24+$0x90]  }
0xb6: {  	v14 =	vld [tilespmem:s24+$0xB0]  }
0xb7: {  	v15 =	vld [tilespmem:s26+$0xB0]  }
0xb8: {  	v16 =	vld [tilespmem:s24+$0xC0]  }
0xb9: {  	v18 =	vld [tilespmem:s26+$0xC0]  }
0xba: {  	v12 =	vmul.f32 v12, v8;
	v8 =	vld [tilespmem:s24+$0xD0];
	v13 =	vmul.f32 v9, v13  }
0xbb: {  	v9 =	vld [tilespmem:s26+$0xD0];
	v11 =	vmul.f32 v11, v10  }
0xbc: {  	v10 =	vld [tilespmem:s24+$0xE0];
	v17 =	vmul.f32 v12, v3;
	v13 =	vmul.f32 v13, v4  }
0xbd: {  	v15 =	vmul.f32 v15, v14;
	v12 =	vld [tilespmem:s26+$0xE0]  }
0xbe: {  	v14 =	vmul.f32 v11, v6;
	v11 =	vld [tilespmem:s24+$0xF0];
	v17 =	vadd.f32 v13, v17  }
0xbf: {  	s28 =	simm.s32 $0x0;
	s29 =	simm.s32 $0x8700;
	v16 =	vmul.f32 v18, v16;
	v15 =	vmul.f32 v15, v7;
	v13 =	vld [tilespmem:s26+$0xF0];
	s26 =	simm.s32 $0x18500  }
.LBB2_2:
0xc0: {  	s28 =	sadd.s32 $0x4, s28;
	v14 =	vadd.f32 v14, v17;
	s25 =	sadd.s32 $0x200, s25;
	s24 =	sadd.s32 $0x200, s24  }
0xc1: {  	v16 =	vmul.f32 v16, v5;
	v8 =	vmul.f32 v9, v8;
	p0 =	slt.u32 s28, $0x7C  }
0xc2: {  	v9 =	vadd.f32 v15, v14;
	v10 =	vmul.f32 v12, v10  }
0xc3: {  	v8 =	vmul.f32 v8, v2  }
0xc4: {  	v9 =	vadd.f32 v16, v9;
	v11 =	vmul.f32 v13, v11  }
0xc5: {  	v10 =	vmul.f32 v10, v1  }
0xc6: {  	v8 =	vadd.f32 v8, v9  }
0xc7: {  	v9 =	vmul.f32 v11, v0  }
0xc8: {  	v8 =	vadd.f32 v10, v8;
	_ =	sdelay $0x1  }
0xc9: {  	v8 =	vadd.f32 v9, v8;
	_ =	sdelay $0x1  }
0xca: {  	[tilespmem:s26+$0x80] =	vst v8;
	s26 =	smov.u32 s25;
	_ =	sdelay $0x2  }
0xcb: {  	v8 =	vld [tilespmem:s24+$0xFFFFFF00]  }
0xcc: {  	v9 =	vld [tilespmem:s29+$0xFFFFFF10]  }
0xcd: {  	v10 =	vld [tilespmem:s24+$0xFFFFFF10]  }
0xce: {  	v11 =	vld [tilespmem:s29+$0xFFFFFF00]  }
0xcf: {  	v12 =	vld [tilespmem:s29+$0xFFFFFF20]  }
0xd0: {  	v13 =	vld [tilespmem:s24+$0xFFFFFF20]  }
0xd1: {  	v14 =	vld [tilespmem:s29+$0xFFFFFF30]  }
0xd2: {  	v9 =	vmul.f32 v9, v10;
	v10 =	vld [tilespmem:s24+$0xFFFFFF30]  }
0xd3: {  	v8 =	vmul.f32 v11, v8;
	v11 =	vld [tilespmem:s29+$0xFFFFFF40]  }
0xd4: {  	v9 =	vmul.f32 v9, v4;
	v15 =	vld [tilespmem:s24+$0xFFFFFF40]  }
0xd5: {  	v8 =	vmul.f32 v8, v3;
	v12 =	vmul.f32 v12, v13;
	v13 =	vld [tilespmem:s29+$0xFFFFFF50]  }
0xd6: {  	v16 =	vld [tilespmem:s24+$0xFFFFFF50]  }
0xd7: {  	v8 =	vadd.f32 v9, v8;
	v9 =	vmul.f32 v12, v6;
	v10 =	vmul.f32 v14, v10;
	v12 =	vld [tilespmem:s29+$0xFFFFFF60]  }
0xd8: {  	v14 =	vld [tilespmem:s24+$0xFFFFFF60]  }
0xd9: {  	v8 =	vadd.f32 v9, v8;
	v9 =	vmul.f32 v10, v7;
	v10 =	vmul.f32 v11, v15;
	v11 =	vld [tilespmem:s29+$0xFFFFFF70]  }
0xda: {  	v15 =	vld [tilespmem:s24+$0xFFFFFF70]  }
0xdb: {  	v8 =	vadd.f32 v9, v8;
	v9 =	vmul.f32 v10, v5;
	v10 =	vmul.f32 v13, v16;
	_ =	sdelay $0x1  }
0xdc: {  	v8 =	vadd.f32 v9, v8;
	v9 =	vmul.f32 v10, v2;
	v10 =	vmul.f32 v12, v14;
	_ =	sdelay $0x1  }
0xdd: {  	v8 =	vadd.f32 v9, v8;
	v9 =	vmul.f32 v10, v1;
	v10 =	vmul.f32 v11, v15;
	_ =	sdelay $0x1  }
0xde: {  	v8 =	vadd.f32 v9, v8;
	v9 =	vmul.f32 v10, v0;
	_ =	sdelay $0x1  }
0xdf: {  	v8 =	vadd.f32 v9, v8;
	_ =	sdelay $0x1  }
0xe0: {  	[tilespmem:s25+$0xFFFFFF00] =	vst v8  }
0xe1: {  	v8 =	vld [tilespmem:s24+$0xFFFFFFE0]  }
0xe2: {  	v9 =	vld [tilespmem:s29+$0xFFFFFF80]  }
0xe3: {  	v10 =	vld [tilespmem:s29+$0xFFFFFF90]  }
0xe4: {  	v11 =	vld [tilespmem:s24+$0xFFFFFF90]  }
0xe5: {  	v12 =	vld [tilespmem:s24+$0xFFFFFF80]  }
0xe6: {  	v13 =	vld [tilespmem:s29+$0xFFFFFFA0]  }
0xe7: {  	v14 =	vld [tilespmem:s24+$0xFFFFFFA0]  }
0xe8: {  	v15 =	vld [tilespmem:s29+$0xFFFFFFB0]  }
0xe9: {  	v10 =	vmul.f32 v10, v11;
	v11 =	vld [tilespmem:s24+$0xFFFFFFB0]  }
0xea: {  	v9 =	vmul.f32 v9, v12;
	v12 =	vld [tilespmem:s29+$0xFFFFFFC0]  }
0xeb: {  	v10 =	vmul.f32 v10, v4;
	v16 =	vld [tilespmem:s24+$0xFFFFFFC0]  }
0xec: {  	v9 =	vmul.f32 v9, v3;
	v13 =	vmul.f32 v13, v14;
	v14 =	vld [tilespmem:s29+$0xFFFFFFD0]  }
0xed: {  	v17 =	vld [tilespmem:s24+$0xFFFFFFD0]  }
0xee: {  	v9 =	vadd.f32 v10, v9;
	v10 =	vmul.f32 v13, v6;
	v11 =	vmul.f32 v15, v11  }
0xef: {  	v13 =	vld [tilespmem:s29+$0xFFFFFFE0]  }
0xf0: {  	v9 =	vadd.f32 v10, v9;
	v10 =	vmul.f32 v11, v7;
	v11 =	vmul.f32 v12, v16;
	v12 =	vld [tilespmem:s29+$0xFFFFFFF0]  }
0xf1: {  	v15 =	vld [tilespmem:s24+$0xFFFFFFF0]  }
0xf2: {  	v9 =	vadd.f32 v10, v9;
	v10 =	vmul.f32 v11, v5;
	v11 =	vmul.f32 v14, v17;
	_ =	sdelay $0x1  }
0xf3: {  	v9 =	vadd.f32 v10, v9;
	v10 =	vmul.f32 v11, v2;
	v8 =	vmul.f32 v13, v8;
	_ =	sdelay $0x1  }
0xf4: {  	v9 =	vadd.f32 v10, v9;
	v8 =	vmul.f32 v8, v1;
	v10 =	vmul.f32 v12, v15;
	_ =	sdelay $0x1  }
0xf5: {  	v8 =	vadd.f32 v8, v9;
	v9 =	vmul.f32 v10, v0;
	_ =	sdelay $0x1  }
0xf6: {  	v8 =	vadd.f32 v9, v8;
	_ =	sdelay $0x1  }
0xf7: {  	[tilespmem:s25+$0xFFFFFF80] =	vst v8  }
0xf8: {  	v8 =	vld [tilespmem:s24+$0x0]  }
0xf9: {  	v9 =	vld [tilespmem:s29+$0x0]  }
0xfa: {  	v10 =	vld [tilespmem:s29+$0x10]  }
0xfb: {  	v11 =	vld [tilespmem:s24+$0x10]  }
0xfc: {  	v12 =	vld [tilespmem:s29+$0x20]  }
0xfd: {  	v13 =	vld [tilespmem:s24+$0x20]  }
0xfe: {  	v8 =	vmul.f32 v9, v8;
	v9 =	vld [tilespmem:s29+$0x30]  }
0xff: {  	v14 =	vld [tilespmem:s24+$0x30]  }
0x100: {  	v10 =	vmul.f32 v10, v11;
	v11 =	vld [tilespmem:s29+$0x40]  }
0x101: {  	v8 =	vmul.f32 v8, v3;
	v15 =	vld [tilespmem:s24+$0x40]  }
0x102: {  	v10 =	vmul.f32 v10, v4;
	v12 =	vmul.f32 v12, v13;
	v13 =	vld [tilespmem:s29+$0x50]  }
0x103: {  	v16 =	vld [tilespmem:s24+$0x50]  }
0x104: {  	v8 =	vadd.f32 v10, v8;
	v10 =	vmul.f32 v12, v6;
	v9 =	vmul.f32 v9, v14;
	v12 =	vld [tilespmem:s29+$0x60]  }
0x105: {  	v14 =	vld [tilespmem:s24+$0x60]  }
0x106: {  	v8 =	vadd.f32 v10, v8;
	v9 =	vmul.f32 v9, v7;
	v10 =	vmul.f32 v11, v15;
	v11 =	vld [tilespmem:s29+$0x70]  }
0x107: {  	v15 =	vld [tilespmem:s24+$0x70]  }
0x108: {  	v8 =	vadd.f32 v9, v8;
	v9 =	vmul.f32 v10, v5;
	v10 =	vmul.f32 v13, v16;
	_ =	sdelay $0x1  }
0x109: {  	v8 =	vadd.f32 v9, v8;
	v9 =	vmul.f32 v10, v2;
	v10 =	vmul.f32 v12, v14;
	_ =	sdelay $0x1  }
0x10a: {  	v8 =	vadd.f32 v9, v8;
	v9 =	vmul.f32 v10, v1;
	v10 =	vmul.f32 v11, v15;
	_ =	sdelay $0x1  }
0x10b: {  	v8 =	vadd.f32 v9, v8;
	v9 =	vmul.f32 v10, v0;
	_ =	sdelay $0x1  }
0x10c: {  	v8 =	vadd.f32 v9, v8;
	_ =	sdelay $0x1  }
0x10d: {  	[tilespmem:s25+$0x0] =	vst v8  }
0x10e: {  	v8 =	vld [tilespmem:s24+$0xA0]  }
0x10f: {  	v9 =	vld [tilespmem:s24+$0x80]  }
0x110: {  	v10 =	vld [tilespmem:s29+$0x90]  }
0x111: {  	v11 =	vld [tilespmem:s29+$0xA0]  }
0x112: {  	v12 =	vld [tilespmem:s29+$0x80]  }
0x113: {  	v13 =	vld [tilespmem:s24+$0x90]  }
0x114: {  	v15 =	vld [tilespmem:s24+$0xB0]  }
0x115: {  	v16 =	vld [tilespmem:s29+$0xB0]  }
0x116: {  	v18 =	vld [tilespmem:s24+$0xC0]  }
0x117: {  	v11 =	vmul.f32 v11, v8;
	v9 =	vmul.f32 v12, v9;
	v19 =	vld [tilespmem:s29+$0xC0]  }
0x118: {  	v10 =	vmul.f32 v10, v13;
	v8 =	vld [tilespmem:s24+$0xD0]  }
.Ltmp0:
0x119: {  	v14 =	vmul.f32 v11, v6;
	v13 =	vmul.f32 v9, v3;
	v9 =	vld [tilespmem:s29+$0xD0];
	(pc) =	sbr.rel @p0 .LBB2_2-.Ltmp0, $4  }
0x11a: {  	v11 =	vmul.f32 v10, v4;
	v15 =	vmul.f32 v16, v15;
	v10 =	vld [tilespmem:s24+$0xE0]  }
0x11b: {  	v12 =	vld [tilespmem:s29+$0xE0]  }
0x11c: {  	v17 =	vadd.f32 v11, v13;
	v16 =	vmul.f32 v19, v18;
	v11 =	vld [tilespmem:s24+$0xF0]  }
0x11d: {  	v15 =	vmul.f32 v15, v7;
	v13 =	vld [tilespmem:s29+$0xF0];
	s29 =	sadd.s32 $0x200, s29  }
0x11e: {  	v14 =	vadd.f32 v14, v17;
	_ =	sdelay $0x1  }
0x11f: {  	v16 =	vmul.f32 v16, v5;
	v8 =	vmul.f32 v9, v8;
	v9 =	vadd.f32 v15, v14;
	_ =	sdelay $0x1  }
0x120: {  	v10 =	vmul.f32 v12, v10;
	v8 =	vmul.f32 v8, v2;
	v9 =	vadd.f32 v16, v9;
	_ =	sdelay $0x1  }
0x121: {  	v11 =	vmul.f32 v13, v11;
	v10 =	vmul.f32 v10, v1;
	v8 =	vadd.f32 v8, v9;
	_ =	sdelay $0x1  }
0x122: {  	v9 =	vmul.f32 v11, v0;
	v8 =	vadd.f32 v10, v8;
	_ =	sdelay $0x1  }
0x123: {  	v8 =	vadd.f32 v9, v8;
	_ =	sdelay $0x1  }
0x124: {  	s24 =	rddreg [dreg:$0x12];
	[tilespmem:s26+$0x80] =	vst v8  }
0x125: {  	[hbm4b:s24+s5] =	stream.linear.scatter [tilespmem:s12], [sflag:$0x7], $0x4000, $0x38;
	[tilespmem:$0x1C480] =	vst v63  }
0x126: {  	s25 =	simm.s32 $0x400  }
0x127: {  	[tilespmem:s25], [sflag:$0x1] =	stream.indirect.gather [hbm4b:s0+s31], $0x80, s23, s31, $0xb8;
	[tilespmem:$0x1C480] =	vst v63  }
0x128: {  	s26 =	simm.s32 $0x8400  }
0x129: {  	[tilespmem:s26], [sflag:$0x3] =	stream.indirect.gather [hbm4b:s1+s31], $0x80, s4, s31, $0xb8;
	[tilespmem:$0x1C480] =	vst v63  }
0x12a: {  	_ =	swait.ge [sflag:s15], $0x4000  }
0x12b: {  	[sflag:s15] =	ssyncset.done $0x0  }
0x12c: {  	[sflag:s15] =	ssyncadd.s32 $0xFFFFC000  }
0x12d: {  	[tilespmem:s9], [sflag:$0x5] =	stream.indirect.gather [hbm4b:s2+s31], $0x80, s23, s31, $0xb8;
	[tilespmem:$0x1C480] =	vst v63  }
0x12e: {  	_ =	swait.ge [sflag:s16], $0x4000  }
0x12f: {  	[sflag:s16] =	ssyncset.done $0x0  }
0x130: {  	s25 =	rddreg [dreg:$0x13];
	[sflag:s16] =	ssyncadd.s32 $0xFFFFC000  }
0x131: {  	[hbm4b:s25+s5] =	stream.linear.scatter [tilespmem:s13], [sflag:$0x9], $0x4000, $0x38;
	[tilespmem:$0x1C480] =	vst v63  }
0x132: {  	_ =	swait.ge [sflag:s17], $0x4000  }
0x133: {  	[sflag:s17] =	ssyncset.done $0x0  }
0x134: {  	[sflag:s17] =	ssyncadd.s32 $0xFFFFC000  }
0x135: {  	[tilespmem:s13], [sflag:$0x6] =	stream.indirect.gather [hbm4b:s2+s31], $0x80, s6, s31, $0xb8;
	[tilespmem:$0x1C480] =	vst v63  }
0x136: {  	_ =	swait.ge [sflag:s10], $0x4000  }
0x137: {  	[sflag:s10] =	ssyncset.done $0x0  }
0x138: {  	s26 =	rddreg [dreg:$0x14];
	[sflag:s10] =	ssyncadd.s32 $0xFFFFC000  }
0x139: {  	[hbm4b:s26+s5] =	stream.linear.scatter [tilespmem:s9], [sflag:$0x8], $0x4000, $0x38;
	[tilespmem:$0x1C480] =	vst v63  }
0x13a: {  	_ =	swait.ge [sflag:s18], $0x4000  }
0x13b: {  	[sflag:s18] =	ssyncset.done $0x0  }
0x13c: {  	[sflag:s18] =	ssyncadd.s32 $0xFFFFC000  }
0x13d: {  	_ =	swait.ge [sflag:s20], $0x4000  }
0x13e: {  	[sflag:s20] =	ssyncset.done $0x0  }
0x13f: {  	[sflag:s20] =	ssyncadd.s32 $0xFFFFC000  }
0x140: {  	_ =	swait.ge [sflag:s21], $0x4000  }
0x141: {  	[sflag:s21] =	ssyncset.done $0x0  }
0x142: {  	s24 =	simm.s32 $0x4500;
	[sflag:s21] =	ssyncadd.s32 $0xFFFFC000  }
0x143: {  	s26 =	simm.s32 $0xC500;
	v8 =	vld [tilespmem:s24+$0xFFFFFF00]  }
0x144: {  	v9 =	vld [tilespmem:s26+$0xFFFFFF10]  }
0x145: {  	v10 =	vld [tilespmem:s24+$0xFFFFFF10]  }
0x146: {  	v11 =	vld [tilespmem:s26+$0xFFFFFF00]  }
0x147: {  	v12 =	vld [tilespmem:s26+$0xFFFFFF20]  }
0x148: {  	v13 =	vld [tilespmem:s24+$0xFFFFFF20];
	_ =	sdelay $0x1  }
0x149: {  	v14 =	vld [tilespmem:s26+$0xFFFFFF30]  }
0x14a: {  	v9 =	vmul.f32 v9, v10;
	v10 =	vld [tilespmem:s24+$0xFFFFFF30]  }
0x14b: {  	v15 =	vld [tilespmem:s24+$0xFFFFFF40];
	v8 =	vmul.f32 v11, v8  }
0x14c: {  	v11 =	vld [tilespmem:s26+$0xFFFFFF40];
	v12 =	vmul.f32 v12, v13  }
0x14d: {  	v16 =	vld [tilespmem:s24+$0xFFFFFF50];
	v9 =	vmul.f32 v9, v4;
	v8 =	vmul.f32 v8, v3  }
0x14e: {  	v13 =	vld [tilespmem:s26+$0xFFFFFF50]  }
0x14f: {  	v8 =	vadd.f32 v9, v8;
	v9 =	vmul.f32 v12, v6;
	v12 =	vld [tilespmem:s26+$0xFFFFFF60];
	v10 =	vmul.f32 v14, v10  }
0x150: {  	v14 =	vld [tilespmem:s24+$0xFFFFFF60]  }
0x151: {  	v8 =	vadd.f32 v9, v8;
	v9 =	vmul.f32 v10, v7;
	v10 =	vmul.f32 v11, v15;
	v11 =	vld [tilespmem:s26+$0xFFFFFF70]  }
0x152: {  	v15 =	vld [tilespmem:s24+$0xFFFFFF70]  }
0x153: {  	v8 =	vadd.f32 v9, v8;
	v9 =	vmul.f32 v10, v5;
	v10 =	vmul.f32 v13, v16;
	_ =	sdelay $0x1  }
0x154: {  	v8 =	vadd.f32 v9, v8;
	v9 =	vmul.f32 v10, v2;
	v10 =	vmul.f32 v12, v14;
	_ =	sdelay $0x1  }
0x155: {  	v8 =	vadd.f32 v9, v8;
	v9 =	vmul.f32 v10, v1;
	v10 =	vmul.f32 v11, v15;
	_ =	sdelay $0x1  }
0x156: {  	v8 =	vadd.f32 v9, v8;
	v9 =	vmul.f32 v10, v0;
	_ =	sdelay $0x1  }
0x157: {  	v8 =	vadd.f32 v9, v8  }
0x158: {  	s25 =	simm.s32 $0x18500  }
0x159: {  	[tilespmem:s25+$0xFFFFFF00] =	vst v8  }
0x15a: {  	v8 =	vld [tilespmem:s26+$0xFFFFFF80]  }
0x15b: {  	v9 =	vld [tilespmem:s26+$0xFFFFFF90]  }
0x15c: {  	v10 =	vld [tilespmem:s24+$0xFFFFFF90]  }
0x15d: {  	v11 =	vld [tilespmem:s24+$0xFFFFFF80]  }
0x15e: {  	v12 =	vld [tilespmem:s26+$0xFFFFFFA0]  }
0x15f: {  	v13 =	vld [tilespmem:s24+$0xFFFFFFA0];
	_ =	sdelay $0x1  }
0x160: {  	v14 =	vld [tilespmem:s26+$0xFFFFFFB0]  }
0x161: {  	v9 =	vmul.f32 v9, v10;
	v10 =	vld [tilespmem:s24+$0xFFFFFFB0]  }
0x162: {  	v15 =	vld [tilespmem:s24+$0xFFFFFFC0];
	v8 =	vmul.f32 v8, v11  }
0x163: {  	v11 =	vld [tilespmem:s26+$0xFFFFFFC0];
	v12 =	vmul.f32 v12, v13  }
0x164: {  	v16 =	vld [tilespmem:s24+$0xFFFFFFD0];
	v9 =	vmul.f32 v9, v4;
	v8 =	vmul.f32 v8, v3  }
0x165: {  	v13 =	vld [tilespmem:s26+$0xFFFFFFD0]  }
0x166: {  	v17 =	vld [tilespmem:s24+$0xFFFFFFE0];
	v8 =	vadd.f32 v9, v8;
	v9 =	vmul.f32 v12, v6;
	v10 =	vmul.f32 v14, v10  }
0x167: {  	v12 =	vld [tilespmem:s26+$0xFFFFFFE0]  }
0x168: {  	v14 =	vld [tilespmem:s24+$0xFFFFFFF0];
	v8 =	vadd.f32 v9, v8;
	v9 =	vmul.f32 v10, v7;
	v10 =	vmul.f32 v11, v15  }
0x169: {  	v11 =	vld [tilespmem:s26+$0xFFFFFFF0]  }
0x16a: {  	v8 =	vadd.f32 v9, v8;
	v9 =	vmul.f32 v10, v5;
	v10 =	vmul.f32 v13, v16;
	_ =	sdelay $0x1  }
0x16b: {  	v8 =	vadd.f32 v9, v8;
	v9 =	vmul.f32 v10, v2;
	v10 =	vmul.f32 v12, v17;
	_ =	sdelay $0x1  }
0x16c: {  	v8 =	vadd.f32 v9, v8;
	v9 =	vmul.f32 v10, v1;
	v10 =	vmul.f32 v11, v14;
	_ =	sdelay $0x1  }
0x16d: {  	v8 =	vadd.f32 v9, v8;
	v9 =	vmul.f32 v10, v0;
	_ =	sdelay $0x1  }
0x16e: {  	v8 =	vadd.f32 v9, v8;
	_ =	sdelay $0x1  }
0x16f: {  	[tilespmem:s25+$0xFFFFFF80] =	vst v8  }
0x170: {  	v8 =	vld [tilespmem:s24+$0x0]  }
0x171: {  	v9 =	vld [tilespmem:s26+$0x0]  }
0x172: {  	v10 =	vld [tilespmem:s26+$0x10]  }
0x173: {  	v11 =	vld [tilespmem:s24+$0x10]  }
0x174: {  	v12 =	vld [tilespmem:s26+$0x20]  }
0x175: {  	v13 =	vld [tilespmem:s24+$0x20];
	_ =	sdelay $0x1  }
0x176: {  	v14 =	vld [tilespmem:s26+$0x30]  }
0x177: {  	v8 =	vmul.f32 v9, v8;
	v9 =	vld [tilespmem:s24+$0x30]  }
0x178: {  	v15 =	vld [tilespmem:s24+$0x40];
	v10 =	vmul.f32 v10, v11  }
0x179: {  	v11 =	vld [tilespmem:s26+$0x40];
	v12 =	vmul.f32 v12, v13  }
0x17a: {  	v16 =	vld [tilespmem:s24+$0x50];
	v8 =	vmul.f32 v8, v3;
	v10 =	vmul.f32 v10, v4  }
0x17b: {  	v13 =	vld [tilespmem:s26+$0x50]  }
0x17c: {  	v8 =	vadd.f32 v10, v8;
	v10 =	vmul.f32 v12, v6;
	v12 =	vld [tilespmem:s26+$0x60];
	v9 =	vmul.f32 v14, v9  }
0x17d: {  	v14 =	vld [tilespmem:s24+$0x60]  }
0x17e: {  	v8 =	vadd.f32 v10, v8;
	v10 =	vmul.f32 v11, v15;
	v11 =	vld [tilespmem:s26+$0x70];
	v9 =	vmul.f32 v9, v7  }
0x17f: {  	v15 =	vld [tilespmem:s24+$0x70]  }
0x180: {  	v8 =	vadd.f32 v9, v8;
	v9 =	vmul.f32 v10, v5;
	v10 =	vmul.f32 v13, v16;
	_ =	sdelay $0x1  }
0x181: {  	v8 =	vadd.f32 v9, v8;
	v9 =	vmul.f32 v10, v2;
	v10 =	vmul.f32 v12, v14;
	_ =	sdelay $0x1  }
0x182: {  	v8 =	vadd.f32 v9, v8;
	v9 =	vmul.f32 v10, v1;
	v10 =	vmul.f32 v11, v15;
	_ =	sdelay $0x1  }
0x183: {  	v8 =	vadd.f32 v9, v8;
	v9 =	vmul.f32 v10, v0;
	_ =	sdelay $0x1  }
0x184: {  	v8 =	vadd.f32 v9, v8;
	_ =	sdelay $0x1  }
0x185: {  	[tilespmem:s25+$0x0] =	vst v8  }
0x186: {  	v10 =	vld [tilespmem:s24+$0xA0]  }
0x187: {  	v8 =	vld [tilespmem:s24+$0x80]  }
0x188: {  	v9 =	vld [tilespmem:s26+$0x90]  }
0x189: {  	v11 =	vld [tilespmem:s26+$0xA0]  }
0x18a: {  	v12 =	vld [tilespmem:s26+$0x80]  }
0x18b: {  	v13 =	vld [tilespmem:s24+$0x90]  }
0x18c: {  	v14 =	vld [tilespmem:s24+$0xB0]  }
0x18d: {  	v15 =	vld [tilespmem:s26+$0xB0]  }
0x18e: {  	v16 =	vld [tilespmem:s24+$0xC0]  }
0x18f: {  	v18 =	vld [tilespmem:s26+$0xC0]  }
0x190: {  	v12 =	vmul.f32 v12, v8;
	v8 =	vld [tilespmem:s24+$0xD0];
	v13 =	vmul.f32 v9, v13  }
0x191: {  	v9 =	vld [tilespmem:s26+$0xD0];
	v11 =	vmul.f32 v11, v10  }
0x192: {  	v10 =	vld [tilespmem:s24+$0xE0];
	v17 =	vmul.f32 v12, v3;
	v13 =	vmul.f32 v13, v4  }
0x193: {  	v15 =	vmul.f32 v15, v14;
	v12 =	vld [tilespmem:s26+$0xE0]  }
0x194: {  	v14 =	vmul.f32 v11, v6;
	v11 =	vld [tilespmem:s24+$0xF0];
	v17 =	vadd.f32 v13, v17  }
0x195: {  	s28 =	simm.s32 $0x0;
	s29 =	simm.s32 $0xC700;
	v16 =	vmul.f32 v18, v16;
	v15 =	vmul.f32 v15, v7;
	v13 =	vld [tilespmem:s26+$0xF0];
	s26 =	simm.s32 $0x18500  }
.LBB2_4:
0x196: {  	s28 =	sadd.s32 $0x4, s28;
	v14 =	vadd.f32 v14, v17;
	s25 =	sadd.s32 $0x200, s25;
	s24 =	sadd.s32 $0x200, s24  }
0x197: {  	v16 =	vmul.f32 v16, v5;
	v8 =	vmul.f32 v9, v8;
	p0 =	slt.u32 s28, $0x7C  }
0x198: {  	v9 =	vadd.f32 v15, v14;
	v10 =	vmul.f32 v12, v10  }
0x199: {  	v8 =	vmul.f32 v8, v2  }
0x19a: {  	v9 =	vadd.f32 v16, v9;
	v11 =	vmul.f32 v13, v11  }
0x19b: {  	v10 =	vmul.f32 v10, v1  }
0x19c: {  	v8 =	vadd.f32 v8, v9  }
0x19d: {  	v9 =	vmul.f32 v11, v0  }
0x19e: {  	v8 =	vadd.f32 v10, v8;
	_ =	sdelay $0x1  }
0x19f: {  	v8 =	vadd.f32 v9, v8;
	_ =	sdelay $0x1  }
0x1a0: {  	[tilespmem:s26+$0x80] =	vst v8;
	s26 =	smov.u32 s25;
	_ =	sdelay $0x2  }
0x1a1: {  	v8 =	vld [tilespmem:s24+$0xFFFFFF00]  }
0x1a2: {  	v9 =	vld [tilespmem:s29+$0xFFFFFF10]  }
0x1a3: {  	v10 =	vld [tilespmem:s24+$0xFFFFFF10]  }
0x1a4: {  	v11 =	vld [tilespmem:s29+$0xFFFFFF00]  }
0x1a5: {  	v12 =	vld [tilespmem:s29+$0xFFFFFF20]  }
0x1a6: {  	v13 =	vld [tilespmem:s24+$0xFFFFFF20]  }
0x1a7: {  	v14 =	vld [tilespmem:s29+$0xFFFFFF30]  }
0x1a8: {  	v9 =	vmul.f32 v9, v10;
	v10 =	vld [tilespmem:s24+$0xFFFFFF30]  }
0x1a9: {  	v8 =	vmul.f32 v11, v8;
	v11 =	vld [tilespmem:s29+$0xFFFFFF40]  }
0x1aa: {  	v9 =	vmul.f32 v9, v4;
	v15 =	vld [tilespmem:s24+$0xFFFFFF40]  }
0x1ab: {  	v8 =	vmul.f32 v8, v3;
	v12 =	vmul.f32 v12, v13;
	v13 =	vld [tilespmem:s29+$0xFFFFFF50]  }
0x1ac: {  	v16 =	vld [tilespmem:s24+$0xFFFFFF50]  }
0x1ad: {  	v8 =	vadd.f32 v9, v8;
	v9 =	vmul.f32 v12, v6;
	v10 =	vmul.f32 v14, v10;
	v12 =	vld [tilespmem:s29+$0xFFFFFF60]  }
0x1ae: {  	v14 =	vld [tilespmem:s24+$0xFFFFFF60]  }
0x1af: {  	v8 =	vadd.f32 v9, v8;
	v9 =	vmul.f32 v10, v7;
	v10 =	vmul.f32 v11, v15;
	v11 =	vld [tilespmem:s29+$0xFFFFFF70]  }
0x1b0: {  	v15 =	vld [tilespmem:s24+$0xFFFFFF70]  }
0x1b1: {  	v8 =	vadd.f32 v9, v8;
	v9 =	vmul.f32 v10, v5;
	v10 =	vmul.f32 v13, v16;
	_ =	sdelay $0x1  }
0x1b2: {  	v8 =	vadd.f32 v9, v8;
	v9 =	vmul.f32 v10, v2;
	v10 =	vmul.f32 v12, v14;
	_ =	sdelay $0x1  }
0x1b3: {  	v8 =	vadd.f32 v9, v8;
	v9 =	vmul.f32 v10, v1;
	v10 =	vmul.f32 v11, v15;
	_ =	sdelay $0x1  }
0x1b4: {  	v8 =	vadd.f32 v9, v8;
	v9 =	vmul.f32 v10, v0;
	_ =	sdelay $0x1  }
0x1b5: {  	v8 =	vadd.f32 v9, v8;
	_ =	sdelay $0x1  }
0x1b6: {  	[tilespmem:s25+$0xFFFFFF00] =	vst v8  }
0x1b7: {  	v8 =	vld [tilespmem:s24+$0xFFFFFFE0]  }
0x1b8: {  	v9 =	vld [tilespmem:s29+$0xFFFFFF80]  }
0x1b9: {  	v10 =	vld [tilespmem:s29+$0xFFFFFF90]  }
0x1ba: {  	v11 =	vld [tilespmem:s24+$0xFFFFFF90]  }
0x1bb: {  	v12 =	vld [tilespmem:s24+$0xFFFFFF80]  }
0x1bc: {  	v13 =	vld [tilespmem:s29+$0xFFFFFFA0]  }
0x1bd: {  	v14 =	vld [tilespmem:s24+$0xFFFFFFA0]  }
0x1be: {  	v15 =	vld [tilespmem:s29+$0xFFFFFFB0]  }
0x1bf: {  	v10 =	vmul.f32 v10, v11;
	v11 =	vld [tilespmem:s24+$0xFFFFFFB0]  }
0x1c0: {  	v9 =	vmul.f32 v9, v12;
	v12 =	vld [tilespmem:s29+$0xFFFFFFC0]  }
0x1c1: {  	v10 =	vmul.f32 v10, v4;
	v16 =	vld [tilespmem:s24+$0xFFFFFFC0]  }
0x1c2: {  	v9 =	vmul.f32 v9, v3;
	v13 =	vmul.f32 v13, v14;
	v14 =	vld [tilespmem:s29+$0xFFFFFFD0]  }
0x1c3: {  	v17 =	vld [tilespmem:s24+$0xFFFFFFD0]  }
0x1c4: {  	v9 =	vadd.f32 v10, v9;
	v10 =	vmul.f32 v13, v6;
	v11 =	vmul.f32 v15, v11  }
0x1c5: {  	v13 =	vld [tilespmem:s29+$0xFFFFFFE0]  }
0x1c6: {  	v9 =	vadd.f32 v10, v9;
	v10 =	vmul.f32 v11, v7;
	v11 =	vmul.f32 v12, v16;
	v12 =	vld [tilespmem:s29+$0xFFFFFFF0]  }
0x1c7: {  	v15 =	vld [tilespmem:s24+$0xFFFFFFF0]  }
0x1c8: {  	v9 =	vadd.f32 v10, v9;
	v10 =	vmul.f32 v11, v5;
	v11 =	vmul.f32 v14, v17;
	_ =	sdelay $0x1  }
0x1c9: {  	v9 =	vadd.f32 v10, v9;
	v10 =	vmul.f32 v11, v2;
	v8 =	vmul.f32 v13, v8;
	_ =	sdelay $0x1  }
0x1ca: {  	v9 =	vadd.f32 v10, v9;
	v8 =	vmul.f32 v8, v1;
	v10 =	vmul.f32 v12, v15;
	_ =	sdelay $0x1  }
0x1cb: {  	v8 =	vadd.f32 v8, v9;
	v9 =	vmul.f32 v10, v0;
	_ =	sdelay $0x1  }
0x1cc: {  	v8 =	vadd.f32 v9, v8;
	_ =	sdelay $0x1  }
0x1cd: {  	[tilespmem:s25+$0xFFFFFF80] =	vst v8  }
0x1ce: {  	v8 =	vld [tilespmem:s24+$0x0]  }
0x1cf: {  	v9 =	vld [tilespmem:s29+$0x0]  }
0x1d0: {  	v10 =	vld [tilespmem:s29+$0x10]  }
0x1d1: {  	v11 =	vld [tilespmem:s24+$0x10]  }
0x1d2: {  	v12 =	vld [tilespmem:s29+$0x20]  }
0x1d3: {  	v13 =	vld [tilespmem:s24+$0x20]  }
0x1d4: {  	v8 =	vmul.f32 v9, v8;
	v9 =	vld [tilespmem:s29+$0x30]  }
0x1d5: {  	v14 =	vld [tilespmem:s24+$0x30]  }
0x1d6: {  	v10 =	vmul.f32 v10, v11;
	v11 =	vld [tilespmem:s29+$0x40]  }
0x1d7: {  	v8 =	vmul.f32 v8, v3;
	v15 =	vld [tilespmem:s24+$0x40]  }
0x1d8: {  	v10 =	vmul.f32 v10, v4;
	v12 =	vmul.f32 v12, v13;
	v13 =	vld [tilespmem:s29+$0x50]  }
0x1d9: {  	v16 =	vld [tilespmem:s24+$0x50]  }
0x1da: {  	v8 =	vadd.f32 v10, v8;
	v10 =	vmul.f32 v12, v6;
	v9 =	vmul.f32 v9, v14;
	v12 =	vld [tilespmem:s29+$0x60]  }
0x1db: {  	v14 =	vld [tilespmem:s24+$0x60]  }
0x1dc: {  	v8 =	vadd.f32 v10, v8;
	v9 =	vmul.f32 v9, v7;
	v10 =	vmul.f32 v11, v15;
	v11 =	vld [tilespmem:s29+$0x70]  }
0x1dd: {  	v15 =	vld [tilespmem:s24+$0x70]  }
0x1de: {  	v8 =	vadd.f32 v9, v8;
	v9 =	vmul.f32 v10, v5;
	v10 =	vmul.f32 v13, v16;
	_ =	sdelay $0x1  }
0x1df: {  	v8 =	vadd.f32 v9, v8;
	v9 =	vmul.f32 v10, v2;
	v10 =	vmul.f32 v12, v14;
	_ =	sdelay $0x1  }
0x1e0: {  	v8 =	vadd.f32 v9, v8;
	v9 =	vmul.f32 v10, v1;
	v10 =	vmul.f32 v11, v15;
	_ =	sdelay $0x1  }
0x1e1: {  	v8 =	vadd.f32 v9, v8;
	v9 =	vmul.f32 v10, v0;
	_ =	sdelay $0x1  }
0x1e2: {  	v8 =	vadd.f32 v9, v8;
	_ =	sdelay $0x1  }
0x1e3: {  	[tilespmem:s25+$0x0] =	vst v8  }
0x1e4: {  	v8 =	vld [tilespmem:s24+$0xA0]  }
0x1e5: {  	v9 =	vld [tilespmem:s24+$0x80]  }
0x1e6: {  	v10 =	vld [tilespmem:s29+$0x90]  }
0x1e7: {  	v11 =	vld [tilespmem:s29+$0xA0]  }
0x1e8: {  	v12 =	vld [tilespmem:s29+$0x80]  }
0x1e9: {  	v13 =	vld [tilespmem:s24+$0x90]  }
0x1ea: {  	v15 =	vld [tilespmem:s24+$0xB0]  }
0x1eb: {  	v16 =	vld [tilespmem:s29+$0xB0]  }
0x1ec: {  	v18 =	vld [tilespmem:s24+$0xC0]  }
0x1ed: {  	v11 =	vmul.f32 v11, v8;
	v9 =	vmul.f32 v12, v9;
	v19 =	vld [tilespmem:s29+$0xC0]  }
0x1ee: {  	v10 =	vmul.f32 v10, v13;
	v8 =	vld [tilespmem:s24+$0xD0]  }
.Ltmp1:
0x1ef: {  	v14 =	vmul.f32 v11, v6;
	v13 =	vmul.f32 v9, v3;
	v9 =	vld [tilespmem:s29+$0xD0];
	(pc) =	sbr.rel @p0 .LBB2_4-.Ltmp1, $4  }
0x1f0: {  	v11 =	vmul.f32 v10, v4;
	v15 =	vmul.f32 v16, v15;
	v10 =	vld [tilespmem:s24+$0xE0]  }
0x1f1: {  	v12 =	vld [tilespmem:s29+$0xE0]  }
0x1f2: {  	v17 =	vadd.f32 v11, v13;
	v16 =	vmul.f32 v19, v18;
	v11 =	vld [tilespmem:s24+$0xF0]  }
0x1f3: {  	v15 =	vmul.f32 v15, v7;
	v13 =	vld [tilespmem:s29+$0xF0];
	s29 =	sadd.s32 $0x200, s29  }
0x1f4: {  	v14 =	vadd.f32 v14, v17;
	_ =	sdelay $0x1  }
0x1f5: {  	v16 =	vmul.f32 v16, v5;
	v8 =	vmul.f32 v9, v8;
	v9 =	vadd.f32 v15, v14;
	_ =	sdelay $0x1  }
0x1f6: {  	v10 =	vmul.f32 v12, v10;
	v8 =	vmul.f32 v8, v2;
	v9 =	vadd.f32 v16, v9;
	_ =	sdelay $0x1  }
0x1f7: {  	v11 =	vmul.f32 v13, v11;
	v10 =	vmul.f32 v10, v1;
	v8 =	vadd.f32 v8, v9;
	_ =	sdelay $0x1  }
0x1f8: {  	v9 =	vmul.f32 v11, v0;
	v8 =	vadd.f32 v10, v8;
	_ =	sdelay $0x1  }
0x1f9: {  	v8 =	vadd.f32 v9, v8;
	_ =	sdelay $0x1  }
0x1fa: {  	s24 =	rddreg [dreg:$0x17];
	[tilespmem:s26+$0x80] =	vst v8  }
0x1fb: {  	[hbm4b:s24+s5] =	stream.linear.scatter [tilespmem:s12], [sflag:$0x7], $0x4000, $0x38;
	[tilespmem:$0x1C480] =	vst v63  }
0x1fc: {  	s25 =	simm.s32 $0x4400  }
0x1fd: {  	[tilespmem:s25], [sflag:$0x2] =	stream.indirect.gather [hbm4b:s0+s31], $0x80, s6, s31, $0xb8;
	[tilespmem:$0x1C480] =	vst v63  }
0x1fe: {  	s26 =	simm.s32 $0xC400  }
0x1ff: {  	[tilespmem:s26], [sflag:$0x4] =	stream.indirect.gather [hbm4b:s1+s31], $0x80, s7, s31, $0xb8;
	[tilespmem:$0x1C480] =	vst v63  }
0x200: {  	_ =	swait.ge [sflag:s15], $0x4000  }
0x201: {  	[sflag:s15] =	ssyncset.done $0x0  }
0x202: {  	[sflag:s15] =	ssyncadd.s32 $0xFFFFC000  }
0x203: {  	[tilespmem:s9], [sflag:$0x5] =	stream.indirect.gather [hbm4b:s3+s31], $0x80, s30, s31, $0xb8;
	[tilespmem:$0x1C480] =	vst v63  }
0x204: {  	_ =	swait.ge [sflag:s16], $0x4000  }
0x205: {  	[sflag:s16] =	ssyncset.done $0x0  }
0x206: {  	s25 =	rddreg [dreg:$0x15];
	[sflag:s16] =	ssyncadd.s32 $0xFFFFC000  }
0x207: {  	[hbm4b:s25+s5] =	stream.linear.scatter [tilespmem:s13], [sflag:$0x9], $0x4000, $0x38;
	[tilespmem:$0x1C480] =	vst v63  }
0x208: {  	_ =	swait.ge [sflag:s17], $0x4000  }
0x209: {  	[sflag:s17] =	ssyncset.done $0x0  }
0x20a: {  	[sflag:s17] =	ssyncadd.s32 $0xFFFFC000  }
0x20b: {  	[tilespmem:s13], [sflag:$0x6] =	stream.indirect.gather [hbm4b:s3+s31], $0x80, s19, s31, $0xb8;
	[tilespmem:$0x1C480] =	vst v63  }
0x20c: {  	_ =	swait.ge [sflag:s10], $0x4000  }
0x20d: {  	[sflag:s10] =	ssyncset.done $0x0  }
0x20e: {  	s26 =	rddreg [dreg:$0x16];
	[sflag:s10] =	ssyncadd.s32 $0xFFFFC000  }
0x20f: {  	[hbm4b:s26+s5] =	stream.linear.scatter [tilespmem:s9], [sflag:$0x8], $0x4000, $0x38;
	[tilespmem:$0x1C480] =	vst v63  }
0x210: {  	_ =	swait.ge [sflag:s11], $0x4000  }
0x211: {  	[sflag:s11] =	ssyncset.done $0x0  }
0x212: {  	[sflag:s11] =	ssyncadd.s32 $0xFFFFC000  }
0x213: {  	_ =	swait.ge [sflag:s14], $0x4000  }
0x214: {  	[sflag:s14] =	ssyncset.done $0x0  }
0x215: {  	[sflag:s14] =	ssyncadd.s32 $0xFFFFC000  }
0x216: {  	_ =	swait.ge [sflag:s21], $0x4000  }
0x217: {  	[sflag:s21] =	ssyncset.done $0x0  }
0x218: {  	s24 =	simm.s32 $0x500;
	[sflag:s21] =	ssyncadd.s32 $0xFFFFC000  }
0x219: {  	s26 =	simm.s32 $0x8500;
	v8 =	vld [tilespmem:s24+$0xFFFFFF00]  }
0x21a: {  	v9 =	vld [tilespmem:s26+$0xFFFFFF10]  }
0x21b: {  	v10 =	vld [tilespmem:s24+$0xFFFFFF10]  }
0x21c: {  	v11 =	vld [tilespmem:s26+$0xFFFFFF00]  }
0x21d: {  	v12 =	vld [tilespmem:s26+$0xFFFFFF20]  }
0x21e: {  	v13 =	vld [tilespmem:s24+$0xFFFFFF20];
	_ =	sdelay $0x1  }
0x21f: {  	v14 =	vld [tilespmem:s26+$0xFFFFFF30]  }
0x220: {  	v9 =	vmul.f32 v9, v10;
	v10 =	vld [tilespmem:s24+$0xFFFFFF30]  }
0x221: {  	v15 =	vld [tilespmem:s24+$0xFFFFFF40];
	v8 =	vmul.f32 v11, v8  }
0x222: {  	v11 =	vld [tilespmem:s26+$0xFFFFFF40];
	v12 =	vmul.f32 v12, v13  }
0x223: {  	v16 =	vld [tilespmem:s24+$0xFFFFFF50];
	v9 =	vmul.f32 v9, v4;
	v8 =	vmul.f32 v8, v3  }
0x224: {  	v13 =	vld [tilespmem:s26+$0xFFFFFF50]  }
0x225: {  	v8 =	vadd.f32 v9, v8;
	v9 =	vmul.f32 v12, v6;
	v12 =	vld [tilespmem:s26+$0xFFFFFF60];
	v10 =	vmul.f32 v14, v10  }
0x226: {  	v14 =	vld [tilespmem:s24+$0xFFFFFF60]  }
0x227: {  	v8 =	vadd.f32 v9, v8;
	v9 =	vmul.f32 v10, v7;
	v10 =	vmul.f32 v11, v15;
	v11 =	vld [tilespmem:s26+$0xFFFFFF70]  }
0x228: {  	v15 =	vld [tilespmem:s24+$0xFFFFFF70]  }
0x229: {  	v8 =	vadd.f32 v9, v8;
	v9 =	vmul.f32 v10, v5;
	v10 =	vmul.f32 v13, v16;
	_ =	sdelay $0x1  }
0x22a: {  	v8 =	vadd.f32 v9, v8;
	v9 =	vmul.f32 v10, v2;
	v10 =	vmul.f32 v12, v14;
	_ =	sdelay $0x1  }
0x22b: {  	v8 =	vadd.f32 v9, v8;
	v9 =	vmul.f32 v10, v1;
	v10 =	vmul.f32 v11, v15;
	_ =	sdelay $0x1  }
0x22c: {  	v8 =	vadd.f32 v9, v8;
	v9 =	vmul.f32 v10, v0;
	_ =	sdelay $0x1  }
0x22d: {  	v8 =	vadd.f32 v9, v8  }
0x22e: {  	s25 =	simm.s32 $0x18500  }
0x22f: {  	[tilespmem:s25+$0xFFFFFF00] =	vst v8  }
0x230: {  	v8 =	vld [tilespmem:s26+$0xFFFFFF80]  }
0x231: {  	v9 =	vld [tilespmem:s26+$0xFFFFFF90]  }
0x232: {  	v10 =	vld [tilespmem:s24+$0xFFFFFF90]  }
0x233: {  	v11 =	vld [tilespmem:s24+$0xFFFFFF80]  }
0x234: {  	v12 =	vld [tilespmem:s26+$0xFFFFFFA0]  }
0x235: {  	v13 =	vld [tilespmem:s24+$0xFFFFFFA0];
	_ =	sdelay $0x1  }
0x236: {  	v14 =	vld [tilespmem:s26+$0xFFFFFFB0]  }
0x237: {  	v9 =	vmul.f32 v9, v10;
	v10 =	vld [tilespmem:s24+$0xFFFFFFB0]  }
0x238: {  	v15 =	vld [tilespmem:s24+$0xFFFFFFC0];
	v8 =	vmul.f32 v8, v11  }
0x239: {  	v11 =	vld [tilespmem:s26+$0xFFFFFFC0];
	v12 =	vmul.f32 v12, v13  }
0x23a: {  	v16 =	vld [tilespmem:s24+$0xFFFFFFD0];
	v9 =	vmul.f32 v9, v4;
	v8 =	vmul.f32 v8, v3  }
0x23b: {  	v13 =	vld [tilespmem:s26+$0xFFFFFFD0]  }
0x23c: {  	v17 =	vld [tilespmem:s24+$0xFFFFFFE0];
	v8 =	vadd.f32 v9, v8;
	v9 =	vmul.f32 v12, v6;
	v10 =	vmul.f32 v14, v10  }
0x23d: {  	v12 =	vld [tilespmem:s26+$0xFFFFFFE0]  }
0x23e: {  	v14 =	vld [tilespmem:s24+$0xFFFFFFF0];
	v8 =	vadd.f32 v9, v8;
	v9 =	vmul.f32 v10, v7;
	v10 =	vmul.f32 v11, v15  }
0x23f: {  	v11 =	vld [tilespmem:s26+$0xFFFFFFF0]  }
0x240: {  	v8 =	vadd.f32 v9, v8;
	v9 =	vmul.f32 v10, v5;
	v10 =	vmul.f32 v13, v16;
	_ =	sdelay $0x1  }
0x241: {  	v8 =	vadd.f32 v9, v8;
	v9 =	vmul.f32 v10, v2;
	v10 =	vmul.f32 v12, v17;
	_ =	sdelay $0x1  }
0x242: {  	v8 =	vadd.f32 v9, v8;
	v9 =	vmul.f32 v10, v1;
	v10 =	vmul.f32 v11, v14;
	_ =	sdelay $0x1  }
0x243: {  	v8 =	vadd.f32 v9, v8;
	v9 =	vmul.f32 v10, v0;
	_ =	sdelay $0x1  }
0x244: {  	v8 =	vadd.f32 v9, v8;
	_ =	sdelay $0x1  }
0x245: {  	[tilespmem:s25+$0xFFFFFF80] =	vst v8  }
0x246: {  	v8 =	vld [tilespmem:s24+$0x0]  }
0x247: {  	v9 =	vld [tilespmem:s26+$0x0]  }
0x248: {  	v10 =	vld [tilespmem:s26+$0x10]  }
0x249: {  	v11 =	vld [tilespmem:s24+$0x10]  }
0x24a: {  	v12 =	vld [tilespmem:s26+$0x20]  }
0x24b: {  	v13 =	vld [tilespmem:s24+$0x20];
	_ =	sdelay $0x1  }
0x24c: {  	v14 =	vld [tilespmem:s26+$0x30]  }
0x24d: {  	v8 =	vmul.f32 v9, v8;
	v9 =	vld [tilespmem:s24+$0x30]  }
0x24e: {  	v15 =	vld [tilespmem:s24+$0x40];
	v10 =	vmul.f32 v10, v11  }
0x24f: {  	v11 =	vld [tilespmem:s26+$0x40];
	v12 =	vmul.f32 v12, v13  }
0x250: {  	v16 =	vld [tilespmem:s24+$0x50];
	v8 =	vmul.f32 v8, v3;
	v10 =	vmul.f32 v10, v4  }
0x251: {  	v13 =	vld [tilespmem:s26+$0x50]  }
0x252: {  	v8 =	vadd.f32 v10, v8;
	v10 =	vmul.f32 v12, v6;
	v12 =	vld [tilespmem:s26+$0x60];
	v9 =	vmul.f32 v14, v9  }
0x253: {  	v14 =	vld [tilespmem:s24+$0x60]  }
0x254: {  	v8 =	vadd.f32 v10, v8;
	v10 =	vmul.f32 v11, v15;
	v11 =	vld [tilespmem:s26+$0x70];
	v9 =	vmul.f32 v9, v7  }
0x255: {  	v15 =	vld [tilespmem:s24+$0x70]  }
0x256: {  	v8 =	vadd.f32 v9, v8;
	v9 =	vmul.f32 v10, v5;
	v10 =	vmul.f32 v13, v16;
	_ =	sdelay $0x1  }
0x257: {  	v8 =	vadd.f32 v9, v8;
	v9 =	vmul.f32 v10, v2;
	v10 =	vmul.f32 v12, v14;
	_ =	sdelay $0x1  }
0x258: {  	v8 =	vadd.f32 v9, v8;
	v9 =	vmul.f32 v10, v1;
	v10 =	vmul.f32 v11, v15;
	_ =	sdelay $0x1  }
0x259: {  	v8 =	vadd.f32 v9, v8;
	v9 =	vmul.f32 v10, v0;
	_ =	sdelay $0x1  }
0x25a: {  	v8 =	vadd.f32 v9, v8;
	_ =	sdelay $0x1  }
0x25b: {  	[tilespmem:s25+$0x0] =	vst v8  }
0x25c: {  	v10 =	vld [tilespmem:s24+$0xA0]  }
0x25d: {  	v8 =	vld [tilespmem:s24+$0x80]  }
0x25e: {  	v9 =	vld [tilespmem:s26+$0x90]  }
0x25f: {  	v11 =	vld [tilespmem:s26+$0xA0]  }
0x260: {  	v12 =	vld [tilespmem:s26+$0x80]  }
0x261: {  	v13 =	vld [tilespmem:s24+$0x90]  }
0x262: {  	v14 =	vld [tilespmem:s24+$0xB0]  }
0x263: {  	v15 =	vld [tilespmem:s26+$0xB0]  }
0x264: {  	v16 =	vld [tilespmem:s24+$0xC0]  }
0x265: {  	v18 =	vld [tilespmem:s26+$0xC0]  }
0x266: {  	v12 =	vmul.f32 v12, v8;
	v8 =	vld [tilespmem:s24+$0xD0];
	v13 =	vmul.f32 v9, v13  }
0x267: {  	v9 =	vld [tilespmem:s26+$0xD0];
	v11 =	vmul.f32 v11, v10  }
0x268: {  	v10 =	vld [tilespmem:s24+$0xE0];
	v17 =	vmul.f32 v12, v3;
	v13 =	vmul.f32 v13, v4  }
0x269: {  	v15 =	vmul.f32 v15, v14;
	v12 =	vld [tilespmem:s26+$0xE0]  }
0x26a: {  	v14 =	vmul.f32 v11, v6;
	v11 =	vld [tilespmem:s24+$0xF0];
	v17 =	vadd.f32 v13, v17  }
0x26b: {  	s28 =	simm.s32 $0x0;
	s29 =	simm.s32 $0x8700;
	v16 =	vmul.f32 v18, v16;
	v15 =	vmul.f32 v15, v7;
	v13 =	vld [tilespmem:s26+$0xF0];
	s26 =	simm.s32 $0x18500  }
.LBB2_6:
0x26c: {  	s28 =	sadd.s32 $0x4, s28;
	v14 =	vadd.f32 v14, v17;
	s25 =	sadd.s32 $0x200, s25;
	s24 =	sadd.s32 $0x200, s24  }
0x26d: {  	v16 =	vmul.f32 v16, v5;
	v8 =	vmul.f32 v9, v8;
	p0 =	slt.u32 s28, $0x7C  }
0x26e: {  	v9 =	vadd.f32 v15, v14;
	v10 =	vmul.f32 v12, v10  }
0x26f: {  	v8 =	vmul.f32 v8, v2  }
0x270: {  	v9 =	vadd.f32 v16, v9;
	v11 =	vmul.f32 v13, v11  }
0x271: {  	v10 =	vmul.f32 v10, v1  }
0x272: {  	v8 =	vadd.f32 v8, v9  }
0x273: {  	v9 =	vmul.f32 v11, v0  }
0x274: {  	v8 =	vadd.f32 v10, v8;
	_ =	sdelay $0x1  }
0x275: {  	v8 =	vadd.f32 v9, v8;
	_ =	sdelay $0x1  }
0x276: {  	[tilespmem:s26+$0x80] =	vst v8;
	s26 =	smov.u32 s25;
	_ =	sdelay $0x2  }
0x277: {  	v8 =	vld [tilespmem:s24+$0xFFFFFF00]  }
0x278: {  	v9 =	vld [tilespmem:s29+$0xFFFFFF10]  }
0x279: {  	v10 =	vld [tilespmem:s24+$0xFFFFFF10]  }
0x27a: {  	v11 =	vld [tilespmem:s29+$0xFFFFFF00]  }
0x27b: {  	v12 =	vld [tilespmem:s29+$0xFFFFFF20]  }
0x27c: {  	v13 =	vld [tilespmem:s24+$0xFFFFFF20]  }
0x27d: {  	v14 =	vld [tilespmem:s29+$0xFFFFFF30]  }
0x27e: {  	v9 =	vmul.f32 v9, v10;
	v10 =	vld [tilespmem:s24+$0xFFFFFF30]  }
0x27f: {  	v8 =	vmul.f32 v11, v8;
	v11 =	vld [tilespmem:s29+$0xFFFFFF40]  }
0x280: {  	v9 =	vmul.f32 v9, v4;
	v15 =	vld [tilespmem:s24+$0xFFFFFF40]  }
0x281: {  	v8 =	vmul.f32 v8, v3;
	v12 =	vmul.f32 v12, v13;
	v13 =	vld [tilespmem:s29+$0xFFFFFF50]  }
0x282: {  	v16 =	vld [tilespmem:s24+$0xFFFFFF50]  }
0x283: {  	v8 =	vadd.f32 v9, v8;
	v9 =	vmul.f32 v12, v6;
	v10 =	vmul.f32 v14, v10;
	v12 =	vld [tilespmem:s29+$0xFFFFFF60]  }
0x284: {  	v14 =	vld [tilespmem:s24+$0xFFFFFF60]  }
0x285: {  	v8 =	vadd.f32 v9, v8;
	v9 =	vmul.f32 v10, v7;
	v10 =	vmul.f32 v11, v15;
	v11 =	vld [tilespmem:s29+$0xFFFFFF70]  }
0x286: {  	v15 =	vld [tilespmem:s24+$0xFFFFFF70]  }
0x287: {  	v8 =	vadd.f32 v9, v8;
	v9 =	vmul.f32 v10, v5;
	v10 =	vmul.f32 v13, v16;
	_ =	sdelay $0x1  }
0x288: {  	v8 =	vadd.f32 v9, v8;
	v9 =	vmul.f32 v10, v2;
	v10 =	vmul.f32 v12, v14;
	_ =	sdelay $0x1  }
0x289: {  	v8 =	vadd.f32 v9, v8;
	v9 =	vmul.f32 v10, v1;
	v10 =	vmul.f32 v11, v15;
	_ =	sdelay $0x1  }
0x28a: {  	v8 =	vadd.f32 v9, v8;
	v9 =	vmul.f32 v10, v0;
	_ =	sdelay $0x1  }
0x28b: {  	v8 =	vadd.f32 v9, v8;
	_ =	sdelay $0x1  }
0x28c: {  	[tilespmem:s25+$0xFFFFFF00] =	vst v8  }
0x28d: {  	v8 =	vld [tilespmem:s24+$0xFFFFFFE0]  }
0x28e: {  	v9 =	vld [tilespmem:s29+$0xFFFFFF80]  }
0x28f: {  	v10 =	vld [tilespmem:s29+$0xFFFFFF90]  }
0x290: {  	v11 =	vld [tilespmem:s24+$0xFFFFFF90]  }
0x291: {  	v12 =	vld [tilespmem:s24+$0xFFFFFF80]  }
0x292: {  	v13 =	vld [tilespmem:s29+$0xFFFFFFA0]  }
0x293: {  	v14 =	vld [tilespmem:s24+$0xFFFFFFA0]  }
0x294: {  	v15 =	vld [tilespmem:s29+$0xFFFFFFB0]  }
0x295: {  	v10 =	vmul.f32 v10, v11;
	v11 =	vld [tilespmem:s24+$0xFFFFFFB0]  }
0x296: {  	v9 =	vmul.f32 v9, v12;
	v12 =	vld [tilespmem:s29+$0xFFFFFFC0]  }
0x297: {  	v10 =	vmul.f32 v10, v4;
	v16 =	vld [tilespmem:s24+$0xFFFFFFC0]  }
0x298: {  	v9 =	vmul.f32 v9, v3;
	v13 =	vmul.f32 v13, v14;
	v14 =	vld [tilespmem:s29+$0xFFFFFFD0]  }
0x299: {  	v17 =	vld [tilespmem:s24+$0xFFFFFFD0]  }
0x29a: {  	v9 =	vadd.f32 v10, v9;
	v10 =	vmul.f32 v13, v6;
	v11 =	vmul.f32 v15, v11  }
0x29b: {  	v13 =	vld [tilespmem:s29+$0xFFFFFFE0]  }
0x29c: {  	v9 =	vadd.f32 v10, v9;
	v10 =	vmul.f32 v11, v7;
	v11 =	vmul.f32 v12, v16;
	v12 =	vld [tilespmem:s29+$0xFFFFFFF0]  }
0x29d: {  	v15 =	vld [tilespmem:s24+$0xFFFFFFF0]  }
0x29e: {  	v9 =	vadd.f32 v10, v9;
	v10 =	vmul.f32 v11, v5;
	v11 =	vmul.f32 v14, v17;
	_ =	sdelay $0x1  }
0x29f: {  	v9 =	vadd.f32 v10, v9;
	v10 =	vmul.f32 v11, v2;
	v8 =	vmul.f32 v13, v8;
	_ =	sdelay $0x1  }
0x2a0: {  	v9 =	vadd.f32 v10, v9;
	v8 =	vmul.f32 v8, v1;
	v10 =	vmul.f32 v12, v15;
	_ =	sdelay $0x1  }
0x2a1: {  	v8 =	vadd.f32 v8, v9;
	v9 =	vmul.f32 v10, v0;
	_ =	sdelay $0x1  }
0x2a2: {  	v8 =	vadd.f32 v9, v8;
	_ =	sdelay $0x1  }
0x2a3: {  	[tilespmem:s25+$0xFFFFFF80] =	vst v8  }
0x2a4: {  	v8 =	vld [tilespmem:s24+$0x0]  }
0x2a5: {  	v9 =	vld [tilespmem:s29+$0x0]  }
0x2a6: {  	v10 =	vld [tilespmem:s29+$0x10]  }
0x2a7: {  	v11 =	vld [tilespmem:s24+$0x10]  }
0x2a8: {  	v12 =	vld [tilespmem:s29+$0x20]  }
0x2a9: {  	v13 =	vld [tilespmem:s24+$0x20]  }
0x2aa: {  	v8 =	vmul.f32 v9, v8;
	v9 =	vld [tilespmem:s29+$0x30]  }
0x2ab: {  	v14 =	vld [tilespmem:s24+$0x30]  }
0x2ac: {  	v10 =	vmul.f32 v10, v11;
	v11 =	vld [tilespmem:s29+$0x40]  }
0x2ad: {  	v8 =	vmul.f32 v8, v3;
	v15 =	vld [tilespmem:s24+$0x40]  }
0x2ae: {  	v10 =	vmul.f32 v10, v4;
	v12 =	vmul.f32 v12, v13;
	v13 =	vld [tilespmem:s29+$0x50]  }
0x2af: {  	v16 =	vld [tilespmem:s24+$0x50]  }
0x2b0: {  	v8 =	vadd.f32 v10, v8;
	v10 =	vmul.f32 v12, v6;
	v9 =	vmul.f32 v9, v14;
	v12 =	vld [tilespmem:s29+$0x60]  }
0x2b1: {  	v14 =	vld [tilespmem:s24+$0x60]  }
0x2b2: {  	v8 =	vadd.f32 v10, v8;
	v9 =	vmul.f32 v9, v7;
	v10 =	vmul.f32 v11, v15;
	v11 =	vld [tilespmem:s29+$0x70]  }
0x2b3: {  	v15 =	vld [tilespmem:s24+$0x70]  }
0x2b4: {  	v8 =	vadd.f32 v9, v8;
	v9 =	vmul.f32 v10, v5;
	v10 =	vmul.f32 v13, v16;
	_ =	sdelay $0x1  }
0x2b5: {  	v8 =	vadd.f32 v9, v8;
	v9 =	vmul.f32 v10, v2;
	v10 =	vmul.f32 v12, v14;
	_ =	sdelay $0x1  }
0x2b6: {  	v8 =	vadd.f32 v9, v8;
	v9 =	vmul.f32 v10, v1;
	v10 =	vmul.f32 v11, v15;
	_ =	sdelay $0x1  }
0x2b7: {  	v8 =	vadd.f32 v9, v8;
	v9 =	vmul.f32 v10, v0;
	_ =	sdelay $0x1  }
0x2b8: {  	v8 =	vadd.f32 v9, v8;
	_ =	sdelay $0x1  }
0x2b9: {  	[tilespmem:s25+$0x0] =	vst v8  }
0x2ba: {  	v8 =	vld [tilespmem:s24+$0xA0]  }
0x2bb: {  	v9 =	vld [tilespmem:s24+$0x80]  }
0x2bc: {  	v10 =	vld [tilespmem:s29+$0x90]  }
0x2bd: {  	v11 =	vld [tilespmem:s29+$0xA0]  }
0x2be: {  	v12 =	vld [tilespmem:s29+$0x80]  }
0x2bf: {  	v13 =	vld [tilespmem:s24+$0x90]  }
0x2c0: {  	v15 =	vld [tilespmem:s24+$0xB0]  }
0x2c1: {  	v16 =	vld [tilespmem:s29+$0xB0]  }
0x2c2: {  	v18 =	vld [tilespmem:s24+$0xC0]  }
0x2c3: {  	v11 =	vmul.f32 v11, v8;
	v9 =	vmul.f32 v12, v9;
	v19 =	vld [tilespmem:s29+$0xC0]  }
0x2c4: {  	v10 =	vmul.f32 v10, v13;
	v8 =	vld [tilespmem:s24+$0xD0]  }
.Ltmp2:
0x2c5: {  	v14 =	vmul.f32 v11, v6;
	v13 =	vmul.f32 v9, v3;
	v9 =	vld [tilespmem:s29+$0xD0];
	(pc) =	sbr.rel @p0 .LBB2_6-.Ltmp2, $4  }
0x2c6: {  	v11 =	vmul.f32 v10, v4;
	v15 =	vmul.f32 v16, v15;
	v10 =	vld [tilespmem:s24+$0xE0]  }
0x2c7: {  	v12 =	vld [tilespmem:s29+$0xE0]  }
0x2c8: {  	v17 =	vadd.f32 v11, v13;
	v16 =	vmul.f32 v19, v18;
	v11 =	vld [tilespmem:s24+$0xF0]  }
0x2c9: {  	v15 =	vmul.f32 v15, v7;
	v13 =	vld [tilespmem:s29+$0xF0];
	s29 =	sadd.s32 $0x200, s29  }
0x2ca: {  	v14 =	vadd.f32 v14, v17;
	_ =	sdelay $0x1  }
0x2cb: {  	v16 =	vmul.f32 v16, v5;
	v8 =	vmul.f32 v9, v8;
	v9 =	vadd.f32 v15, v14;
	_ =	sdelay $0x1  }
0x2cc: {  	v10 =	vmul.f32 v12, v10;
	v8 =	vmul.f32 v8, v2;
	v9 =	vadd.f32 v16, v9;
	_ =	sdelay $0x1  }
0x2cd: {  	v11 =	vmul.f32 v13, v11;
	v10 =	vmul.f32 v10, v1;
	v8 =	vadd.f32 v8, v9;
	_ =	sdelay $0x1  }
0x2ce: {  	v9 =	vmul.f32 v11, v0;
	v8 =	vadd.f32 v10, v8;
	_ =	sdelay $0x1  }
0x2cf: {  	v8 =	vadd.f32 v9, v8;
	_ =	sdelay $0x1  }
0x2d0: {  	s24 =	rddreg [dreg:$0x19];
	[tilespmem:s26+$0x80] =	vst v8  }
0x2d1: {  	[hbm4b:s24+s5] =	stream.linear.scatter [tilespmem:s12], [sflag:$0x7], $0x4000, $0x38;
	[tilespmem:$0x1C480] =	vst v63  }
0x2d2: {  	_ =	swait.ge [sflag:s15], $0x4000  }
0x2d3: {  	[sflag:s15] =	ssyncset.done $0x0  }
0x2d4: {  	[sflag:s15] =	ssyncadd.s32 $0xFFFFC000  }
0x2d5: {  	[tilespmem:s9], [sflag:$0x5] =	stream.indirect.gather [hbm4b:s3+s31], $0x80, s4, s31, $0xb8;
	[tilespmem:$0x1C480] =	vst v63  }
0x2d6: {  	_ =	swait.ge [sflag:s16], $0x4000  }
0x2d7: {  	[sflag:s16] =	ssyncset.done $0x0  }
0x2d8: {  	s25 =	rddreg [dreg:$0x18];
	[sflag:s16] =	ssyncadd.s32 $0xFFFFC000  }
0x2d9: {  	[hbm4b:s25+s5] =	stream.linear.scatter [tilespmem:s13], [sflag:$0x9], $0x4000, $0x38;
	[tilespmem:$0x1C480] =	vst v63  }
0x2da: {  	_ =	swait.ge [sflag:s17], $0x4000  }
0x2db: {  	[sflag:s17] =	ssyncset.done $0x0  }
0x2dc: {  	[sflag:s17] =	ssyncadd.s32 $0xFFFFC000  }
0x2dd: {  	[tilespmem:s13], [sflag:$0x6] =	stream.indirect.gather [hbm4b:s3+s31], $0x80, s7, s31, $0xb8;
	[tilespmem:$0x1C480] =	vst v63  }
0x2de: {  	_ =	swait.ge [sflag:s10], $0x4000  }
0x2df: {  	[sflag:s10] =	ssyncset.done $0x0  }
0x2e0: {  	s26 =	rddreg [dreg:$0x1a];
	[sflag:s10] =	ssyncadd.s32 $0xFFFFC000  }
0x2e1: {  	[hbm4b:s26+s5] =	stream.linear.scatter [tilespmem:s9], [sflag:$0x8], $0x4000, $0x38;
	[tilespmem:$0x1C480] =	vst v63  }
0x2e2: {  	_ =	swait.ge [sflag:s18], $0x4000  }
0x2e3: {  	[sflag:s18] =	ssyncset.done $0x0  }
0x2e4: {  	[sflag:s18] =	ssyncadd.s32 $0xFFFFC000  }
0x2e5: {  	_ =	swait.ge [sflag:s20], $0x4000  }
0x2e6: {  	[sflag:s20] =	ssyncset.done $0x0  }
0x2e7: {  	[sflag:s20] =	ssyncadd.s32 $0xFFFFC000  }
0x2e8: {  	_ =	swait.ge [sflag:s21], $0x4000  }
0x2e9: {  	[sflag:s21] =	ssyncset.done $0x0  }
0x2ea: {  	s24 =	simm.s32 $0x4500;
	[sflag:s21] =	ssyncadd.s32 $0xFFFFC000  }
0x2eb: {  	s26 =	simm.s32 $0xC500;
	v8 =	vld [tilespmem:s24+$0xFFFFFF00]  }
0x2ec: {  	v9 =	vld [tilespmem:s26+$0xFFFFFF10]  }
0x2ed: {  	v10 =	vld [tilespmem:s24+$0xFFFFFF10]  }
0x2ee: {  	v11 =	vld [tilespmem:s26+$0xFFFFFF00]  }
0x2ef: {  	v12 =	vld [tilespmem:s26+$0xFFFFFF20]  }
0x2f0: {  	v13 =	vld [tilespmem:s24+$0xFFFFFF20];
	_ =	sdelay $0x1  }
0x2f1: {  	v14 =	vld [tilespmem:s26+$0xFFFFFF30]  }
0x2f2: {  	v9 =	vmul.f32 v9, v10;
	v10 =	vld [tilespmem:s24+$0xFFFFFF30]  }
0x2f3: {  	v15 =	vld [tilespmem:s24+$0xFFFFFF40];
	v8 =	vmul.f32 v11, v8  }
0x2f4: {  	v11 =	vld [tilespmem:s26+$0xFFFFFF40];
	v12 =	vmul.f32 v12, v13  }
0x2f5: {  	v16 =	vld [tilespmem:s24+$0xFFFFFF50];
	v9 =	vmul.f32 v9, v4;
	v8 =	vmul.f32 v8, v3  }
0x2f6: {  	v13 =	vld [tilespmem:s26+$0xFFFFFF50]  }
0x2f7: {  	v8 =	vadd.f32 v9, v8;
	v9 =	vmul.f32 v12, v6;
	v12 =	vld [tilespmem:s26+$0xFFFFFF60];
	v10 =	vmul.f32 v14, v10  }
0x2f8: {  	v14 =	vld [tilespmem:s24+$0xFFFFFF60]  }
0x2f9: {  	v8 =	vadd.f32 v9, v8;
	v9 =	vmul.f32 v10, v7;
	v10 =	vmul.f32 v11, v15;
	v11 =	vld [tilespmem:s26+$0xFFFFFF70]  }
0x2fa: {  	v15 =	vld [tilespmem:s24+$0xFFFFFF70]  }
0x2fb: {  	v8 =	vadd.f32 v9, v8;
	v9 =	vmul.f32 v10, v5;
	v10 =	vmul.f32 v13, v16;
	_ =	sdelay $0x1  }
0x2fc: {  	v8 =	vadd.f32 v9, v8;
	v9 =	vmul.f32 v10, v2;
	v10 =	vmul.f32 v12, v14;
	_ =	sdelay $0x1  }
0x2fd: {  	v8 =	vadd.f32 v9, v8;
	v9 =	vmul.f32 v10, v1;
	v10 =	vmul.f32 v11, v15;
	_ =	sdelay $0x1  }
0x2fe: {  	v8 =	vadd.f32 v9, v8;
	v9 =	vmul.f32 v10, v0;
	_ =	sdelay $0x1  }
0x2ff: {  	v8 =	vadd.f32 v9, v8  }
0x300: {  	s25 =	simm.s32 $0x18500  }
0x301: {  	[tilespmem:s25+$0xFFFFFF00] =	vst v8  }
0x302: {  	v8 =	vld [tilespmem:s26+$0xFFFFFF80]  }
0x303: {  	v9 =	vld [tilespmem:s26+$0xFFFFFF90]  }
0x304: {  	v10 =	vld [tilespmem:s24+$0xFFFFFF90]  }
0x305: {  	v11 =	vld [tilespmem:s24+$0xFFFFFF80]  }
0x306: {  	v12 =	vld [tilespmem:s26+$0xFFFFFFA0]  }
0x307: {  	v13 =	vld [tilespmem:s24+$0xFFFFFFA0];
	_ =	sdelay $0x1  }
0x308: {  	v14 =	vld [tilespmem:s26+$0xFFFFFFB0]  }
0x309: {  	v9 =	vmul.f32 v9, v10;
	v10 =	vld [tilespmem:s24+$0xFFFFFFB0]  }
0x30a: {  	v15 =	vld [tilespmem:s24+$0xFFFFFFC0];
	v8 =	vmul.f32 v8, v11  }
0x30b: {  	v11 =	vld [tilespmem:s26+$0xFFFFFFC0];
	v12 =	vmul.f32 v12, v13  }
0x30c: {  	v16 =	vld [tilespmem:s24+$0xFFFFFFD0];
	v9 =	vmul.f32 v9, v4;
	v8 =	vmul.f32 v8, v3  }
0x30d: {  	v13 =	vld [tilespmem:s26+$0xFFFFFFD0]  }
0x30e: {  	v17 =	vld [tilespmem:s24+$0xFFFFFFE0];
	v8 =	vadd.f32 v9, v8;
	v9 =	vmul.f32 v12, v6;
	v10 =	vmul.f32 v14, v10  }
0x30f: {  	v12 =	vld [tilespmem:s26+$0xFFFFFFE0]  }
0x310: {  	v14 =	vld [tilespmem:s24+$0xFFFFFFF0];
	v8 =	vadd.f32 v9, v8;
	v9 =	vmul.f32 v10, v7;
	v10 =	vmul.f32 v11, v15  }
0x311: {  	v11 =	vld [tilespmem:s26+$0xFFFFFFF0]  }
0x312: {  	v8 =	vadd.f32 v9, v8;
	v9 =	vmul.f32 v10, v5;
	v10 =	vmul.f32 v13, v16;
	_ =	sdelay $0x1  }
0x313: {  	v8 =	vadd.f32 v9, v8;
	v9 =	vmul.f32 v10, v2;
	v10 =	vmul.f32 v12, v17;
	_ =	sdelay $0x1  }
0x314: {  	v8 =	vadd.f32 v9, v8;
	v9 =	vmul.f32 v10, v1;
	v10 =	vmul.f32 v11, v14;
	_ =	sdelay $0x1  }
0x315: {  	v8 =	vadd.f32 v9, v8;
	v9 =	vmul.f32 v10, v0;
	_ =	sdelay $0x1  }
0x316: {  	v8 =	vadd.f32 v9, v8;
	_ =	sdelay $0x1  }
0x317: {  	[tilespmem:s25+$0xFFFFFF80] =	vst v8  }
0x318: {  	v8 =	vld [tilespmem:s24+$0x0]  }
0x319: {  	v9 =	vld [tilespmem:s26+$0x0]  }
0x31a: {  	v10 =	vld [tilespmem:s26+$0x10]  }
0x31b: {  	v11 =	vld [tilespmem:s24+$0x10]  }
0x31c: {  	v12 =	vld [tilespmem:s26+$0x20]  }
0x31d: {  	v13 =	vld [tilespmem:s24+$0x20];
	_ =	sdelay $0x1  }
0x31e: {  	v14 =	vld [tilespmem:s26+$0x30]  }
0x31f: {  	v8 =	vmul.f32 v9, v8;
	v9 =	vld [tilespmem:s24+$0x30]  }
0x320: {  	v15 =	vld [tilespmem:s24+$0x40];
	v10 =	vmul.f32 v10, v11  }
0x321: {  	v11 =	vld [tilespmem:s26+$0x40];
	v12 =	vmul.f32 v12, v13  }
0x322: {  	v16 =	vld [tilespmem:s24+$0x50];
	v8 =	vmul.f32 v8, v3;
	v10 =	vmul.f32 v10, v4  }
0x323: {  	v13 =	vld [tilespmem:s26+$0x50]  }
0x324: {  	v8 =	vadd.f32 v10, v8;
	v10 =	vmul.f32 v12, v6;
	v12 =	vld [tilespmem:s26+$0x60];
	v9 =	vmul.f32 v14, v9  }
0x325: {  	v14 =	vld [tilespmem:s24+$0x60]  }
0x326: {  	v8 =	vadd.f32 v10, v8;
	v10 =	vmul.f32 v11, v15;
	v11 =	vld [tilespmem:s26+$0x70];
	v9 =	vmul.f32 v9, v7  }
0x327: {  	v15 =	vld [tilespmem:s24+$0x70]  }
0x328: {  	v8 =	vadd.f32 v9, v8;
	v9 =	vmul.f32 v10, v5;
	v10 =	vmul.f32 v13, v16;
	_ =	sdelay $0x1  }
0x329: {  	v8 =	vadd.f32 v9, v8;
	v9 =	vmul.f32 v10, v2;
	v10 =	vmul.f32 v12, v14;
	_ =	sdelay $0x1  }
0x32a: {  	v8 =	vadd.f32 v9, v8;
	v9 =	vmul.f32 v10, v1;
	v10 =	vmul.f32 v11, v15;
	_ =	sdelay $0x1  }
0x32b: {  	v8 =	vadd.f32 v9, v8;
	v9 =	vmul.f32 v10, v0;
	_ =	sdelay $0x1  }
0x32c: {  	v8 =	vadd.f32 v9, v8;
	_ =	sdelay $0x1  }
0x32d: {  	[tilespmem:s25+$0x0] =	vst v8  }
0x32e: {  	v10 =	vld [tilespmem:s24+$0xA0]  }
0x32f: {  	v8 =	vld [tilespmem:s24+$0x80]  }
0x330: {  	v9 =	vld [tilespmem:s26+$0x90]  }
0x331: {  	v11 =	vld [tilespmem:s26+$0xA0]  }
0x332: {  	v12 =	vld [tilespmem:s26+$0x80]  }
0x333: {  	v13 =	vld [tilespmem:s24+$0x90]  }
0x334: {  	v14 =	vld [tilespmem:s24+$0xB0]  }
0x335: {  	v15 =	vld [tilespmem:s26+$0xB0]  }
0x336: {  	v16 =	vld [tilespmem:s24+$0xC0]  }
0x337: {  	v18 =	vld [tilespmem:s26+$0xC0]  }
0x338: {  	v12 =	vmul.f32 v12, v8;
	v8 =	vld [tilespmem:s24+$0xD0];
	v13 =	vmul.f32 v9, v13  }
0x339: {  	v9 =	vld [tilespmem:s26+$0xD0];
	v11 =	vmul.f32 v11, v10  }
0x33a: {  	v10 =	vld [tilespmem:s24+$0xE0];
	v17 =	vmul.f32 v12, v3;
	v13 =	vmul.f32 v13, v4  }
0x33b: {  	v15 =	vmul.f32 v15, v14;
	v12 =	vld [tilespmem:s26+$0xE0]  }
0x33c: {  	v14 =	vmul.f32 v11, v6;
	v11 =	vld [tilespmem:s24+$0xF0];
	v17 =	vadd.f32 v13, v17  }
0x33d: {  	s28 =	simm.s32 $0x0;
	s29 =	simm.s32 $0xC700;
	v16 =	vmul.f32 v18, v16;
	v15 =	vmul.f32 v15, v7;
	v13 =	vld [tilespmem:s26+$0xF0];
	s26 =	simm.s32 $0x18500  }
.LBB2_8:
0x33e: {  	s28 =	sadd.s32 $0x4, s28;
	v14 =	vadd.f32 v14, v17;
	s25 =	sadd.s32 $0x200, s25;
	s24 =	sadd.s32 $0x200, s24  }
0x33f: {  	v16 =	vmul.f32 v16, v5;
	v8 =	vmul.f32 v9, v8;
	p0 =	slt.u32 s28, $0x7C  }
0x340: {  	v9 =	vadd.f32 v15, v14;
	v10 =	vmul.f32 v12, v10  }
0x341: {  	v8 =	vmul.f32 v8, v2  }
0x342: {  	v9 =	vadd.f32 v16, v9;
	v11 =	vmul.f32 v13, v11  }
0x343: {  	v10 =	vmul.f32 v10, v1  }
0x344: {  	v8 =	vadd.f32 v8, v9  }
0x345: {  	v9 =	vmul.f32 v11, v0  }
0x346: {  	v8 =	vadd.f32 v10, v8;
	_ =	sdelay $0x1  }
0x347: {  	v8 =	vadd.f32 v9, v8;
	_ =	sdelay $0x1  }
0x348: {  	[tilespmem:s26+$0x80] =	vst v8;
	s26 =	smov.u32 s25;
	_ =	sdelay $0x2  }
0x349: {  	v8 =	vld [tilespmem:s24+$0xFFFFFF00]  }
0x34a: {  	v9 =	vld [tilespmem:s29+$0xFFFFFF10]  }
0x34b: {  	v10 =	vld [tilespmem:s24+$0xFFFFFF10]  }
0x34c: {  	v11 =	vld [tilespmem:s29+$0xFFFFFF00]  }
0x34d: {  	v12 =	vld [tilespmem:s29+$0xFFFFFF20]  }
0x34e: {  	v13 =	vld [tilespmem:s24+$0xFFFFFF20]  }
0x34f: {  	v14 =	vld [tilespmem:s29+$0xFFFFFF30]  }
0x350: {  	v9 =	vmul.f32 v9, v10;
	v10 =	vld [tilespmem:s24+$0xFFFFFF30]  }
0x351: {  	v8 =	vmul.f32 v11, v8;
	v11 =	vld [tilespmem:s29+$0xFFFFFF40]  }
0x352: {  	v9 =	vmul.f32 v9, v4;
	v15 =	vld [tilespmem:s24+$0xFFFFFF40]  }
0x353: {  	v8 =	vmul.f32 v8, v3;
	v12 =	vmul.f32 v12, v13;
	v13 =	vld [tilespmem:s29+$0xFFFFFF50]  }
0x354: {  	v16 =	vld [tilespmem:s24+$0xFFFFFF50]  }
0x355: {  	v8 =	vadd.f32 v9, v8;
	v9 =	vmul.f32 v12, v6;
	v10 =	vmul.f32 v14, v10;
	v12 =	vld [tilespmem:s29+$0xFFFFFF60]  }
0x356: {  	v14 =	vld [tilespmem:s24+$0xFFFFFF60]  }
0x357: {  	v8 =	vadd.f32 v9, v8;
	v9 =	vmul.f32 v10, v7;
	v10 =	vmul.f32 v11, v15;
	v11 =	vld [tilespmem:s29+$0xFFFFFF70]  }
0x358: {  	v15 =	vld [tilespmem:s24+$0xFFFFFF70]  }
0x359: {  	v8 =	vadd.f32 v9, v8;
	v9 =	vmul.f32 v10, v5;
	v10 =	vmul.f32 v13, v16;
	_ =	sdelay $0x1  }
0x35a: {  	v8 =	vadd.f32 v9, v8;
	v9 =	vmul.f32 v10, v2;
	v10 =	vmul.f32 v12, v14;
	_ =	sdelay $0x1  }
0x35b: {  	v8 =	vadd.f32 v9, v8;
	v9 =	vmul.f32 v10, v1;
	v10 =	vmul.f32 v11, v15;
	_ =	sdelay $0x1  }
0x35c: {  	v8 =	vadd.f32 v9, v8;
	v9 =	vmul.f32 v10, v0;
	_ =	sdelay $0x1  }
0x35d: {  	v8 =	vadd.f32 v9, v8;
	_ =	sdelay $0x1  }
0x35e: {  	[tilespmem:s25+$0xFFFFFF00] =	vst v8  }
0x35f: {  	v8 =	vld [tilespmem:s24+$0xFFFFFFE0]  }
0x360: {  	v9 =	vld [tilespmem:s29+$0xFFFFFF80]  }
0x361: {  	v10 =	vld [tilespmem:s29+$0xFFFFFF90]  }
0x362: {  	v11 =	vld [tilespmem:s24+$0xFFFFFF90]  }
0x363: {  	v12 =	vld [tilespmem:s24+$0xFFFFFF80]  }
0x364: {  	v13 =	vld [tilespmem:s29+$0xFFFFFFA0]  }
0x365: {  	v14 =	vld [tilespmem:s24+$0xFFFFFFA0]  }
0x366: {  	v15 =	vld [tilespmem:s29+$0xFFFFFFB0]  }
0x367: {  	v10 =	vmul.f32 v10, v11;
	v11 =	vld [tilespmem:s24+$0xFFFFFFB0]  }
0x368: {  	v9 =	vmul.f32 v9, v12;
	v12 =	vld [tilespmem:s29+$0xFFFFFFC0]  }
0x369: {  	v10 =	vmul.f32 v10, v4;
	v16 =	vld [tilespmem:s24+$0xFFFFFFC0]  }
0x36a: {  	v9 =	vmul.f32 v9, v3;
	v13 =	vmul.f32 v13, v14;
	v14 =	vld [tilespmem:s29+$0xFFFFFFD0]  }
0x36b: {  	v17 =	vld [tilespmem:s24+$0xFFFFFFD0]  }
0x36c: {  	v9 =	vadd.f32 v10, v9;
	v10 =	vmul.f32 v13, v6;
	v11 =	vmul.f32 v15, v11  }
0x36d: {  	v13 =	vld [tilespmem:s29+$0xFFFFFFE0]  }
0x36e: {  	v9 =	vadd.f32 v10, v9;
	v10 =	vmul.f32 v11, v7;
	v11 =	vmul.f32 v12, v16;
	v12 =	vld [tilespmem:s29+$0xFFFFFFF0]  }
0x36f: {  	v15 =	vld [tilespmem:s24+$0xFFFFFFF0]  }
0x370: {  	v9 =	vadd.f32 v10, v9;
	v10 =	vmul.f32 v11, v5;
	v11 =	vmul.f32 v14, v17;
	_ =	sdelay $0x1  }
0x371: {  	v9 =	vadd.f32 v10, v9;
	v10 =	vmul.f32 v11, v2;
	v8 =	vmul.f32 v13, v8;
	_ =	sdelay $0x1  }
0x372: {  	v9 =	vadd.f32 v10, v9;
	v8 =	vmul.f32 v8, v1;
	v10 =	vmul.f32 v12, v15;
	_ =	sdelay $0x1  }
0x373: {  	v8 =	vadd.f32 v8, v9;
	v9 =	vmul.f32 v10, v0;
	_ =	sdelay $0x1  }
0x374: {  	v8 =	vadd.f32 v9, v8;
	_ =	sdelay $0x1  }
0x375: {  	[tilespmem:s25+$0xFFFFFF80] =	vst v8  }
0x376: {  	v8 =	vld [tilespmem:s24+$0x0]  }
0x377: {  	v9 =	vld [tilespmem:s29+$0x0]  }
0x378: {  	v10 =	vld [tilespmem:s29+$0x10]  }
0x379: {  	v11 =	vld [tilespmem:s24+$0x10]  }
0x37a: {  	v12 =	vld [tilespmem:s29+$0x20]  }
0x37b: {  	v13 =	vld [tilespmem:s24+$0x20]  }
0x37c: {  	v8 =	vmul.f32 v9, v8;
	v9 =	vld [tilespmem:s29+$0x30]  }
0x37d: {  	v14 =	vld [tilespmem:s24+$0x30]  }
0x37e: {  	v10 =	vmul.f32 v10, v11;
	v11 =	vld [tilespmem:s29+$0x40]  }
0x37f: {  	v8 =	vmul.f32 v8, v3;
	v15 =	vld [tilespmem:s24+$0x40]  }
0x380: {  	v10 =	vmul.f32 v10, v4;
	v12 =	vmul.f32 v12, v13;
	v13 =	vld [tilespmem:s29+$0x50]  }
0x381: {  	v16 =	vld [tilespmem:s24+$0x50]  }
0x382: {  	v8 =	vadd.f32 v10, v8;
	v10 =	vmul.f32 v12, v6;
	v9 =	vmul.f32 v9, v14;
	v12 =	vld [tilespmem:s29+$0x60]  }
0x383: {  	v14 =	vld [tilespmem:s24+$0x60]  }
0x384: {  	v8 =	vadd.f32 v10, v8;
	v9 =	vmul.f32 v9, v7;
	v10 =	vmul.f32 v11, v15;
	v11 =	vld [tilespmem:s29+$0x70]  }
0x385: {  	v15 =	vld [tilespmem:s24+$0x70]  }
0x386: {  	v8 =	vadd.f32 v9, v8;
	v9 =	vmul.f32 v10, v5;
	v10 =	vmul.f32 v13, v16;
	_ =	sdelay $0x1  }
0x387: {  	v8 =	vadd.f32 v9, v8;
	v9 =	vmul.f32 v10, v2;
	v10 =	vmul.f32 v12, v14;
	_ =	sdelay $0x1  }
0x388: {  	v8 =	vadd.f32 v9, v8;
	v9 =	vmul.f32 v10, v1;
	v10 =	vmul.f32 v11, v15;
	_ =	sdelay $0x1  }
0x389: {  	v8 =	vadd.f32 v9, v8;
	v9 =	vmul.f32 v10, v0;
	_ =	sdelay $0x1  }
0x38a: {  	v8 =	vadd.f32 v9, v8;
	_ =	sdelay $0x1  }
0x38b: {  	[tilespmem:s25+$0x0] =	vst v8  }
0x38c: {  	v8 =	vld [tilespmem:s24+$0xA0]  }
0x38d: {  	v9 =	vld [tilespmem:s24+$0x80]  }
0x38e: {  	v10 =	vld [tilespmem:s29+$0x90]  }
0x38f: {  	v11 =	vld [tilespmem:s29+$0xA0]  }
0x390: {  	v12 =	vld [tilespmem:s29+$0x80]  }
0x391: {  	v13 =	vld [tilespmem:s24+$0x90]  }
0x392: {  	v15 =	vld [tilespmem:s24+$0xB0]  }
0x393: {  	v16 =	vld [tilespmem:s29+$0xB0]  }
0x394: {  	v18 =	vld [tilespmem:s24+$0xC0]  }
0x395: {  	v11 =	vmul.f32 v11, v8;
	v9 =	vmul.f32 v12, v9;
	v19 =	vld [tilespmem:s29+$0xC0]  }
0x396: {  	v10 =	vmul.f32 v10, v13;
	v8 =	vld [tilespmem:s24+$0xD0]  }
.Ltmp3:
0x397: {  	v14 =	vmul.f32 v11, v6;
	v13 =	vmul.f32 v9, v3;
	v9 =	vld [tilespmem:s29+$0xD0];
	(pc) =	sbr.rel @p0 .LBB2_8-.Ltmp3, $4  }
0x398: {  	v11 =	vmul.f32 v10, v4;
	v15 =	vmul.f32 v16, v15;
	v10 =	vld [tilespmem:s24+$0xE0]  }
0x399: {  	v12 =	vld [tilespmem:s29+$0xE0]  }
0x39a: {  	v17 =	vadd.f32 v11, v13;
	v16 =	vmul.f32 v19, v18;
	v11 =	vld [tilespmem:s24+$0xF0]  }
0x39b: {  	v15 =	vmul.f32 v15, v7;
	v13 =	vld [tilespmem:s29+$0xF0];
	s29 =	sadd.s32 $0x200, s29  }
0x39c: {  	v3 =	vadd.f32 v14, v17;
	_ =	sdelay $0x1  }
0x39d: {  	v4 =	vmul.f32 v16, v5;
	v62 =	vmul.f32 v9, v8;
	v3 =	vadd.f32 v15, v3;
	_ =	sdelay $0x1  }
0x39e: {  	v6 =	vmul.f32 v12, v10;
	v2 =	vmul.f32 v62, v2;
	v3 =	vadd.f32 v4, v3;
	_ =	sdelay $0x1  }
0x39f: {  	v63 =	vmul.f32 v13, v11;
	v1 =	vmul.f32 v6, v1;
	v2 =	vadd.f32 v2, v3;
	_ =	sdelay $0x1  }
0x3a0: {  	v0 =	vmul.f32 v63, v0;
	v1 =	vadd.f32 v1, v2;
	_ =	sdelay $0x1  }
0x3a1: {  	v0 =	vadd.f32 v0, v1;
	_ =	sdelay $0x1  }
0x3a2: {  	s24 =	rddreg [dreg:$0x1b];
	[tilespmem:s26+$0x80] =	vst v0  }
0x3a3: {  	[hbm4b:s24+s5] =	stream.linear.scatter [tilespmem:s12], [sflag:$0x7], $0x4000, $0x38;
	[tilespmem:$0x1C480] =	vst v63  }
0x3a4: {  	_ =	swait.ge [sflag:s16], $0x4000  }
0x3a5: {  	[sflag:s16] =	ssyncset.done $0x0  }
0x3a6: {  	s28 =	rddreg [dreg:$0x1c];
	[sflag:s16] =	ssyncadd.s32 $0xFFFFC000  }
0x3a7: {  	[hbm4b:s28+s5] =	stream.linear.scatter [tilespmem:s13], [sflag:$0x9], $0x4000, $0x38;
	[tilespmem:$0x1C480] =	vst v63  }
0x3a8: {  	_ =	swait.ge [sflag:s15], $0x4000  }
0x3a9: {  	[sflag:s15] =	ssyncset.done $0x0  }
0x3aa: {  	[sflag:s15] =	ssyncadd.s32 $0xFFFFC000  }
0x3ab: {  	_ =	swait.ge [sflag:s17], $0x4000  }
0x3ac: {  	[sflag:s17] =	ssyncset.done $0x0  }
0x3ad: {  	[sflag:s17] =	ssyncadd.s32 $0xFFFFC000  }
0x3ae: {  	_ =	swait.ge [sflag:s21], $0x4000  }
0x3af: {  	s22 =	sadd.s32 $0x1, s22;
	s29 =	rddreg [dreg:$0x1d]  }
0x3b0: {  	p0 =	sne.s32 s22, s29  }
.Ltmp4:
0x3b1: {  	_ = 	snop;
	(pc) =	sbr.rel @p0 .LBB2_1-.Ltmp4, $3  }
0x3b2: {  	_ =	sdelay $0x1  }
0x3b3: {  	[sflag:s21] =	ssyncset.done $0x0  }
0x3b4: {  	[sflag:s21] =	ssyncadd.s32 $0xFFFFC000  }
0x3b5: {  	_ =	sfence.sel $0x180000  }
0x3b6: {  	[bflag:$0x0] =	sbarrier.arrive $0xFFFF  }
0x3b7: {  	_ =	strace $0x90000047  }
0x3b8: {  	s0 =	stileid.u32;
	[bflag:$0x2] =	sbarrier.arrive $0xFFFF  }
0x3b9: {  	p0 =	sne.s32 s0, $0x0;
	s0 =	rddreg [dreg:$0x8]  }
0x3ba: {  	s0 =	sadd.s32 @!p0 $0x100000, s0  }
0x3bb: {  	[sflag:s0] =	ssyncadd.tile.s32 @!p0 $0x1;
	_ =	shalt  }
.Lfunc_end2:
_tile_overlayer_lowered:
.L_overlay_start_2:
0x3bc: {  	(tag) =	ssettag $0x2  }
0x3bd: {  	s0 =	rddreg [dreg:$0x0];
	s2 =	stileid.u32  }
0x3be: {  	s1 =	rddreg [dreg:$0x1];
	p0 =	sne.s32 s2, $0x0  }
0x3bf: {  	s3 =	rddreg [dreg:$0x2];
	[bflag:$0x3] =	sbarrier.arrive $0xFFFF;
	s2 =	simm.s32 @!p0 $0x1C0B  }
0x3c0: {  	[timem:s3], [sflag:s2] =	dma.local @!p0 [hbm:s0], s1  }
0x3c1: {  	s0 =	simm.s32 @!p0 $0xB  }
0x3c2: {  	_ =	swait.ge @!p0 [sflag:s0], s1  }
0x3c3: {  	s1 =	ssub.s32 @!p0 $0x0, s1;
	[sflag:s0] =	ssyncset.done @!p0 $0x0  }
0x3c4: {  	[sflag:s0] =	ssyncadd.s32 @!p0 s1  }
0x3c5: {  	[bflag:$0x3] =	sbarrier.arrive $0xFFFF  }
0x3c6: {  	_ =	shalt  }

</sc_bundles>
